<compile_context>
chip_gen: v7x
topology: tpu7x:2x2x1
jax: 0.10.2.dev20260603
libtpu: 0.0.44.dev20260713+nightly
codegen_flags: <defaults>
</compile_context>

<pallas_src>
import functools

import jax
import jax.numpy as jnp
from jax import lax
from jax.experimental import pallas as pl
from jax.experimental.pallas import tpu as pltpu
from jax.experimental.pallas import tpu_sc as plsc


@functools.lru_cache(maxsize=None)
def _make_detiler(vocab: int, dim: int):
    info = plsc.get_sparse_core_info()
    num_cores, num_subcores = info.num_cores, info.num_subcores
    num_workers = num_cores * num_subcores
    lanes = 16
    bw = 128
    full = vocab // bw
    rem = vocab - full * bw
    per_w = full // num_workers
    extra = full - per_w * num_workers

    mesh = plsc.VectorSubcoreMesh(core_axis_name="c", subcore_axis_name="s")

    @functools.partial(
        pl.kernel,
        out_type=jax.ShapeDtypeStruct((vocab * dim,), jnp.float32),
        mesh=mesh,
        scratch_types=[
            pltpu.VMEM((dim, bw), jnp.float32),
            pltpu.VMEM((dim, bw), jnp.float32),
            pltpu.VMEM((bw * dim,), jnp.float32),
            pltpu.VMEM((bw * dim,), jnp.float32),
            pltpu.SemaphoreType.DMA,
            pltpu.SemaphoreType.DMA,
            pltpu.SemaphoreType.DMA,
            pltpu.SemaphoreType.DMA,
        ],
        compiler_params=pltpu.CompilerParams(
            use_tc_tiling_on_sc=True, needs_layout_passes=False
        ),
    )
    def detile_kernel(tt_hbm, tail_hbm, out_hbm, inb0, inb1, ob0, ob1, g0, g1, p0, p1):
        wid = lax.axis_index("s") * num_cores + lax.axis_index("c")
        count = per_w + jnp.where(wid < extra, 1, 0)
        start = wid * per_w + jnp.minimum(wid, extra)

        iota = lax.iota(jnp.int32, lanes)
        iota_d = iota * dim

        def load_block(blk, buf, sem):
            return pltpu.async_copy(
                tt_hbm.at[:, pl.ds(blk * bw, bw)], buf, sem
            )

        def wait_in(sem, buf):
            pltpu.make_async_copy(tt_hbm.at[:, pl.ds(0, bw)], buf, sem).wait()

        def wait_out(ob, sem):
            pltpu.make_async_copy(
                out_hbm.at[pl.ds(0, bw * dim)], ob, sem
            ).wait()

        def transpose_store(buf, ob, blk, psem):
            @plsc.parallel_loop(0, (bw // lanes) * dim, unroll=16)
            def t_body(i):
                g = i // dim
                d = i % dim
                v = buf[d, pl.ds(g * lanes, lanes)]
                plsc.store_scatter(ob, [iota_d + (g * lanes * dim + d)], v)

            return pltpu.async_copy(
                ob, out_hbm.at[pl.ds(blk * bw * dim, bw * dim)], psem
            )

        load_block(start, inb0, g0)

        def body(j, carry):
            k0 = 2 * j
            k1 = 2 * j + 1

            @pl.when(k1 < count)
            def _():
                load_block(start + k1, inb1, g1)

            @pl.when(k0 < count)
            def _():
                wait_in(g0, inb0)

                @pl.when(j > 0)
                def _():
                    wait_out(ob0, p0)

                transpose_store(inb0, ob0, start + k0, p0)

                @pl.when(k0 + 2 < count)
                def _():
                    load_block(start + k0 + 2, inb0, g0)

            @pl.when(k1 < count)
            def _():
                wait_in(g1, inb1)

                @pl.when(j > 0)
                def _():
                    wait_out(ob1, p1)

                transpose_store(inb1, ob1, start + k1, p1)

            return carry

        lax.fori_loop(0, (per_w + 2) // 2, body, 0)
        wait_out(ob0, p0)
        wait_out(ob1, p1)

        if rem:
            @pl.when(wid == num_workers - 1)
            def _():
                pltpu.sync_copy(tail_hbm, inb0)

                @plsc.parallel_loop(0, bw // lanes, unroll=2)
                def r_body(g):
                    base = g * (lanes * dim)
                    for d in range(dim):
                        v = inb0[d, pl.ds(g * lanes, lanes)]
                        plsc.store_scatter(ob0, [iota_d + (base + d)], v)

                pltpu.sync_copy(
                    ob0, out_hbm.at[pl.ds((vocab - bw) * dim, bw * dim)]
                )

    return detile_kernel


@functools.lru_cache(maxsize=None)
def _make_kernel(batch: int, fields: int, vocab: int, dim: int):
    info = plsc.get_sparse_core_info()
    num_cores, num_subcores = info.num_cores, info.num_subcores
    num_workers = num_cores * num_subcores
    lanes = 16
    bt = 128
    n_btiles = batch // bt
    ct_per_w = n_btiles // num_workers
    octets = dim // 8
    groups = bt // lanes
    n_out = batch * fields * dim

    mesh = plsc.VectorSubcoreMesh(core_axis_name="c", subcore_axis_name="s")

    @functools.partial(
        pl.kernel,
        out_type=jax.ShapeDtypeStruct((n_out,), jnp.float32),
        mesh=mesh,
        scratch_types=[
            pltpu.VMEM((fields, ct_per_w * bt), jnp.int32),
            pltpu.VMEM((ct_per_w, bt, dim), jnp.float32),
            pltpu.VMEM((ct_per_w, octets * 8 * bt), jnp.float32),
            pltpu.SemaphoreType.DMA,
        ]
        + [pltpu.SemaphoreType.DMA for _ in range(2 * ct_per_w)],
        compiler_params=pltpu.CompilerParams(
            use_tc_tiling_on_sc=False, needs_layout_passes=False
        ),
    )
    def emb_kernel(idx_hbm, table_hbm, out_hbm, idx_v, rows_v, ostage, sem_i, *sems):
        gsems, psems = sems[:ct_per_w], sems[ct_per_w:]
        wid = lax.axis_index("s") * num_cores + lax.axis_index("c")
        cb = wid * ct_per_w

        pltpu.sync_copy(
            idx_hbm.at[:, pl.ds(cb * bt, ct_per_w * bt)], idx_v
        )

        iota = lax.iota(jnp.int32, lanes)
        cvs = [
            ((iota + k * lanes) // 8) * (8 * bt) + ((iota + k * lanes) % 8) * bt
            for k in range(dim // lanes)
        ]

        def body(f, carry):
            gd = []
            for cc in range(ct_per_w):
                gd.append(
                    pltpu.async_copy(
                        table_hbm.at[idx_v.at[f, pl.ds(cc * bt, bt)]],
                        rows_v.at[cc],
                        gsems[cc],
                    )
                )
            pd = []
            for cc in range(ct_per_w):
                gd[cc].wait()

                @plsc.parallel_loop(0, bt, unroll=4)
                def transpose_body(b, _cc=cc):
                    for k in range(dim // lanes):
                        v = rows_v[_cc, b, pl.ds(k * lanes, lanes)]
                        plsc.store_scatter(ostage.at[_cc], [cvs[k] + b], v)

                for r in range(octets):
                    off = (
                        f * (octets * n_btiles * 8 * bt)
                        + r * (n_btiles * 8 * bt)
                        + (cb + cc) * (8 * bt)
                    )
                    pd.append(
                        pltpu.async_copy(
                            ostage.at[cc, pl.ds(r * 8 * bt, 8 * bt)],
                            out_hbm.at[pl.ds(off, 8 * bt)],
                            psems[cc],
                        )
                    )
            for d in pd:
                d.wait()
            return carry

        lax.fori_loop(0, fields, body, 0)

    return emb_kernel


def kernel(inputs, table):
    batch, fields = inputs.shape
    vocab, dim = table.shape
    idx_t = inputs.T.astype(jnp.int32)
    detile = _make_detiler(vocab, dim)
    table_t = table.T
    table_rm = detile(table_t, table_t[:, vocab - 128 :]).reshape(vocab, dim)
    emb = _make_kernel(batch, fields, vocab, dim)
    out1d = emb(idx_t, table_rm)
    t5 = out1d.reshape(fields, dim // 8, batch // 128, 8, 128)
    return t5.transpose(2, 4, 0, 1, 3).reshape(batch, fields, dim)

# --- scband reference (transcript-rebuilt; emitter-appended) ---
"""Pipeline reference for scband-discrete-embedding-47261820125636 (READ-ONLY COPY).

The authoritative reference and input builder live on the scoring server;
editing this copy changes nothing except your own understanding.
"""

import jax, jax.numpy as jnp
import numpy as np

VOCAB = 1000000
EMBED_DIM = 32
BATCH = 16384
FIELDS = 26

def setup_inputs(seed: int = 0) -> dict:
    key = jax.random.key(seed)
    k_idx, k_tab = jax.random.split(key)
    inputs = jax.random.randint(k_idx, (BATCH, FIELDS), 0, VOCAB, dtype=jnp.int64 if jax.config.jax_enable_x64 else jnp.int32)
    table = jax.random.normal(k_tab, (VOCAB, EMBED_DIM), dtype=jnp.float32) * 0.02
    return {"inputs": inputs, "table": table}

def reference(inputs, table):
    # nn.Embedding forward: gather rows of the table by integer indices
    return jnp.take(table, inputs, axis=0)

if __name__ == "__main__":
    import jax
    _d = setup_inputs()
    print(jax.jit(kernel)(*tuple(_d.values())))

</pallas_src>

<mosaic_0001>
#map = affine_map<(d0, d1) -> (0, 0)>
#map1 = affine_map<(d0, d1) -> (0)>
module attributes {stable_mosaic.version = 14 : i64} {
  func.func @detile_kernel(%arg0: i32, %arg1: i32, %arg2: memref<32x1000000xf32, #tpu.memory_space<hbm>>, %arg3: memref<32x128xf32, #tpu.memory_space<hbm>>, %arg4: memref<32000000xf32, #tpu.memory_space<hbm>>, %arg5: memref<32x128xf32, #tpu.memory_space<vmem>>, %arg6: memref<32x128xf32, #tpu.memory_space<vmem>>, %arg7: memref<4096xf32, #tpu.memory_space<vmem>>, %arg8: memref<4096xf32, #tpu.memory_space<vmem>>, %arg9: memref<!tpu.dma_semaphore, #tpu.memory_space<semaphore_mem>>, %arg10: memref<!tpu.dma_semaphore, #tpu.memory_space<semaphore_mem>>, %arg11: memref<!tpu.dma_semaphore, #tpu.memory_space<semaphore_mem>>, %arg12: memref<!tpu.dma_semaphore, #tpu.memory_space<semaphore_mem>>) attributes {dimension_semantics = [#tpu.dimension_semantics<core_parallel>, #tpu.dimension_semantics<subcore_parallel>], iteration_bounds = array<i64: 2, 16>, scalar_prefetch = 0 : i64, scratch_operands = 8 : i64, tpu.core_type = #tpu.core_type<sc_vector_subcore>, window_params = [{transform_indices = #map}, {transform_indices = #map}, {transform_indices = #map1}]} {
    %mul3A = arith.constant 2 : i32
    %mul3A_0 = arith.muli %arg1, %mul3A : i32
    %add3A = arith.addi %mul3A_0, %arg0 : i32
    %lt3A = arith.constant 4 : i32
    %lt3A_1 = arith.cmpi slt, %add3A, %lt3A : i32
    %jit3A = arith.constant 1 : i32
    %jit3A_2 = arith.constant 0 : i32
    %select_n3A = arith.select %lt3A_1, %jit3A, %jit3A_2 : i32
    %add3A_3 = arith.constant 244 : i32
    %add3A_4 = arith.addi %add3A_3, %select_n3A : i32
    %mul3A_5 = arith.constant 244 : i32
    %mul3A_6 = arith.muli %add3A, %mul3A_5 : i32
    %min3A = arith.constant 4 : i32
    %min3A_7 = arith.minsi %add3A, %min3A : i32
    %add3A_8 = arith.addi %mul3A_6, %min3A_7 : i32
    %iota3A = tpu.iota {dimensions = array<i32: 0>} : vector<16xi32>
    %mul3A_9 = arith.constant 32 : i32
    %mul3A_10 = vector.broadcast %mul3A_9 : i32 to vector<16xi32>
    %mul3A_11 = arith.muli %iota3A, %mul3A_10 : vector<16xi32>
    %mul3A_12 = arith.constant 128 : i32
    %mul3A_13 = arith.muli %add3A_8, %mul3A_12 : i32
    %dma_start3A = arith.constant 0 : i32
    %dma_start3A_14 = tpu.memref_slice %arg2[%dma_start3A, %mul3A_13] : memref<32x1000000xf32, #tpu.memory_space<hbm>> -> memref<32x128xf32, #tpu.memory_space<hbm>>
    %dma_start3A_15 = arith.constant 0 : i32
    %dma_start3A_16 = tpu.memref_slice %arg2[%dma_start3A_15, %mul3A_13] : memref<32x1000000xf32, #tpu.memory_space<hbm>> -> memref<32x128xf32, #tpu.memory_space<hbm>>
    tpu.enqueue_dma source(%dma_start3A_16 : memref<32x128xf32, #tpu.memory_space<hbm>>) target(%arg5 : memref<32x128xf32, #tpu.memory_space<vmem>>) target_semaphore(%arg9 : memref<!tpu.dma_semaphore, #tpu.memory_space<semaphore_mem>>)
    %scan3A = arith.constant 0 : i32
    %scan3A_17 = arith.constant 0 : i32
    %scan3A_18 = arith.constant 123 : i32
    %scan3A_19 = arith.addi %scan3A_17, %scan3A_18 : i32
    %scan3A_20 = arith.constant 1 : i32
    scf.for %scan3A_31 = %scan3A_17 to %scan3A_19 step %scan3A_20  : i32 {
      %mul3A_32 = arith.constant 2 : i32
      %mul3A_33 = arith.muli %mul3A_32, %scan3A_31 : i32
      %mul3A_34 = arith.constant 2 : i32
      %mul3A_35 = arith.muli %mul3A_34, %scan3A_31 : i32
      %add3A_36 = arith.constant 1 : i32
      %add3A_37 = arith.addi %mul3A_35, %add3A_36 : i32
      %lt3A_38 = arith.cmpi slt, %add3A_37, %add3A_4 : i32
      %convert_element_type3A_39 = arith.extui %lt3A_38 : i1 to i32
      %cond3A_40 = arith.constant 0 : i32
      %cond3A_41 = arith.cmpi ne, %convert_element_type3A_39, %cond3A_40 : i32
      scf.if %cond3A_41 {
        %add3A_50 = arith.addi %add3A_8, %add3A_37 : i32
        %mul3A_51 = arith.constant 128 : i32
        %mul3A_52 = arith.muli %add3A_50, %mul3A_51 : i32
        %dma_start3A_53 = arith.constant 0 : i32
        %dma_start3A_54 = tpu.memref_slice %arg2[%dma_start3A_53, %mul3A_52] : memref<32x1000000xf32, #tpu.memory_space<hbm>> -> memref<32x128xf32, #tpu.memory_space<hbm>>
        %dma_start3A_55 = arith.constant 0 : i32
        %dma_start3A_56 = tpu.memref_slice %arg2[%dma_start3A_55, %mul3A_52] : memref<32x1000000xf32, #tpu.memory_space<hbm>> -> memref<32x128xf32, #tpu.memory_space<hbm>>
        tpu.enqueue_dma source(%dma_start3A_56 : memref<32x128xf32, #tpu.memory_space<hbm>>) target(%arg6 : memref<32x128xf32, #tpu.memory_space<vmem>>) target_semaphore(%arg10 : memref<!tpu.dma_semaphore, #tpu.memory_space<semaphore_mem>>)
      } else {
      }
      %lt3A_42 = arith.cmpi slt, %mul3A_33, %add3A_4 : i32
      %convert_element_type3A_43 = arith.extui %lt3A_42 : i1 to i32
      %cond3A_44 = arith.constant 0 : i32
      %cond3A_45 = arith.cmpi ne, %convert_element_type3A_43, %cond3A_44 : i32
      scf.if %cond3A_45 {
        %dma_wait3A_50 = arith.constant 0 : i32
        %dma_wait3A_51 = arith.constant 0 : i32
        %dma_wait3A_52 = tpu.memref_slice %arg2[%dma_wait3A_50, %dma_wait3A_51] : memref<32x1000000xf32, #tpu.memory_space<hbm>> -> memref<32x128xf32, #tpu.memory_space<hbm>>
        %dma_wait3A_53 = arith.constant 0 : i32
        %dma_wait3A_54 = arith.constant 0 : i32
        %dma_wait3A_55 = tpu.memref_slice %arg2[%dma_wait3A_53, %dma_wait3A_54] : memref<32x1000000xf32, #tpu.memory_space<hbm>> -> memref<32x128xf32, #tpu.memory_space<hbm>>
        tpu.wait_dma2 semaphore(%arg9 : memref<!tpu.dma_semaphore, #tpu.memory_space<semaphore_mem>>) src(%dma_wait3A_55 : memref<32x128xf32, #tpu.memory_space<hbm>>) dst(%arg5 : memref<32x128xf32, #tpu.memory_space<vmem>>)
        %gt3A = arith.constant 0 : i32
        %gt3A_56 = arith.cmpi sgt, %scan3A_31, %gt3A : i32
        %convert_element_type3A_57 = arith.extui %gt3A_56 : i1 to i32
        %cond3A_58 = arith.constant 0 : i32
        %cond3A_59 = arith.cmpi ne, %convert_element_type3A_57, %cond3A_58 : i32
        scf.if %cond3A_59 {
          %dma_wait3A_75 = arith.constant 0 : i32
          %dma_wait3A_76 = tpu.memref_slice %arg4[%dma_wait3A_75] : memref<32000000xf32, #tpu.memory_space<hbm>> -> memref<4096xf32, #tpu.memory_space<hbm>>
          %dma_wait3A_77 = arith.constant 0 : i32
          %dma_wait3A_78 = tpu.memref_slice %arg4[%dma_wait3A_77] : memref<32000000xf32, #tpu.memory_space<hbm>> -> memref<4096xf32, #tpu.memory_space<hbm>>
          tpu.wait_dma2 semaphore(%arg11 : memref<!tpu.dma_semaphore, #tpu.memory_space<semaphore_mem>>) src(%dma_wait3A_78 : memref<4096xf32, #tpu.memory_space<hbm>>) dst(%arg7 : memref<4096xf32, #tpu.memory_space<vmem>>)
        } else {
        }
        %add3A_60 = arith.addi %add3A_8, %mul3A_33 : i32
        %parallel_loop3A = arith.constant 0 : i32
        %parallel_loop3A_61 = arith.constant 256 : i32
        %parallel_loop3A_62 = arith.constant 1 : i32
        scf.for %parallel_loop3A_75 = %parallel_loop3A to %parallel_loop3A_61 step %parallel_loop3A_62  : i32 {
          %parallel_loop3A_76 = arith.constant 32 : i32
          %parallel_loop3A_77 = arith.divsi %parallel_loop3A_75, %parallel_loop3A_76 : i32
          %parallel_loop3A_78 = arith.constant 0 : i32
          %parallel_loop3A_79 = arith.cmpi sgt, %parallel_loop3A_75, %parallel_loop3A_78 : i32
          %parallel_loop3A_80 = arith.extui %parallel_loop3A_79 : i1 to i32
          %parallel_loop3A_81 = arith.constant 0 : i32
          %parallel_loop3A_82 = arith.cmpi slt, %parallel_loop3A_75, %parallel_loop3A_81 : i32
          %parallel_loop3A_83 = arith.extui %parallel_loop3A_82 : i1 to i32
          %parallel_loop3A_84 = arith.subi %parallel_loop3A_80, %parallel_loop3A_83 : i32
          %parallel_loop3A_85 = arith.constant 0 : i32
          %parallel_loop3A_86 = arith.cmpi sgt, %parallel_loop3A_76, %parallel_loop3A_85 : i32
          %parallel_loop3A_87 = arith.extui %parallel_loop3A_86 : i1 to i32
          %parallel_loop3A_88 = arith.constant 0 : i32
          %parallel_loop3A_89 = arith.cmpi slt, %parallel_loop3A_76, %parallel_loop3A_88 : i32
          %parallel_loop3A_90 = arith.extui %parallel_loop3A_89 : i1 to i32
          %parallel_loop3A_91 = arith.subi %parallel_loop3A_87, %parallel_loop3A_90 : i32
          %parallel_loop3A_92 = arith.cmpi ne, %parallel_loop3A_84, %parallel_loop3A_91 : i32
          %parallel_loop3A_93 = arith.remsi %parallel_loop3A_75, %parallel_loop3A_76 : i32
          %parallel_loop3A_94 = arith.constant 0 : i32
          %parallel_loop3A_95 = arith.cmpi ne, %parallel_loop3A_93, %parallel_loop3A_94 : i32
          %parallel_loop3A_96 = arith.andi %parallel_loop3A_92, %parallel_loop3A_95 : i1
          %parallel_loop3A_97 = arith.constant 1 : i32
          %parallel_loop3A_98 = arith.subi %parallel_loop3A_77, %parallel_loop3A_97 : i32
          %parallel_loop3A_99 = arith.select %parallel_loop3A_96, %parallel_loop3A_98, %parallel_loop3A_77 : i32
          %parallel_loop3A_100 = arith.constant 32 : i32
          %parallel_loop3A_101 = arith.constant 0 : i32
          %parallel_loop3A_102 = arith.cmpi eq, %parallel_loop3A_100, %parallel_loop3A_101 : i32
          %parallel_loop3A_103 = arith.constant 1 : i32
          %parallel_loop3A_104 = arith.select %parallel_loop3A_102, %parallel_loop3A_103, %parallel_loop3A_100 : i32
          %parallel_loop3A_105 = arith.remsi %parallel_loop3A_75, %parallel_loop3A_104 : i32
          %parallel_loop3A_106 = arith.constant 0 : i32
          %parallel_loop3A_107 = arith.cmpi ne, %parallel_loop3A_105, %parallel_loop3A_106 : i32
          %parallel_loop3A_108 = arith.constant 0 : i32
          %parallel_loop3A_109 = arith.cmpi slt, %parallel_loop3A_105, %parallel_loop3A_108 : i32
          %parallel_loop3A_110 = arith.constant 0 : i32
          %parallel_loop3A_111 = arith.cmpi slt, %parallel_loop3A_104, %parallel_loop3A_110 : i32
          %parallel_loop3A_112 = arith.xori %parallel_loop3A_109, %parallel_loop3A_111 : i1
          %parallel_loop3A_113 = arith.andi %parallel_loop3A_112, %parallel_loop3A_107 : i1
          %parallel_loop3A_114 = arith.addi %parallel_loop3A_105, %parallel_loop3A_104 : i32
          %parallel_loop3A_115 = arith.select %parallel_loop3A_113, %parallel_loop3A_114, %parallel_loop3A_105 : i32
          %parallel_loop3A_116 = arith.constant 16 : i32
          %parallel_loop3A_117 = arith.muli %parallel_loop3A_99, %parallel_loop3A_116 : i32
          %parallel_loop3A_118 = arith.index_cast %parallel_loop3A_115 : i32 to index
          %parallel_loop3A_119 = arith.index_cast %parallel_loop3A_117 : i32 to index
          %parallel_loop3A_120 = tpu.vector_load %arg5[%parallel_loop3A_118, %parallel_loop3A_119] {strides = array<i32>} : memref<32x128xf32, #tpu.memory_space<vmem>>, vector<16xf32>,
          %parallel_loop3A_121 = arith.constant 16 : i32
          %parallel_loop3A_122 = arith.muli %parallel_loop3A_99, %parallel_loop3A_121 : i32
          %parallel_loop3A_123 = arith.constant 32 : i32
          %parallel_loop3A_124 = arith.muli %parallel_loop3A_122, %parallel_loop3A_123 : i32
          %parallel_loop3A_125 = arith.addi %parallel_loop3A_124, %parallel_loop3A_115 : i32
          %parallel_loop3A_126 = vector.broadcast %parallel_loop3A_125 : i32 to vector<16xi32>
          %parallel_loop3A_127 = arith.addi %mul3A_11, %parallel_loop3A_126 : vector<16xi32>
          tpu.vector_store_idx %arg7[%parallel_loop3A_127], %parallel_loop3A_120 : memref<4096xf32, #tpu.memory_space<vmem>>[vector<16xi32>], vector<16xf32>,
        } {sc.loop_unroll_factor = 16 : i64, sc.parallel_access}
        %mul3A_63 = arith.constant 128 : i32
        %mul3A_64 = arith.muli %add3A_60, %mul3A_63 : i32
        %mul3A_65 = arith.constant 32 : i32
        %mul3A_66 = arith.muli %mul3A_64, %mul3A_65 : i32
        %dma_start3A_67 = tpu.memref_slice %arg4[%mul3A_66] : memref<32000000xf32, #tpu.memory_space<hbm>> -> memref<4096xf32, #tpu.memory_space<hbm>>
        %dma_start3A_68 = tpu.memref_slice %arg4[%mul3A_66] : memref<32000000xf32, #tpu.memory_space<hbm>> -> memref<4096xf32, #tpu.memory_space<hbm>>
        tpu.enqueue_dma source(%arg7 : memref<4096xf32, #tpu.memory_space<vmem>>) target(%dma_start3A_68 : memref<4096xf32, #tpu.memory_space<hbm>>) target_semaphore(%arg11 : memref<!tpu.dma_semaphore, #tpu.memory_space<semaphore_mem>>)
        %add3A_69 = arith.constant 2 : i32
        %add3A_70 = arith.addi %mul3A_33, %add3A_69 : i32
        %lt3A_71 = arith.cmpi slt, %add3A_70, %add3A_4 : i32
        %convert_element_type3A_72 = arith.extui %lt3A_71 : i1 to i32
        %cond3A_73 = arith.constant 0 : i32
        %cond3A_74 = arith.cmpi ne, %convert_element_type3A_72, %cond3A_73 : i32
        scf.if %cond3A_74 {
          %add3A_75 = arith.addi %add3A_8, %mul3A_33 : i32
          %add3A_76 = arith.constant 2 : i32
          %add3A_77 = arith.addi %add3A_75, %add3A_76 : i32
          %mul3A_78 = arith.constant 128 : i32
          %mul3A_79 = arith.muli %add3A_77, %mul3A_78 : i32
          %dma_start3A_80 = arith.constant 0 : i32
          %dma_start3A_81 = tpu.memref_slice %arg2[%dma_start3A_80, %mul3A_79] : memref<32x1000000xf32, #tpu.memory_space<hbm>> -> memref<32x128xf32, #tpu.memory_space<hbm>>
          %dma_start3A_82 = arith.constant 0 : i32
          %dma_start3A_83 = tpu.memref_slice %arg2[%dma_start3A_82, %mul3A_79] : memref<32x1000000xf32, #tpu.memory_space<hbm>> -> memref<32x128xf32, #tpu.memory_space<hbm>>
          tpu.enqueue_dma source(%dma_start3A_83 : memref<32x128xf32, #tpu.memory_space<hbm>>) target(%arg5 : memref<32x128xf32, #tpu.memory_space<vmem>>) target_semaphore(%arg9 : memref<!tpu.dma_semaphore, #tpu.memory_space<semaphore_mem>>)
        } else {
        }
      } else {
      }
      %lt3A_46 = arith.cmpi slt, %add3A_37, %add3A_4 : i32
      %convert_element_type3A_47 = arith.extui %lt3A_46 : i1 to i32
      %cond3A_48 = arith.constant 0 : i32
      %cond3A_49 = arith.cmpi ne, %convert_element_type3A_47, %cond3A_48 : i32
      scf.if %cond3A_49 {
        %dma_wait3A_50 = arith.constant 0 : i32
        %dma_wait3A_51 = arith.constant 0 : i32
        %dma_wait3A_52 = tpu.memref_slice %arg2[%dma_wait3A_50, %dma_wait3A_51] : memref<32x1000000xf32, #tpu.memory_space<hbm>> -> memref<32x128xf32, #tpu.memory_space<hbm>>
        %dma_wait3A_53 = arith.constant 0 : i32
        %dma_wait3A_54 = arith.constant 0 : i32
        %dma_wait3A_55 = tpu.memref_slice %arg2[%dma_wait3A_53, %dma_wait3A_54] : memref<32x1000000xf32, #tpu.memory_space<hbm>> -> memref<32x128xf32, #tpu.memory_space<hbm>>
        tpu.wait_dma2 semaphore(%arg10 : memref<!tpu.dma_semaphore, #tpu.memory_space<semaphore_mem>>) src(%dma_wait3A_55 : memref<32x128xf32, #tpu.memory_space<hbm>>) dst(%arg6 : memref<32x128xf32, #tpu.memory_space<vmem>>)
        %gt3A = arith.constant 0 : i32
        %gt3A_56 = arith.cmpi sgt, %scan3A_31, %gt3A : i32
        %convert_element_type3A_57 = arith.extui %gt3A_56 : i1 to i32
        %cond3A_58 = arith.constant 0 : i32
        %cond3A_59 = arith.cmpi ne, %convert_element_type3A_57, %cond3A_58 : i32
        scf.if %cond3A_59 {
          %dma_wait3A_69 = arith.constant 0 : i32
          %dma_wait3A_70 = tpu.memref_slice %arg4[%dma_wait3A_69] : memref<32000000xf32, #tpu.memory_space<hbm>> -> memref<4096xf32, #tpu.memory_space<hbm>>
          %dma_wait3A_71 = arith.constant 0 : i32
          %dma_wait3A_72 = tpu.memref_slice %arg4[%dma_wait3A_71] : memref<32000000xf32, #tpu.memory_space<hbm>> -> memref<4096xf32, #tpu.memory_space<hbm>>
          tpu.wait_dma2 semaphore(%arg12 : memref<!tpu.dma_semaphore, #tpu.memory_space<semaphore_mem>>) src(%dma_wait3A_72 : memref<4096xf32, #tpu.memory_space<hbm>>) dst(%arg8 : memref<4096xf32, #tpu.memory_space<vmem>>)
        } else {
        }
        %add3A_60 = arith.addi %add3A_8, %add3A_37 : i32
        %parallel_loop3A = arith.constant 0 : i32
        %parallel_loop3A_61 = arith.constant 256 : i32
        %parallel_loop3A_62 = arith.constant 1 : i32
        scf.for %parallel_loop3A_69 = %parallel_loop3A to %parallel_loop3A_61 step %parallel_loop3A_62  : i32 {
          %parallel_loop3A_70 = arith.constant 32 : i32
          %parallel_loop3A_71 = arith.divsi %parallel_loop3A_69, %parallel_loop3A_70 : i32
          %parallel_loop3A_72 = arith.constant 0 : i32
          %parallel_loop3A_73 = arith.cmpi sgt, %parallel_loop3A_69, %parallel_loop3A_72 : i32
          %parallel_loop3A_74 = arith.extui %parallel_loop3A_73 : i1 to i32
          %parallel_loop3A_75 = arith.constant 0 : i32
          %parallel_loop3A_76 = arith.cmpi slt, %parallel_loop3A_69, %parallel_loop3A_75 : i32
          %parallel_loop3A_77 = arith.extui %parallel_loop3A_76 : i1 to i32
          %parallel_loop3A_78 = arith.subi %parallel_loop3A_74, %parallel_loop3A_77 : i32
          %parallel_loop3A_79 = arith.constant 0 : i32
          %parallel_loop3A_80 = arith.cmpi sgt, %parallel_loop3A_70, %parallel_loop3A_79 : i32
          %parallel_loop3A_81 = arith.extui %parallel_loop3A_80 : i1 to i32
          %parallel_loop3A_82 = arith.constant 0 : i32
          %parallel_loop3A_83 = arith.cmpi slt, %parallel_loop3A_70, %parallel_loop3A_82 : i32
          %parallel_loop3A_84 = arith.extui %parallel_loop3A_83 : i1 to i32
          %parallel_loop3A_85 = arith.subi %parallel_loop3A_81, %parallel_loop3A_84 : i32
          %parallel_loop3A_86 = arith.cmpi ne, %parallel_loop3A_78, %parallel_loop3A_85 : i32
          %parallel_loop3A_87 = arith.remsi %parallel_loop3A_69, %parallel_loop3A_70 : i32
          %parallel_loop3A_88 = arith.constant 0 : i32
          %parallel_loop3A_89 = arith.cmpi ne, %parallel_loop3A_87, %parallel_loop3A_88 : i32
          %parallel_loop3A_90 = arith.andi %parallel_loop3A_86, %parallel_loop3A_89 : i1
          %parallel_loop3A_91 = arith.constant 1 : i32
          %parallel_loop3A_92 = arith.subi %parallel_loop3A_71, %parallel_loop3A_91 : i32
          %parallel_loop3A_93 = arith.select %parallel_loop3A_90, %parallel_loop3A_92, %parallel_loop3A_71 : i32
          %parallel_loop3A_94 = arith.constant 32 : i32
          %parallel_loop3A_95 = arith.constant 0 : i32
          %parallel_loop3A_96 = arith.cmpi eq, %parallel_loop3A_94, %parallel_loop3A_95 : i32
          %parallel_loop3A_97 = arith.constant 1 : i32
          %parallel_loop3A_98 = arith.select %parallel_loop3A_96, %parallel_loop3A_97, %parallel_loop3A_94 : i32
          %parallel_loop3A_99 = arith.remsi %parallel_loop3A_69, %parallel_loop3A_98 : i32
          %parallel_loop3A_100 = arith.constant 0 : i32
          %parallel_loop3A_101 = arith.cmpi ne, %parallel_loop3A_99, %parallel_loop3A_100 : i32
          %parallel_loop3A_102 = arith.constant 0 : i32
          %parallel_loop3A_103 = arith.cmpi slt, %parallel_loop3A_99, %parallel_loop3A_102 : i32
          %parallel_loop3A_104 = arith.constant 0 : i32
          %parallel_loop3A_105 = arith.cmpi slt, %parallel_loop3A_98, %parallel_loop3A_104 : i32
          %parallel_loop3A_106 = arith.xori %parallel_loop3A_103, %parallel_loop3A_105 : i1
          %parallel_loop3A_107 = arith.andi %parallel_loop3A_106, %parallel_loop3A_101 : i1
          %parallel_loop3A_108 = arith.addi %parallel_loop3A_99, %parallel_loop3A_98 : i32
          %parallel_loop3A_109 = arith.select %parallel_loop3A_107, %parallel_loop3A_108, %parallel_loop3A_99 : i32
          %parallel_loop3A_110 = arith.constant 16 : i32
          %parallel_loop3A_111 = arith.muli %parallel_loop3A_93, %parallel_loop3A_110 : i32
          %parallel_loop3A_112 = arith.index_cast %parallel_loop3A_109 : i32 to index
          %parallel_loop3A_113 = arith.index_cast %parallel_loop3A_111 : i32 to index
          %parallel_loop3A_114 = tpu.vector_load %arg6[%parallel_loop3A_112, %parallel_loop3A_113] {strides = array<i32>} : memref<32x128xf32, #tpu.memory_space<vmem>>, vector<16xf32>,
          %parallel_loop3A_115 = arith.constant 16 : i32
          %parallel_loop3A_116 = arith.muli %parallel_loop3A_93, %parallel_loop3A_115 : i32
          %parallel_loop3A_117 = arith.constant 32 : i32
          %parallel_loop3A_118 = arith.muli %parallel_loop3A_116, %parallel_loop3A_117 : i32
          %parallel_loop3A_119 = arith.addi %parallel_loop3A_118, %parallel_loop3A_109 : i32
          %parallel_loop3A_120 = vector.broadcast %parallel_loop3A_119 : i32 to vector<16xi32>
          %parallel_loop3A_121 = arith.addi %mul3A_11, %parallel_loop3A_120 : vector<16xi32>
          tpu.vector_store_idx %arg8[%parallel_loop3A_121], %parallel_loop3A_114 : memref<4096xf32, #tpu.memory_space<vmem>>[vector<16xi32>], vector<16xf32>,
        } {sc.loop_unroll_factor = 16 : i64, sc.parallel_access}
        %mul3A_63 = arith.constant 128 : i32
        %mul3A_64 = arith.muli %add3A_60, %mul3A_63 : i32
        %mul3A_65 = arith.constant 32 : i32
        %mul3A_66 = arith.muli %mul3A_64, %mul3A_65 : i32
        %dma_start3A_67 = tpu.memref_slice %arg4[%mul3A_66] : memref<32000000xf32, #tpu.memory_space<hbm>> -> memref<4096xf32, #tpu.memory_space<hbm>>
        %dma_start3A_68 = tpu.memref_slice %arg4[%mul3A_66] : memref<32000000xf32, #tpu.memory_space<hbm>> -> memref<4096xf32, #tpu.memory_space<hbm>>
        tpu.enqueue_dma source(%arg8 : memref<4096xf32, #tpu.memory_space<vmem>>) target(%dma_start3A_68 : memref<4096xf32, #tpu.memory_space<hbm>>) target_semaphore(%arg12 : memref<!tpu.dma_semaphore, #tpu.memory_space<semaphore_mem>>)
      } else {
      }
    }
    %scan3A_21 = arith.constant 123 : i32
    %dma_wait3A = arith.constant 0 : i32
    %dma_wait3A_22 = tpu.memref_slice %arg4[%dma_wait3A] : memref<32000000xf32, #tpu.memory_space<hbm>> -> memref<4096xf32, #tpu.memory_space<hbm>>
    %dma_wait3A_23 = arith.constant 0 : i32
    %dma_wait3A_24 = tpu.memref_slice %arg4[%dma_wait3A_23] : memref<32000000xf32, #tpu.memory_space<hbm>> -> memref<4096xf32, #tpu.memory_space<hbm>>
    tpu.wait_dma2 semaphore(%arg11 : memref<!tpu.dma_semaphore, #tpu.memory_space<semaphore_mem>>) src(%dma_wait3A_24 : memref<4096xf32, #tpu.memory_space<hbm>>) dst(%arg7 : memref<4096xf32, #tpu.memory_space<vmem>>)
    %dma_wait3A_25 = arith.constant 0 : i32
    %dma_wait3A_26 = tpu.memref_slice %arg4[%dma_wait3A_25] : memref<32000000xf32, #tpu.memory_space<hbm>> -> memref<4096xf32, #tpu.memory_space<hbm>>
    %dma_wait3A_27 = arith.constant 0 : i32
    %dma_wait3A_28 = tpu.memref_slice %arg4[%dma_wait3A_27] : memref<32000000xf32, #tpu.memory_space<hbm>> -> memref<4096xf32, #tpu.memory_space<hbm>>
    tpu.wait_dma2 semaphore(%arg12 : memref<!tpu.dma_semaphore, #tpu.memory_space<semaphore_mem>>) src(%dma_wait3A_28 : memref<4096xf32, #tpu.memory_space<hbm>>) dst(%arg8 : memref<4096xf32, #tpu.memory_space<vmem>>)
    %eq3A = arith.constant 31 : i32
    %eq3A_29 = arith.cmpi eq, %add3A, %eq3A : i32
    %convert_element_type3A = arith.extui %eq3A_29 : i1 to i32
    %cond3A = arith.constant 0 : i32
    %cond3A_30 = arith.cmpi ne, %convert_element_type3A, %cond3A : i32
    scf.if %cond3A_30 {
      "tpu.region"() ({
        %run_scoped3A = tpu.sem_alloc : memref<!tpu.dma_semaphore, #tpu.memory_space<semaphore_mem>>
        tpu.enqueue_dma source(%arg3 : memref<32x128xf32, #tpu.memory_space<hbm>>) target(%arg5 : memref<32x128xf32, #tpu.memory_space<vmem>>) target_semaphore(%run_scoped3A : memref<!tpu.dma_semaphore, #tpu.memory_space<semaphore_mem>>)
        tpu.wait_dma2 semaphore(%run_scoped3A : memref<!tpu.dma_semaphore, #tpu.memory_space<semaphore_mem>>) src(%arg3 : memref<32x128xf32, #tpu.memory_space<hbm>>) dst(%arg5 : memref<32x128xf32, #tpu.memory_space<vmem>>)
        tpu.yield
      }) : () -> ()
      %parallel_loop3A = arith.constant 0 : i32
      %parallel_loop3A_31 = arith.constant 8 : i32
      %parallel_loop3A_32 = arith.constant 1 : i32
      scf.for %parallel_loop3A_33 = %parallel_loop3A to %parallel_loop3A_31 step %parallel_loop3A_32  : i32 {
        %parallel_loop3A_34 = arith.constant 512 : i32
        %parallel_loop3A_35 = arith.muli %parallel_loop3A_33, %parallel_loop3A_34 : i32
        %parallel_loop3A_36 = arith.constant 16 : i32
        %parallel_loop3A_37 = arith.muli %parallel_loop3A_33, %parallel_loop3A_36 : i32
        %parallel_loop3A_38 = arith.constant 0 : i32
        %parallel_loop3A_39 = arith.index_cast %parallel_loop3A_38 : i32 to index
        %parallel_loop3A_40 = arith.index_cast %parallel_loop3A_37 : i32 to index
        %parallel_loop3A_41 = tpu.vector_load %arg5[%parallel_loop3A_39, %parallel_loop3A_40] {strides = array<i32>} : memref<32x128xf32, #tpu.memory_space<vmem>>, vector<16xf32>,
        %parallel_loop3A_42 = arith.constant 0 : i32
        %parallel_loop3A_43 = arith.addi %parallel_loop3A_35, %parallel_loop3A_42 : i32
        %parallel_loop3A_44 = vector.broadcast %parallel_loop3A_43 : i32 to vector<16xi32>
        %parallel_loop3A_45 = arith.addi %mul3A_11, %parallel_loop3A_44 : vector<16xi32>
        tpu.vector_store_idx %arg7[%parallel_loop3A_45], %parallel_loop3A_41 : memref<4096xf32, #tpu.memory_space<vmem>>[vector<16xi32>], vector<16xf32>,
        %parallel_loop3A_46 = arith.constant 16 : i32
        %parallel_loop3A_47 = arith.muli %parallel_loop3A_33, %parallel_loop3A_46 : i32
        %parallel_loop3A_48 = arith.constant 1 : i32
        %parallel_loop3A_49 = arith.index_cast %parallel_loop3A_48 : i32 to index
        %parallel_loop3A_50 = arith.index_cast %parallel_loop3A_47 : i32 to index
        %parallel_loop3A_51 = tpu.vector_load %arg5[%parallel_loop3A_49, %parallel_loop3A_50] {strides = array<i32>} : memref<32x128xf32, #tpu.memory_space<vmem>>, vector<16xf32>,
        %parallel_loop3A_52 = arith.constant 1 : i32
        %parallel_loop3A_53 = arith.addi %parallel_loop3A_35, %parallel_loop3A_52 : i32
        %parallel_loop3A_54 = vector.broadcast %parallel_loop3A_53 : i32 to vector<16xi32>
        %parallel_loop3A_55 = arith.addi %mul3A_11, %parallel_loop3A_54 : vector<16xi32>
        tpu.vector_store_idx %arg7[%parallel_loop3A_55], %parallel_loop3A_51 : memref<4096xf32, #tpu.memory_space<vmem>>[vector<16xi32>], vector<16xf32>,
        %parallel_loop3A_56 = arith.constant 16 : i32
        %parallel_loop3A_57 = arith.muli %parallel_loop3A_33, %parallel_loop3A_56 : i32
        %parallel_loop3A_58 = arith.constant 2 : i32
        %parallel_loop3A_59 = arith.index_cast %parallel_loop3A_58 : i32 to index
        %parallel_loop3A_60 = arith.index_cast %parallel_loop3A_57 : i32 to index
        %parallel_loop3A_61 = tpu.vector_load %arg5[%parallel_loop3A_59, %parallel_loop3A_60] {strides = array<i32>} : memref<32x128xf32, #tpu.memory_space<vmem>>, vector<16xf32>,
        %parallel_loop3A_62 = arith.constant 2 : i32
        %parallel_loop3A_63 = arith.addi %parallel_loop3A_35, %parallel_loop3A_62 : i32
        %parallel_loop3A_64 = vector.broadcast %parallel_loop3A_63 : i32 to vector<16xi32>
        %parallel_loop3A_65 = arith.addi %mul3A_11, %parallel_loop3A_64 : vector<16xi32>
        tpu.vector_store_idx %arg7[%parallel_loop3A_65], %parallel_loop3A_61 : memref<4096xf32, #tpu.memory_space<vmem>>[vector<16xi32>], vector<16xf32>,
        %parallel_loop3A_66 = arith.constant 16 : i32
        %parallel_loop3A_67 = arith.muli %parallel_loop3A_33, %parallel_loop3A_66 : i32
        %parallel_loop3A_68 = arith.constant 3 : i32
        %parallel_loop3A_69 = arith.index_cast %parallel_loop3A_68 : i32 to index
        %parallel_loop3A_70 = arith.index_cast %parallel_loop3A_67 : i32 to index
        %parallel_loop3A_71 = tpu.vector_load %arg5[%parallel_loop3A_69, %parallel_loop3A_70] {strides = array<i32>} : memref<32x128xf32, #tpu.memory_space<vmem>>, vector<16xf32>,
        %parallel_loop3A_72 = arith.constant 3 : i32
        %parallel_loop3A_73 = arith.addi %parallel_loop3A_35, %parallel_loop3A_72 : i32
        %parallel_loop3A_74 = vector.broadcast %parallel_loop3A_73 : i32 to vector<16xi32>
        %parallel_loop3A_75 = arith.addi %mul3A_11, %parallel_loop3A_74 : vector<16xi32>
        tpu.vector_store_idx %arg7[%parallel_loop3A_75], %parallel_loop3A_71 : memref<4096xf32, #tpu.memory_space<vmem>>[vector<16xi32>], vector<16xf32>,
        %parallel_loop3A_76 = arith.constant 16 : i32
        %parallel_loop3A_77 = arith.muli %parallel_loop3A_33, %parallel_loop3A_76 : i32
        %parallel_loop3A_78 = arith.constant 4 : i32
        %parallel_loop3A_79 = arith.index_cast %parallel_loop3A_78 : i32 to index
        %parallel_loop3A_80 = arith.index_cast %parallel_loop3A_77 : i32 to index
        %parallel_loop3A_81 = tpu.vector_load %arg5[%parallel_loop3A_79, %parallel_loop3A_80] {strides = array<i32>} : memref<32x128xf32, #tpu.memory_space<vmem>>, vector<16xf32>,
        %parallel_loop3A_82 = arith.constant 4 : i32
        %parallel_loop3A_83 = arith.addi %parallel_loop3A_35, %parallel_loop3A_82 : i32
        %parallel_loop3A_84 = vector.broadcast %parallel_loop3A_83 : i32 to vector<16xi32>
        %parallel_loop3A_85 = arith.addi %mul3A_11, %parallel_loop3A_84 : vector<16xi32>
        tpu.vector_store_idx %arg7[%parallel_loop3A_85], %parallel_loop3A_81 : memref<4096xf32, #tpu.memory_space<vmem>>[vector<16xi32>], vector<16xf32>,
        %parallel_loop3A_86 = arith.constant 16 : i32
        %parallel_loop3A_87 = arith.muli %parallel_loop3A_33, %parallel_loop3A_86 : i32
        %parallel_loop3A_88 = arith.constant 5 : i32
        %parallel_loop3A_89 = arith.index_cast %parallel_loop3A_88 : i32 to index
        %parallel_loop3A_90 = arith.index_cast %parallel_loop3A_87 : i32 to index
        %parallel_loop3A_91 = tpu.vector_load %arg5[%parallel_loop3A_89, %parallel_loop3A_90] {strides = array<i32>} : memref<32x128xf32, #tpu.memory_space<vmem>>, vector<16xf32>,
        %parallel_loop3A_92 = arith.constant 5 : i32
        %parallel_loop3A_93 = arith.addi %parallel_loop3A_35, %parallel_loop3A_92 : i32
        %parallel_loop3A_94 = vector.broadcast %parallel_loop3A_93 : i32 to vector<16xi32>
        %parallel_loop3A_95 = arith.addi %mul3A_11, %parallel_loop3A_94 : vector<16xi32>
        tpu.vector_store_idx %arg7[%parallel_loop3A_95], %parallel_loop3A_91 : memref<4096xf32, #tpu.memory_space<vmem>>[vector<16xi32>], vector<16xf32>,
        %parallel_loop3A_96 = arith.constant 16 : i32
        %parallel_loop3A_97 = arith.muli %parallel_loop3A_33, %parallel_loop3A_96 : i32
        %parallel_loop3A_98 = arith.constant 6 : i32
        %parallel_loop3A_99 = arith.index_cast %parallel_loop3A_98 : i32 to index
        %parallel_loop3A_100 = arith.index_cast %parallel_loop3A_97 : i32 to index
        %parallel_loop3A_101 = tpu.vector_load %arg5[%parallel_loop3A_99, %parallel_loop3A_100] {strides = array<i32>} : memref<32x128xf32, #tpu.memory_space<vmem>>, vector<16xf32>,
        %parallel_loop3A_102 = arith.constant 6 : i32
        %parallel_loop3A_103 = arith.addi %parallel_loop3A_35, %parallel_loop3A_102 : i32
        %parallel_loop3A_104 = vector.broadcast %parallel_loop3A_103 : i32 to vector<16xi32>
        %parallel_loop3A_105 = arith.addi %mul3A_11, %parallel_loop3A_104 : vector<16xi32>
        tpu.vector_store_idx %arg7[%parallel_loop3A_105], %parallel_loop3A_101 : memref<4096xf32, #tpu.memory_space<vmem>>[vector<16xi32>], vector<16xf32>,
        %parallel_loop3A_106 = arith.constant 16 : i32
        %parallel_loop3A_107 = arith.muli %parallel_loop3A_33, %parallel_loop3A_106 : i32
        %parallel_loop3A_108 = arith.constant 7 : i32
        %parallel_loop3A_109 = arith.index_cast %parallel_loop3A_108 : i32 to index
        %parallel_loop3A_110 = arith.index_cast %parallel_loop3A_107 : i32 to index
        %parallel_loop3A_111 = tpu.vector_load %arg5[%parallel_loop3A_109, %parallel_loop3A_110] {strides = array<i32>} : memref<32x128xf32, #tpu.memory_space<vmem>>, vector<16xf32>,
        %parallel_loop3A_112 = arith.constant 7 : i32
        %parallel_loop3A_113 = arith.addi %parallel_loop3A_35, %parallel_loop3A_112 : i32
        %parallel_loop3A_114 = vector.broadcast %parallel_loop3A_113 : i32 to vector<16xi32>
        %parallel_loop3A_115 = arith.addi %mul3A_11, %parallel_loop3A_114 : vector<16xi32>
        tpu.vector_store_idx %arg7[%parallel_loop3A_115], %parallel_loop3A_111 : memref<4096xf32, #tpu.memory_space<vmem>>[vector<16xi32>], vector<16xf32>,
        %parallel_loop3A_116 = arith.constant 16 : i32
        %parallel_loop3A_117 = arith.muli %parallel_loop3A_33, %parallel_loop3A_116 : i32
        %parallel_loop3A_118 = arith.constant 8 : i32
        %parallel_loop3A_119 = arith.index_cast %parallel_loop3A_118 : i32 to index
        %parallel_loop3A_120 = arith.index_cast %parallel_loop3A_117 : i32 to index
        %parallel_loop3A_121 = tpu.vector_load %arg5[%parallel_loop3A_119, %parallel_loop3A_120] {strides = array<i32>} : memref<32x128xf32, #tpu.memory_space<vmem>>, vector<16xf32>,
        %parallel_loop3A_122 = arith.constant 8 : i32
        %parallel_loop3A_123 = arith.addi %parallel_loop3A_35, %parallel_loop3A_122 : i32
        %parallel_loop3A_124 = vector.broadcast %parallel_loop3A_123 : i32 to vector<16xi32>
        %parallel_loop3A_125 = arith.addi %mul3A_11, %parallel_loop3A_124 : vector<16xi32>
        tpu.vector_store_idx %arg7[%parallel_loop3A_125], %parallel_loop3A_121 : memref<4096xf32, #tpu.memory_space<vmem>>[vector<16xi32>], vector<16xf32>,
        %parallel_loop3A_126 = arith.constant 16 : i32
        %parallel_loop3A_127 = arith.muli %parallel_loop3A_33, %parallel_loop3A_126 : i32
        %parallel_loop3A_128 = arith.constant 9 : i32
        %parallel_loop3A_129 = arith.index_cast %parallel_loop3A_128 : i32 to index
        %parallel_loop3A_130 = arith.index_cast %parallel_loop3A_127 : i32 to index
        %parallel_loop3A_131 = tpu.vector_load %arg5[%parallel_loop3A_129, %parallel_loop3A_130] {strides = array<i32>} : memref<32x128xf32, #tpu.memory_space<vmem>>, vector<16xf32>,
        %parallel_loop3A_132 = arith.constant 9 : i32
        %parallel_loop3A_133 = arith.addi %parallel_loop3A_35, %parallel_loop3A_132 : i32
        %parallel_loop3A_134 = vector.broadcast %parallel_loop3A_133 : i32 to vector<16xi32>
        %parallel_loop3A_135 = arith.addi %mul3A_11, %parallel_loop3A_134 : vector<16xi32>
        tpu.vector_store_idx %arg7[%parallel_loop3A_135], %parallel_loop3A_131 : memref<4096xf32, #tpu.memory_space<vmem>>[vector<16xi32>], vector<16xf32>,
        %parallel_loop3A_136 = arith.constant 16 : i32
        %parallel_loop3A_137 = arith.muli %parallel_loop3A_33, %parallel_loop3A_136 : i32
        %parallel_loop3A_138 = arith.constant 10 : i32
        %parallel_loop3A_139 = arith.index_cast %parallel_loop3A_138 : i32 to index
        %parallel_loop3A_140 = arith.index_cast %parallel_loop3A_137 : i32 to index
        %parallel_loop3A_141 = tpu.vector_load %arg5[%parallel_loop3A_139, %parallel_loop3A_140] {strides = array<i32>} : memref<32x128xf32, #tpu.memory_space<vmem>>, vector<16xf32>,
        %parallel_loop3A_142 = arith.constant 10 : i32
        %parallel_loop3A_143 = arith.addi %parallel_loop3A_35, %parallel_loop3A_142 : i32
        %parallel_loop3A_144 = vector.broadcast %parallel_loop3A_143 : i32 to vector<16xi32>
        %parallel_loop3A_145 = arith.addi %mul3A_11, %parallel_loop3A_144 : vector<16xi32>
        tpu.vector_store_idx %arg7[%parallel_loop3A_145], %parallel_loop3A_141 : memref<4096xf32, #tpu.memory_space<vmem>>[vector<16xi32>], vector<16xf32>,
        %parallel_loop3A_146 = arith.constant 16 : i32
        %parallel_loop3A_147 = arith.muli %parallel_loop3A_33, %parallel_loop3A_146 : i32
        %parallel_loop3A_148 = arith.constant 11 : i32
        %parallel_loop3A_149 = arith.index_cast %parallel_loop3A_148 : i32 to index
        %parallel_loop3A_150 = arith.index_cast %parallel_loop3A_147 : i32 to index
        %parallel_loop3A_151 = tpu.vector_load %arg5[%parallel_loop3A_149, %parallel_loop3A_150] {strides = array<i32>} : memref<32x128xf32, #tpu.memory_space<vmem>>, vector<16xf32>,
        %parallel_loop3A_152 = arith.constant 11 : i32
        %parallel_loop3A_153 = arith.addi %parallel_loop3A_35, %parallel_loop3A_152 : i32
        %parallel_loop3A_154 = vector.broadcast %parallel_loop3A_153 : i32 to vector<16xi32>
        %parallel_loop3A_155 = arith.addi %mul3A_11, %parallel_loop3A_154 : vector<16xi32>
        tpu.vector_store_idx %arg7[%parallel_loop3A_155], %parallel_loop3A_151 : memref<4096xf32, #tpu.memory_space<vmem>>[vector<16xi32>], vector<16xf32>,
        %parallel_loop3A_156 = arith.constant 16 : i32
        %parallel_loop3A_157 = arith.muli %parallel_loop3A_33, %parallel_loop3A_156 : i32
        %parallel_loop3A_158 = arith.constant 12 : i32
        %parallel_loop3A_159 = arith.index_cast %parallel_loop3A_158 : i32 to index
        %parallel_loop3A_160 = arith.index_cast %parallel_loop3A_157 : i32 to index
        %parallel_loop3A_161 = tpu.vector_load %arg5[%parallel_loop3A_159, %parallel_loop3A_160] {strides = array<i32>} : memref<32x128xf32, #tpu.memory_space<vmem>>, vector<16xf32>,
        %parallel_loop3A_162 = arith.constant 12 : i32
        %parallel_loop3A_163 = arith.addi %parallel_loop3A_35, %parallel_loop3A_162 : i32
        %parallel_loop3A_164 = vector.broadcast %parallel_loop3A_163 : i32 to vector<16xi32>
        %parallel_loop3A_165 = arith.addi %mul3A_11, %parallel_loop3A_164 : vector<16xi32>
        tpu.vector_store_idx %arg7[%parallel_loop3A_165], %parallel_loop3A_161 : memref<4096xf32, #tpu.memory_space<vmem>>[vector<16xi32>], vector<16xf32>,
        %parallel_loop3A_166 = arith.constant 16 : i32
        %parallel_loop3A_167 = arith.muli %parallel_loop3A_33, %parallel_loop3A_166 : i32
        %parallel_loop3A_168 = arith.constant 13 : i32
        %parallel_loop3A_169 = arith.index_cast %parallel_loop3A_168 : i32 to index
        %parallel_loop3A_170 = arith.index_cast %parallel_loop3A_167 : i32 to index
        %parallel_loop3A_171 = tpu.vector_load %arg5[%parallel_loop3A_169, %parallel_loop3A_170] {strides = array<i32>} : memref<32x128xf32, #tpu.memory_space<vmem>>, vector<16xf32>,
        %parallel_loop3A_172 = arith.constant 13 : i32
        %parallel_loop3A_173 = arith.addi %parallel_loop3A_35, %parallel_loop3A_172 : i32
        %parallel_loop3A_174 = vector.broadcast %parallel_loop3A_173 : i32 to vector<16xi32>
        %parallel_loop3A_175 = arith.addi %mul3A_11, %parallel_loop3A_174 : vector<16xi32>
        tpu.vector_store_idx %arg7[%parallel_loop3A_175], %parallel_loop3A_171 : memref<4096xf32, #tpu.memory_space<vmem>>[vector<16xi32>], vector<16xf32>,
        %parallel_loop3A_176 = arith.constant 16 : i32
        %parallel_loop3A_177 = arith.muli %parallel_loop3A_33, %parallel_loop3A_176 : i32
        %parallel_loop3A_178 = arith.constant 14 : i32
        %parallel_loop3A_179 = arith.index_cast %parallel_loop3A_178 : i32 to index
        %parallel_loop3A_180 = arith.index_cast %parallel_loop3A_177 : i32 to index
        %parallel_loop3A_181 = tpu.vector_load %arg5[%parallel_loop3A_179, %parallel_loop3A_180] {strides = array<i32>} : memref<32x128xf32, #tpu.memory_space<vmem>>, vector<16xf32>,
        %parallel_loop3A_182 = arith.constant 14 : i32
        %parallel_loop3A_183 = arith.addi %parallel_loop3A_35, %parallel_loop3A_182 : i32
        %parallel_loop3A_184 = vector.broadcast %parallel_loop3A_183 : i32 to vector<16xi32>
        %parallel_loop3A_185 = arith.addi %mul3A_11, %parallel_loop3A_184 : vector<16xi32>
        tpu.vector_store_idx %arg7[%parallel_loop3A_185], %parallel_loop3A_181 : memref<4096xf32, #tpu.memory_space<vmem>>[vector<16xi32>], vector<16xf32>,
        %parallel_loop3A_186 = arith.constant 16 : i32
        %parallel_loop3A_187 = arith.muli %parallel_loop3A_33, %parallel_loop3A_186 : i32
        %parallel_loop3A_188 = arith.constant 15 : i32
        %parallel_loop3A_189 = arith.index_cast %parallel_loop3A_188 : i32 to index
        %parallel_loop3A_190 = arith.index_cast %parallel_loop3A_187 : i32 to index
        %parallel_loop3A_191 = tpu.vector_load %arg5[%parallel_loop3A_189, %parallel_loop3A_190] {strides = array<i32>} : memref<32x128xf32, #tpu.memory_space<vmem>>, vector<16xf32>,
        %parallel_loop3A_192 = arith.constant 15 : i32
        %parallel_loop3A_193 = arith.addi %parallel_loop3A_35, %parallel_loop3A_192 : i32
        %parallel_loop3A_194 = vector.broadcast %parallel_loop3A_193 : i32 to vector<16xi32>
        %parallel_loop3A_195 = arith.addi %mul3A_11, %parallel_loop3A_194 : vector<16xi32>
        tpu.vector_store_idx %arg7[%parallel_loop3A_195], %parallel_loop3A_191 : memref<4096xf32, #tpu.memory_space<vmem>>[vector<16xi32>], vector<16xf32>,
        %parallel_loop3A_196 = arith.constant 16 : i32
        %parallel_loop3A_197 = arith.muli %parallel_loop3A_33, %parallel_loop3A_196 : i32
        %parallel_loop3A_198 = arith.constant 16 : i32
        %parallel_loop3A_199 = arith.index_cast %parallel_loop3A_198 : i32 to index
        %parallel_loop3A_200 = arith.index_cast %parallel_loop3A_197 : i32 to index
        %parallel_loop3A_201 = tpu.vector_load %arg5[%parallel_loop3A_199, %parallel_loop3A_200] {strides = array<i32>} : memref<32x128xf32, #tpu.memory_space<vmem>>, vector<16xf32>,
        %parallel_loop3A_202 = arith.constant 16 : i32
        %parallel_loop3A_203 = arith.addi %parallel_loop3A_35, %parallel_loop3A_202 : i32
        %parallel_loop3A_204 = vector.broadcast %parallel_loop3A_203 : i32 to vector<16xi32>
        %parallel_loop3A_205 = arith.addi %mul3A_11, %parallel_loop3A_204 : vector<16xi32>
        tpu.vector_store_idx %arg7[%parallel_loop3A_205], %parallel_loop3A_201 : memref<4096xf32, #tpu.memory_space<vmem>>[vector<16xi32>], vector<16xf32>,
        %parallel_loop3A_206 = arith.constant 16 : i32
        %parallel_loop3A_207 = arith.muli %parallel_loop3A_33, %parallel_loop3A_206 : i32
        %parallel_loop3A_208 = arith.constant 17 : i32
        %parallel_loop3A_209 = arith.index_cast %parallel_loop3A_208 : i32 to index
        %parallel_loop3A_210 = arith.index_cast %parallel_loop3A_207 : i32 to index
        %parallel_loop3A_211 = tpu.vector_load %arg5[%parallel_loop3A_209, %parallel_loop3A_210] {strides = array<i32>} : memref<32x128xf32, #tpu.memory_space<vmem>>, vector<16xf32>,
        %parallel_loop3A_212 = arith.constant 17 : i32
        %parallel_loop3A_213 = arith.addi %parallel_loop3A_35, %parallel_loop3A_212 : i32
        %parallel_loop3A_214 = vector.broadcast %parallel_loop3A_213 : i32 to vector<16xi32>
        %parallel_loop3A_215 = arith.addi %mul3A_11, %parallel_loop3A_214 : vector<16xi32>
        tpu.vector_store_idx %arg7[%parallel_loop3A_215], %parallel_loop3A_211 : memref<4096xf32, #tpu.memory_space<vmem>>[vector<16xi32>], vector<16xf32>,
        %parallel_loop3A_216 = arith.constant 16 : i32
        %parallel_loop3A_217 = arith.muli %parallel_loop3A_33, %parallel_loop3A_216 : i32
        %parallel_loop3A_218 = arith.constant 18 : i32
        %parallel_loop3A_219 = arith.index_cast %parallel_loop3A_218 : i32 to index
        %parallel_loop3A_220 = arith.index_cast %parallel_loop3A_217 : i32 to index
        %parallel_loop3A_221 = tpu.vector_load %arg5[%parallel_loop3A_219, %parallel_loop3A_220] {strides = array<i32>} : memref<32x128xf32, #tpu.memory_space<vmem>>, vector<16xf32>,
        %parallel_loop3A_222 = arith.constant 18 : i32
        %parallel_loop3A_223 = arith.addi %parallel_loop3A_35, %parallel_loop3A_222 : i32
        %parallel_loop3A_224 = vector.broadcast %parallel_loop3A_223 : i32 to vector<16xi32>
        %parallel_loop3A_225 = arith.addi %mul3A_11, %parallel_loop3A_224 : vector<16xi32>
        tpu.vector_store_idx %arg7[%parallel_loop3A_225], %parallel_loop3A_221 : memref<4096xf32, #tpu.memory_space<vmem>>[vector<16xi32>], vector<16xf32>,
        %parallel_loop3A_226 = arith.constant 16 : i32
        %parallel_loop3A_227 = arith.muli %parallel_loop3A_33, %parallel_loop3A_226 : i32
        %parallel_loop3A_228 = arith.constant 19 : i32
        %parallel_loop3A_229 = arith.index_cast %parallel_loop3A_228 : i32 to index
        %parallel_loop3A_230 = arith.index_cast %parallel_loop3A_227 : i32 to index
        %parallel_loop3A_231 = tpu.vector_load %arg5[%parallel_loop3A_229, %parallel_loop3A_230] {strides = array<i32>} : memref<32x128xf32, #tpu.memory_space<vmem>>, vector<16xf32>,
        %parallel_loop3A_232 = arith.constant 19 : i32
        %parallel_loop3A_233 = arith.addi %parallel_loop3A_35, %parallel_loop3A_232 : i32
        %parallel_loop3A_234 = vector.broadcast %parallel_loop3A_233 : i32 to vector<16xi32>
        %parallel_loop3A_235 = arith.addi %mul3A_11, %parallel_loop3A_234 : vector<16xi32>
        tpu.vector_store_idx %arg7[%parallel_loop3A_235], %parallel_loop3A_231 : memref<4096xf32, #tpu.memory_space<vmem>>[vector<16xi32>], vector<16xf32>,
        %parallel_loop3A_236 = arith.constant 16 : i32
        %parallel_loop3A_237 = arith.muli %parallel_loop3A_33, %parallel_loop3A_236 : i32
        %parallel_loop3A_238 = arith.constant 20 : i32
        %parallel_loop3A_239 = arith.index_cast %parallel_loop3A_238 : i32 to index
        %parallel_loop3A_240 = arith.index_cast %parallel_loop3A_237 : i32 to index
        %parallel_loop3A_241 = tpu.vector_load %arg5[%parallel_loop3A_239, %parallel_loop3A_240] {strides = array<i32>} : memref<32x128xf32, #tpu.memory_space<vmem>>, vector<16xf32>,
        %parallel_loop3A_242 = arith.constant 20 : i32
        %parallel_loop3A_243 = arith.addi %parallel_loop3A_35, %parallel_loop3A_242 : i32
        %parallel_loop3A_244 = vector.broadcast %parallel_loop3A_243 : i32 to vector<16xi32>
        %parallel_loop3A_245 = arith.addi %mul3A_11, %parallel_loop3A_244 : vector<16xi32>
        tpu.vector_store_idx %arg7[%parallel_loop3A_245], %parallel_loop3A_241 : memref<4096xf32, #tpu.memory_space<vmem>>[vector<16xi32>], vector<16xf32>,
        %parallel_loop3A_246 = arith.constant 16 : i32
        %parallel_loop3A_247 = arith.muli %parallel_loop3A_33, %parallel_loop3A_246 : i32
        %parallel_loop3A_248 = arith.constant 21 : i32
        %parallel_loop3A_249 = arith.index_cast %parallel_loop3A_248 : i32 to index
        %parallel_loop3A_250 = arith.index_cast %parallel_loop3A_247 : i32 to index
        %parallel_loop3A_251 = tpu.vector_load %arg5[%parallel_loop3A_249, %parallel_loop3A_250] {strides = array<i32>} : memref<32x128xf32, #tpu.memory_space<vmem>>, vector<16xf32>,
        %parallel_loop3A_252 = arith.constant 21 : i32
        %parallel_loop3A_253 = arith.addi %parallel_loop3A_35, %parallel_loop3A_252 : i32
        %parallel_loop3A_254 = vector.broadcast %parallel_loop3A_253 : i32 to vector<16xi32>
        %parallel_loop3A_255 = arith.addi %mul3A_11, %parallel_loop3A_254 : vector<16xi32>
        tpu.vector_store_idx %arg7[%parallel_loop3A_255], %parallel_loop3A_251 : memref<4096xf32, #tpu.memory_space<vmem>>[vector<16xi32>], vector<16xf32>,
        %parallel_loop3A_256 = arith.constant 16 : i32
        %parallel_loop3A_257 = arith.muli %parallel_loop3A_33, %parallel_loop3A_256 : i32
        %parallel_loop3A_258 = arith.constant 22 : i32
        %parallel_loop3A_259 = arith.index_cast %parallel_loop3A_258 : i32 to index
        %parallel_loop3A_260 = arith.index_cast %parallel_loop3A_257 : i32 to index
        %parallel_loop3A_261 = tpu.vector_load %arg5[%parallel_loop3A_259, %parallel_loop3A_260] {strides = array<i32>} : memref<32x128xf32, #tpu.memory_space<vmem>>, vector<16xf32>,
        %parallel_loop3A_262 = arith.constant 22 : i32
        %parallel_loop3A_263 = arith.addi %parallel_loop3A_35, %parallel_loop3A_262 : i32
        %parallel_loop3A_264 = vector.broadcast %parallel_loop3A_263 : i32 to vector<16xi32>
        %parallel_loop3A_265 = arith.addi %mul3A_11, %parallel_loop3A_264 : vector<16xi32>
        tpu.vector_store_idx %arg7[%parallel_loop3A_265], %parallel_loop3A_261 : memref<4096xf32, #tpu.memory_space<vmem>>[vector<16xi32>], vector<16xf32>,
        %parallel_loop3A_266 = arith.constant 16 : i32
        %parallel_loop3A_267 = arith.muli %parallel_loop3A_33, %parallel_loop3A_266 : i32
        %parallel_loop3A_268 = arith.constant 23 : i32
        %parallel_loop3A_269 = arith.index_cast %parallel_loop3A_268 : i32 to index
        %parallel_loop3A_270 = arith.index_cast %parallel_loop3A_267 : i32 to index
        %parallel_loop3A_271 = tpu.vector_load %arg5[%parallel_loop3A_269, %parallel_loop3A_270] {strides = array<i32>} : memref<32x128xf32, #tpu.memory_space<vmem>>, vector<16xf32>,
        %parallel_loop3A_272 = arith.constant 23 : i32
        %parallel_loop3A_273 = arith.addi %parallel_loop3A_35, %parallel_loop3A_272 : i32
        %parallel_loop3A_274 = vector.broadcast %parallel_loop3A_273 : i32 to vector<16xi32>
        %parallel_loop3A_275 = arith.addi %mul3A_11, %parallel_loop3A_274 : vector<16xi32>
        tpu.vector_store_idx %arg7[%parallel_loop3A_275], %parallel_loop3A_271 : memref<4096xf32, #tpu.memory_space<vmem>>[vector<16xi32>], vector<16xf32>,
        %parallel_loop3A_276 = arith.constant 16 : i32
        %parallel_loop3A_277 = arith.muli %parallel_loop3A_33, %parallel_loop3A_276 : i32
        %parallel_loop3A_278 = arith.constant 24 : i32
        %parallel_loop3A_279 = arith.index_cast %parallel_loop3A_278 : i32 to index
        %parallel_loop3A_280 = arith.index_cast %parallel_loop3A_277 : i32 to index
        %parallel_loop3A_281 = tpu.vector_load %arg5[%parallel_loop3A_279, %parallel_loop3A_280] {strides = array<i32>} : memref<32x128xf32, #tpu.memory_space<vmem>>, vector<16xf32>,
        %parallel_loop3A_282 = arith.constant 24 : i32
        %parallel_loop3A_283 = arith.addi %parallel_loop3A_35, %parallel_loop3A_282 : i32
        %parallel_loop3A_284 = vector.broadcast %parallel_loop3A_283 : i32 to vector<16xi32>
        %parallel_loop3A_285 = arith.addi %mul3A_11, %parallel_loop3A_284 : vector<16xi32>
        tpu.vector_store_idx %arg7[%parallel_loop3A_285], %parallel_loop3A_281 : memref<4096xf32, #tpu.memory_space<vmem>>[vector<16xi32>], vector<16xf32>,
        %parallel_loop3A_286 = arith.constant 16 : i32
        %parallel_loop3A_287 = arith.muli %parallel_loop3A_33, %parallel_loop3A_286 : i32
        %parallel_loop3A_288 = arith.constant 25 : i32
        %parallel_loop3A_289 = arith.index_cast %parallel_loop3A_288 : i32 to index
        %parallel_loop3A_290 = arith.index_cast %parallel_loop3A_287 : i32 to index
        %parallel_loop3A_291 = tpu.vector_load %arg5[%parallel_loop3A_289, %parallel_loop3A_290] {strides = array<i32>} : memref<32x128xf32, #tpu.memory_space<vmem>>, vector<16xf32>,
        %parallel_loop3A_292 = arith.constant 25 : i32
        %parallel_loop3A_293 = arith.addi %parallel_loop3A_35, %parallel_loop3A_292 : i32
        %parallel_loop3A_294 = vector.broadcast %parallel_loop3A_293 : i32 to vector<16xi32>
        %parallel_loop3A_295 = arith.addi %mul3A_11, %parallel_loop3A_294 : vector<16xi32>
        tpu.vector_store_idx %arg7[%parallel_loop3A_295], %parallel_loop3A_291 : memref<4096xf32, #tpu.memory_space<vmem>>[vector<16xi32>], vector<16xf32>,
        %parallel_loop3A_296 = arith.constant 16 : i32
        %parallel_loop3A_297 = arith.muli %parallel_loop3A_33, %parallel_loop3A_296 : i32
        %parallel_loop3A_298 = arith.constant 26 : i32
        %parallel_loop3A_299 = arith.index_cast %parallel_loop3A_298 : i32 to index
        %parallel_loop3A_300 = arith.index_cast %parallel_loop3A_297 : i32 to index
        %parallel_loop3A_301 = tpu.vector_load %arg5[%parallel_loop3A_299, %parallel_loop3A_300] {strides = array<i32>} : memref<32x128xf32, #tpu.memory_space<vmem>>, vector<16xf32>,
        %parallel_loop3A_302 = arith.constant 26 : i32
        %parallel_loop3A_303 = arith.addi %parallel_loop3A_35, %parallel_loop3A_302 : i32
        %parallel_loop3A_304 = vector.broadcast %parallel_loop3A_303 : i32 to vector<16xi32>
        %parallel_loop3A_305 = arith.addi %mul3A_11, %parallel_loop3A_304 : vector<16xi32>
        tpu.vector_store_idx %arg7[%parallel_loop3A_305], %parallel_loop3A_301 : memref<4096xf32, #tpu.memory_space<vmem>>[vector<16xi32>], vector<16xf32>,
        %parallel_loop3A_306 = arith.constant 16 : i32
        %parallel_loop3A_307 = arith.muli %parallel_loop3A_33, %parallel_loop3A_306 : i32
        %parallel_loop3A_308 = arith.constant 27 : i32
        %parallel_loop3A_309 = arith.index_cast %parallel_loop3A_308 : i32 to index
        %parallel_loop3A_310 = arith.index_cast %parallel_loop3A_307 : i32 to index
        %parallel_loop3A_311 = tpu.vector_load %arg5[%parallel_loop3A_309, %parallel_loop3A_310] {strides = array<i32>} : memref<32x128xf32, #tpu.memory_space<vmem>>, vector<16xf32>,
        %parallel_loop3A_312 = arith.constant 27 : i32
        %parallel_loop3A_313 = arith.addi %parallel_loop3A_35, %parallel_loop3A_312 : i32
        %parallel_loop3A_314 = vector.broadcast %parallel_loop3A_313 : i32 to vector<16xi32>
        %parallel_loop3A_315 = arith.addi %mul3A_11, %parallel_loop3A_314 : vector<16xi32>
        tpu.vector_store_idx %arg7[%parallel_loop3A_315], %parallel_loop3A_311 : memref<4096xf32, #tpu.memory_space<vmem>>[vector<16xi32>], vector<16xf32>,
        %parallel_loop3A_316 = arith.constant 16 : i32
        %parallel_loop3A_317 = arith.muli %parallel_loop3A_33, %parallel_loop3A_316 : i32
        %parallel_loop3A_318 = arith.constant 28 : i32
        %parallel_loop3A_319 = arith.index_cast %parallel_loop3A_318 : i32 to index
        %parallel_loop3A_320 = arith.index_cast %parallel_loop3A_317 : i32 to index
        %parallel_loop3A_321 = tpu.vector_load %arg5[%parallel_loop3A_319, %parallel_loop3A_320] {strides = array<i32>} : memref<32x128xf32, #tpu.memory_space<vmem>>, vector<16xf32>,
        %parallel_loop3A_322 = arith.constant 28 : i32
        %parallel_loop3A_323 = arith.addi %parallel_loop3A_35, %parallel_loop3A_322 : i32
        %parallel_loop3A_324 = vector.broadcast %parallel_loop3A_323 : i32 to vector<16xi32>
        %parallel_loop3A_325 = arith.addi %mul3A_11, %parallel_loop3A_324 : vector<16xi32>
        tpu.vector_store_idx %arg7[%parallel_loop3A_325], %parallel_loop3A_321 : memref<4096xf32, #tpu.memory_space<vmem>>[vector<16xi32>], vector<16xf32>,
        %parallel_loop3A_326 = arith.constant 16 : i32
        %parallel_loop3A_327 = arith.muli %parallel_loop3A_33, %parallel_loop3A_326 : i32
        %parallel_loop3A_328 = arith.constant 29 : i32
        %parallel_loop3A_329 = arith.index_cast %parallel_loop3A_328 : i32 to index
        %parallel_loop3A_330 = arith.index_cast %parallel_loop3A_327 : i32 to index
        %parallel_loop3A_331 = tpu.vector_load %arg5[%parallel_loop3A_329, %parallel_loop3A_330] {strides = array<i32>} : memref<32x128xf32, #tpu.memory_space<vmem>>, vector<16xf32>,
        %parallel_loop3A_332 = arith.constant 29 : i32
        %parallel_loop3A_333 = arith.addi %parallel_loop3A_35, %parallel_loop3A_332 : i32
        %parallel_loop3A_334 = vector.broadcast %parallel_loop3A_333 : i32 to vector<16xi32>
        %parallel_loop3A_335 = arith.addi %mul3A_11, %parallel_loop3A_334 : vector<16xi32>
        tpu.vector_store_idx %arg7[%parallel_loop3A_335], %parallel_loop3A_331 : memref<4096xf32, #tpu.memory_space<vmem>>[vector<16xi32>], vector<16xf32>,
        %parallel_loop3A_336 = arith.constant 16 : i32
        %parallel_loop3A_337 = arith.muli %parallel_loop3A_33, %parallel_loop3A_336 : i32
        %parallel_loop3A_338 = arith.constant 30 : i32
        %parallel_loop3A_339 = arith.index_cast %parallel_loop3A_338 : i32 to index
        %parallel_loop3A_340 = arith.index_cast %parallel_loop3A_337 : i32 to index
        %parallel_loop3A_341 = tpu.vector_load %arg5[%parallel_loop3A_339, %parallel_loop3A_340] {strides = array<i32>} : memref<32x128xf32, #tpu.memory_space<vmem>>, vector<16xf32>,
        %parallel_loop3A_342 = arith.constant 30 : i32
        %parallel_loop3A_343 = arith.addi %parallel_loop3A_35, %parallel_loop3A_342 : i32
        %parallel_loop3A_344 = vector.broadcast %parallel_loop3A_343 : i32 to vector<16xi32>
        %parallel_loop3A_345 = arith.addi %mul3A_11, %parallel_loop3A_344 : vector<16xi32>
        tpu.vector_store_idx %arg7[%parallel_loop3A_345], %parallel_loop3A_341 : memref<4096xf32, #tpu.memory_space<vmem>>[vector<16xi32>], vector<16xf32>,
        %parallel_loop3A_346 = arith.constant 16 : i32
        %parallel_loop3A_347 = arith.muli %parallel_loop3A_33, %parallel_loop3A_346 : i32
        %parallel_loop3A_348 = arith.constant 31 : i32
        %parallel_loop3A_349 = arith.index_cast %parallel_loop3A_348 : i32 to index
        %parallel_loop3A_350 = arith.index_cast %parallel_loop3A_347 : i32 to index
        %parallel_loop3A_351 = tpu.vector_load %arg5[%parallel_loop3A_349, %parallel_loop3A_350] {strides = array<i32>} : memref<32x128xf32, #tpu.memory_space<vmem>>, vector<16xf32>,
        %parallel_loop3A_352 = arith.constant 31 : i32
        %parallel_loop3A_353 = arith.addi %parallel_loop3A_35, %parallel_loop3A_352 : i32
        %parallel_loop3A_354 = vector.broadcast %parallel_loop3A_353 : i32 to vector<16xi32>
        %parallel_loop3A_355 = arith.addi %mul3A_11, %parallel_loop3A_354 : vector<16xi32>
        tpu.vector_store_idx %arg7[%parallel_loop3A_355], %parallel_loop3A_351 : memref<4096xf32, #tpu.memory_space<vmem>>[vector<16xi32>], vector<16xf32>,
      } {sc.loop_unroll_factor = 2 : i64, sc.parallel_access}
      "tpu.region"() ({
        %run_scoped3A = tpu.sem_alloc : memref<!tpu.dma_semaphore, #tpu.memory_space<semaphore_mem>>
        %dma_start3A_33 = arith.constant 31995904 : i32
        %dma_start3A_34 = tpu.memref_slice %arg4[%dma_start3A_33] : memref<32000000xf32, #tpu.memory_space<hbm>> -> memref<4096xf32, #tpu.memory_space<hbm>>
        %dma_start3A_35 = arith.constant 31995904 : i32
        %dma_start3A_36 = tpu.memref_slice %arg4[%dma_start3A_35] : memref<32000000xf32, #tpu.memory_space<hbm>> -> memref<4096xf32, #tpu.memory_space<hbm>>
        tpu.enqueue_dma source(%arg7 : memref<4096xf32, #tpu.memory_space<vmem>>) target(%dma_start3A_36 : memref<4096xf32, #tpu.memory_space<hbm>>) target_semaphore(%run_scoped3A : memref<!tpu.dma_semaphore, #tpu.memory_space<semaphore_mem>>)
        %dma_wait3A_37 = arith.constant 31995904 : i32
        %dma_wait3A_38 = tpu.memref_slice %arg4[%dma_wait3A_37] : memref<32000000xf32, #tpu.memory_space<hbm>> -> memref<4096xf32, #tpu.memory_space<hbm>>
        %dma_wait3A_39 = arith.constant 31995904 : i32
        %dma_wait3A_40 = tpu.memref_slice %arg4[%dma_wait3A_39] : memref<32000000xf32, #tpu.memory_space<hbm>> -> memref<4096xf32, #tpu.memory_space<hbm>>
        tpu.wait_dma2 semaphore(%run_scoped3A : memref<!tpu.dma_semaphore, #tpu.memory_space<semaphore_mem>>) src(%arg7 : memref<4096xf32, #tpu.memory_space<vmem>>) dst(%dma_wait3A_40 : memref<4096xf32, #tpu.memory_space<hbm>>)
        tpu.yield
      }) : () -> ()
    } else {
    }
    return
  }
}

#map = affine_map<(d0, d1) -> (0, 0)>
#map1 = affine_map<(d0, d1) -> (0)>
module attributes {stable_mosaic.version = 14 : i64} {
  func.func @emb_kernel(%arg0: i32, %arg1: i32, %arg2: memref<26x16384xi32, #tpu.memory_space<hbm>>, %arg3: memref<1000000x32xf32, #tpu.memory_space<hbm>>, %arg4: memref<13631488xf32, #tpu.memory_space<hbm>>, %arg5: memref<26x512xi32, #tpu.memory_space<vmem>>, %arg6: memref<4x128x32xf32, #tpu.memory_space<vmem>>, %arg7: memref<4x4096xf32, #tpu.memory_space<vmem>>, %arg8: memref<!tpu.dma_semaphore, #tpu.memory_space<semaphore_mem>>, %arg9: memref<!tpu.dma_semaphore, #tpu.memory_space<semaphore_mem>>, %arg10: memref<!tpu.dma_semaphore, #tpu.memory_space<semaphore_mem>>, %arg11: memref<!tpu.dma_semaphore, #tpu.memory_space<semaphore_mem>>, %arg12: memref<!tpu.dma_semaphore, #tpu.memory_space<semaphore_mem>>, %arg13: memref<!tpu.dma_semaphore, #tpu.memory_space<semaphore_mem>>, %arg14: memref<!tpu.dma_semaphore, #tpu.memory_space<semaphore_mem>>, %arg15: memref<!tpu.dma_semaphore, #tpu.memory_space<semaphore_mem>>, %arg16: memref<!tpu.dma_semaphore, #tpu.memory_space<semaphore_mem>>) attributes {dimension_semantics = [#tpu.dimension_semantics<core_parallel>, #tpu.dimension_semantics<subcore_parallel>], iteration_bounds = array<i64: 2, 16>, scalar_prefetch = 0 : i64, scratch_operands = 12 : i64, tpu.core_type = #tpu.core_type<sc_vector_subcore>, window_params = [{transform_indices = #map}, {transform_indices = #map}, {transform_indices = #map1}]} {
    %mul3A = arith.constant 2 : i32
    %mul3A_0 = arith.muli %arg1, %mul3A : i32
    %add3A = arith.addi %mul3A_0, %arg0 : i32
    %mul3A_1 = arith.constant 4 : i32
    %mul3A_2 = arith.muli %add3A, %mul3A_1 : i32
    %mul3A_3 = arith.constant 128 : i32
    %mul3A_4 = arith.muli %mul3A_2, %mul3A_3 : i32
    "tpu.region"() ({
      %run_scoped3A = tpu.sem_alloc : memref<!tpu.dma_semaphore, #tpu.memory_space<semaphore_mem>>
      %dma_start3A = arith.constant 0 : i32
      %dma_start3A_132 = tpu.memref_slice %arg2[%dma_start3A, %mul3A_4] : memref<26x16384xi32, #tpu.memory_space<hbm>> -> memref<26x512xi32, #tpu.memory_space<hbm>>
      %dma_start3A_133 = arith.constant 0 : i32
      %dma_start3A_134 = tpu.memref_slice %arg2[%dma_start3A_133, %mul3A_4] : memref<26x16384xi32, #tpu.memory_space<hbm>> -> memref<26x512xi32, #tpu.memory_space<hbm>>
      tpu.enqueue_dma source(%dma_start3A_134 : memref<26x512xi32, #tpu.memory_space<hbm>>) target(%arg5 : memref<26x512xi32, #tpu.memory_space<vmem>>) target_semaphore(%run_scoped3A : memref<!tpu.dma_semaphore, #tpu.memory_space<semaphore_mem>>)
      %dma_wait3A = arith.constant 0 : i32
      %dma_wait3A_135 = tpu.memref_slice %arg2[%dma_wait3A, %mul3A_4] : memref<26x16384xi32, #tpu.memory_space<hbm>> -> memref<26x512xi32, #tpu.memory_space<hbm>>
      %dma_wait3A_136 = arith.constant 0 : i32
      %dma_wait3A_137 = tpu.memref_slice %arg2[%dma_wait3A_136, %mul3A_4] : memref<26x16384xi32, #tpu.memory_space<hbm>> -> memref<26x512xi32, #tpu.memory_space<hbm>>
      tpu.wait_dma2 semaphore(%run_scoped3A : memref<!tpu.dma_semaphore, #tpu.memory_space<semaphore_mem>>) src(%dma_wait3A_137 : memref<26x512xi32, #tpu.memory_space<hbm>>) dst(%arg5 : memref<26x512xi32, #tpu.memory_space<vmem>>)
      tpu.yield
    }) : () -> ()
    %iota3A = tpu.iota {dimensions = array<i32: 0>} : vector<16xi32>
    %add3A_5 = arith.constant 0 : i32
    %add3A_6 = vector.broadcast %add3A_5 : i32 to vector<16xi32>
    %add3A_7 = arith.addi %iota3A, %add3A_6 : vector<16xi32>
    %jit3A = arith.constant 8 : i32
    %div3A = vector.broadcast %jit3A : i32 to vector<16xi32>
    %div3A_8 = arith.divsi %add3A_7, %div3A : vector<16xi32>
    %sign3A = arith.constant 0 : i32
    %sign3A_9 = vector.broadcast %sign3A : i32 to vector<16xi32>
    %sign3A_10 = arith.cmpi sgt, %add3A_7, %sign3A_9 : vector<16xi32>
    %sign3A_11 = arith.extui %sign3A_10 : vector<16xi1> to vector<16xi32>
    %sign3A_12 = arith.constant 0 : i32
    %sign3A_13 = vector.broadcast %sign3A_12 : i32 to vector<16xi32>
    %sign3A_14 = arith.cmpi slt, %add3A_7, %sign3A_13 : vector<16xi32>
    %sign3A_15 = arith.extui %sign3A_14 : vector<16xi1> to vector<16xi32>
    %sign3A_16 = arith.subi %sign3A_11, %sign3A_15 : vector<16xi32>
    %sign3A_17 = arith.constant 0 : i32
    %sign3A_18 = arith.cmpi sgt, %jit3A, %sign3A_17 : i32
    %sign3A_19 = arith.extui %sign3A_18 : i1 to i32
    %sign3A_20 = arith.constant 0 : i32
    %sign3A_21 = arith.cmpi slt, %jit3A, %sign3A_20 : i32
    %sign3A_22 = arith.extui %sign3A_21 : i1 to i32
    %sign3A_23 = arith.subi %sign3A_19, %sign3A_22 : i32
    %ne3A = vector.broadcast %sign3A_23 : i32 to vector<16xi32>
    %ne3A_24 = arith.cmpi ne, %sign3A_16, %ne3A : vector<16xi32>
    %rem3A = vector.broadcast %jit3A : i32 to vector<16xi32>
    %rem3A_25 = arith.remsi %add3A_7, %rem3A : vector<16xi32>
    %ne3A_26 = arith.constant 0 : i32
    %ne3A_27 = vector.broadcast %ne3A_26 : i32 to vector<16xi32>
    %ne3A_28 = arith.cmpi ne, %rem3A_25, %ne3A_27 : vector<16xi32>
    %and3A = arith.andi %ne3A_24, %ne3A_28 : vector<16xi1>
    %sub3A = arith.constant 1 : i32
    %sub3A_29 = vector.broadcast %sub3A : i32 to vector<16xi32>
    %sub3A_30 = arith.subi %div3A_8, %sub3A_29 : vector<16xi32>
    %select_n3A = arith.select %and3A, %sub3A_30, %div3A_8 : vector<16xi1>, vector<16xi32>
    %mul3A_31 = arith.constant 1024 : i32
    %mul3A_32 = vector.broadcast %mul3A_31 : i32 to vector<16xi32>
    %mul3A_33 = arith.muli %select_n3A, %mul3A_32 : vector<16xi32>
    %add3A_34 = arith.constant 0 : i32
    %add3A_35 = vector.broadcast %add3A_34 : i32 to vector<16xi32>
    %add3A_36 = arith.addi %iota3A, %add3A_35 : vector<16xi32>
    %jit3A_37 = arith.constant 8 : i32
    %eq3A = arith.constant 0 : i32
    %eq3A_38 = arith.cmpi eq, %jit3A_37, %eq3A : i32
    %jit3A_39 = arith.constant 1 : i32
    %select_n3A_40 = arith.select %eq3A_38, %jit3A_39, %jit3A_37 : i32
    %rem3A_41 = vector.broadcast %select_n3A_40 : i32 to vector<16xi32>
    %rem3A_42 = arith.remsi %add3A_36, %rem3A_41 : vector<16xi32>
    %ne3A_43 = arith.constant 0 : i32
    %ne3A_44 = vector.broadcast %ne3A_43 : i32 to vector<16xi32>
    %ne3A_45 = arith.cmpi ne, %rem3A_42, %ne3A_44 : vector<16xi32>
    %lt3A = arith.constant 0 : i32
    %lt3A_46 = vector.broadcast %lt3A : i32 to vector<16xi32>
    %lt3A_47 = arith.cmpi slt, %rem3A_42, %lt3A_46 : vector<16xi32>
    %lt3A_48 = arith.constant 0 : i32
    %lt3A_49 = arith.cmpi slt, %select_n3A_40, %lt3A_48 : i32
    %ne3A_50 = vector.broadcast %lt3A_49 : i1 to vector<16xi1>
    %ne3A_51 = vector.broadcast %ne3A_50 : vector<16xi1> to vector<16xi1>
    %ne3A_52 = arith.xori %lt3A_47, %ne3A_51 : vector<16xi1>
    %and3A_53 = arith.andi %ne3A_52, %ne3A_45 : vector<16xi1>
    %add3A_54 = vector.broadcast %select_n3A_40 : i32 to vector<16xi32>
    %add3A_55 = arith.addi %rem3A_42, %add3A_54 : vector<16xi32>
    %select_n3A_56 = arith.select %and3A_53, %add3A_55, %rem3A_42 : vector<16xi1>, vector<16xi32>
    %mul3A_57 = arith.constant 128 : i32
    %mul3A_58 = vector.broadcast %mul3A_57 : i32 to vector<16xi32>
    %mul3A_59 = arith.muli %select_n3A_56, %mul3A_58 : vector<16xi32>
    %add3A_60 = arith.addi %mul3A_33, %mul3A_59 : vector<16xi32>
    %add3A_61 = arith.constant 16 : i32
    %add3A_62 = vector.broadcast %add3A_61 : i32 to vector<16xi32>
    %add3A_63 = arith.addi %iota3A, %add3A_62 : vector<16xi32>
    %jit3A_64 = arith.constant 8 : i32
    %div3A_65 = vector.broadcast %jit3A_64 : i32 to vector<16xi32>
    %div3A_66 = arith.divsi %add3A_63, %div3A_65 : vector<16xi32>
    %sign3A_67 = arith.constant 0 : i32
    %sign3A_68 = vector.broadcast %sign3A_67 : i32 to vector<16xi32>
    %sign3A_69 = arith.cmpi sgt, %add3A_63, %sign3A_68 : vector<16xi32>
    %sign3A_70 = arith.extui %sign3A_69 : vector<16xi1> to vector<16xi32>
    %sign3A_71 = arith.constant 0 : i32
    %sign3A_72 = vector.broadcast %sign3A_71 : i32 to vector<16xi32>
    %sign3A_73 = arith.cmpi slt, %add3A_63, %sign3A_72 : vector<16xi32>
    %sign3A_74 = arith.extui %sign3A_73 : vector<16xi1> to vector<16xi32>
    %sign3A_75 = arith.subi %sign3A_70, %sign3A_74 : vector<16xi32>
    %sign3A_76 = arith.constant 0 : i32
    %sign3A_77 = arith.cmpi sgt, %jit3A_64, %sign3A_76 : i32
    %sign3A_78 = arith.extui %sign3A_77 : i1 to i32
    %sign3A_79 = arith.constant 0 : i32
    %sign3A_80 = arith.cmpi slt, %jit3A_64, %sign3A_79 : i32
    %sign3A_81 = arith.extui %sign3A_80 : i1 to i32
    %sign3A_82 = arith.subi %sign3A_78, %sign3A_81 : i32
    %ne3A_83 = vector.broadcast %sign3A_82 : i32 to vector<16xi32>
    %ne3A_84 = arith.cmpi ne, %sign3A_75, %ne3A_83 : vector<16xi32>
    %rem3A_85 = vector.broadcast %jit3A_64 : i32 to vector<16xi32>
    %rem3A_86 = arith.remsi %add3A_63, %rem3A_85 : vector<16xi32>
    %ne3A_87 = arith.constant 0 : i32
    %ne3A_88 = vector.broadcast %ne3A_87 : i32 to vector<16xi32>
    %ne3A_89 = arith.cmpi ne, %rem3A_86, %ne3A_88 : vector<16xi32>
    %and3A_90 = arith.andi %ne3A_84, %ne3A_89 : vector<16xi1>
    %sub3A_91 = arith.constant 1 : i32
    %sub3A_92 = vector.broadcast %sub3A_91 : i32 to vector<16xi32>
    %sub3A_93 = arith.subi %div3A_66, %sub3A_92 : vector<16xi32>
    %select_n3A_94 = arith.select %and3A_90, %sub3A_93, %div3A_66 : vector<16xi1>, vector<16xi32>
    %mul3A_95 = arith.constant 1024 : i32
    %mul3A_96 = vector.broadcast %mul3A_95 : i32 to vector<16xi32>
    %mul3A_97 = arith.muli %select_n3A_94, %mul3A_96 : vector<16xi32>
    %add3A_98 = arith.constant 16 : i32
    %add3A_99 = vector.broadcast %add3A_98 : i32 to vector<16xi32>
    %add3A_100 = arith.addi %iota3A, %add3A_99 : vector<16xi32>
    %jit3A_101 = arith.constant 8 : i32
    %eq3A_102 = arith.constant 0 : i32
    %eq3A_103 = arith.cmpi eq, %jit3A_101, %eq3A_102 : i32
    %jit3A_104 = arith.constant 1 : i32
    %select_n3A_105 = arith.select %eq3A_103, %jit3A_104, %jit3A_101 : i32
    %rem3A_106 = vector.broadcast %select_n3A_105 : i32 to vector<16xi32>
    %rem3A_107 = arith.remsi %add3A_100, %rem3A_106 : vector<16xi32>
    %ne3A_108 = arith.constant 0 : i32
    %ne3A_109 = vector.broadcast %ne3A_108 : i32 to vector<16xi32>
    %ne3A_110 = arith.cmpi ne, %rem3A_107, %ne3A_109 : vector<16xi32>
    %lt3A_111 = arith.constant 0 : i32
    %lt3A_112 = vector.broadcast %lt3A_111 : i32 to vector<16xi32>
    %lt3A_113 = arith.cmpi slt, %rem3A_107, %lt3A_112 : vector<16xi32>
    %lt3A_114 = arith.constant 0 : i32
    %lt3A_115 = arith.cmpi slt, %select_n3A_105, %lt3A_114 : i32
    %ne3A_116 = vector.broadcast %lt3A_115 : i1 to vector<16xi1>
    %ne3A_117 = vector.broadcast %ne3A_116 : vector<16xi1> to vector<16xi1>
    %ne3A_118 = arith.xori %lt3A_113, %ne3A_117 : vector<16xi1>
    %and3A_119 = arith.andi %ne3A_118, %ne3A_110 : vector<16xi1>
    %add3A_120 = vector.broadcast %select_n3A_105 : i32 to vector<16xi32>
    %add3A_121 = arith.addi %rem3A_107, %add3A_120 : vector<16xi32>
    %select_n3A_122 = arith.select %and3A_119, %add3A_121, %rem3A_107 : vector<16xi1>, vector<16xi32>
    %mul3A_123 = arith.constant 128 : i32
    %mul3A_124 = vector.broadcast %mul3A_123 : i32 to vector<16xi32>
    %mul3A_125 = arith.muli %select_n3A_122, %mul3A_124 : vector<16xi32>
    %add3A_126 = arith.addi %mul3A_97, %mul3A_125 : vector<16xi32>
    %scan3A = arith.constant 0 : i32
    %scan3A_127 = arith.constant 0 : i32
    %scan3A_128 = arith.constant 26 : i32
    %scan3A_129 = arith.addi %scan3A_127, %scan3A_128 : i32
    %scan3A_130 = arith.constant 1 : i32
    scf.for %scan3A_132 = %scan3A_127 to %scan3A_129 step %scan3A_130  : i32 {
      %dma_start3A = arith.constant 0 : i32
      %dma_start3A_133 = arith.constant 0 : i32
      %dma_start3A_134 = arith.constant 0 : i32
      %dma_start3A_135 = tpu.memref_slice %arg6[%dma_start3A, %dma_start3A_133, %dma_start3A_134] : memref<4x128x32xf32, #tpu.memory_space<vmem>> -> memref<1x128x32xf32, #tpu.memory_space<vmem>>
      %dma_start3A_136 = tpu.memref_squeeze %dma_start3A_135 : memref<1x128x32xf32, #tpu.memory_space<vmem>> -> memref<128x32xf32, #tpu.memory_space<vmem>>
      %dma_start3A_137 = arith.constant 0 : i32
      %dma_start3A_138 = tpu.memref_slice %arg5[%scan3A_132, %dma_start3A_137] : memref<26x512xi32, #tpu.memory_space<vmem>> -> memref<1x128xi32, #tpu.memory_space<vmem>>
      %dma_start3A_139 = tpu.memref_squeeze %dma_start3A_138 : memref<1x128xi32, #tpu.memory_space<vmem>> -> memref<128xi32, #tpu.memory_space<vmem>>
      %dma_start3A_140 = arith.constant 0 : i32
      %dma_start3A_141 = arith.constant 0 : i32
      %dma_start3A_142 = tpu.memref_slice %arg3[%dma_start3A_140, %dma_start3A_141] : memref<1000000x32xf32, #tpu.memory_space<hbm>> -> memref<1000000x32xf32, #tpu.memory_space<hbm>>
      tpu.enqueue_indirect_dma source(%dma_start3A_142 : memref<1000000x32xf32, #tpu.memory_space<hbm>>) target(%dma_start3A_136 : memref<128x32xf32, #tpu.memory_space<vmem>>) offsets(%dma_start3A_139 : memref<128xi32, #tpu.memory_space<vmem>>) semaphore(%arg9 : memref<!tpu.dma_semaphore, #tpu.memory_space<semaphore_mem>>)
      %dma_start3A_143 = arith.constant 1 : i32
      %dma_start3A_144 = arith.constant 0 : i32
      %dma_start3A_145 = arith.constant 0 : i32
      %dma_start3A_146 = tpu.memref_slice %arg6[%dma_start3A_143, %dma_start3A_144, %dma_start3A_145] : memref<4x128x32xf32, #tpu.memory_space<vmem>> -> memref<1x128x32xf32, #tpu.memory_space<vmem>>
      %dma_start3A_147 = tpu.memref_squeeze %dma_start3A_146 : memref<1x128x32xf32, #tpu.memory_space<vmem>> -> memref<128x32xf32, #tpu.memory_space<vmem>>
      %dma_start3A_148 = arith.constant 128 : i32
      %dma_start3A_149 = tpu.memref_slice %arg5[%scan3A_132, %dma_start3A_148] : memref<26x512xi32, #tpu.memory_space<vmem>> -> memref<1x128xi32, #tpu.memory_space<vmem>>
      %dma_start3A_150 = tpu.memref_squeeze %dma_start3A_149 : memref<1x128xi32, #tpu.memory_space<vmem>> -> memref<128xi32, #tpu.memory_space<vmem>>
      %dma_start3A_151 = arith.constant 0 : i32
      %dma_start3A_152 = arith.constant 0 : i32
      %dma_start3A_153 = tpu.memref_slice %arg3[%dma_start3A_151, %dma_start3A_152] : memref<1000000x32xf32, #tpu.memory_space<hbm>> -> memref<1000000x32xf32, #tpu.memory_space<hbm>>
      tpu.enqueue_indirect_dma source(%dma_start3A_153 : memref<1000000x32xf32, #tpu.memory_space<hbm>>) target(%dma_start3A_147 : memref<128x32xf32, #tpu.memory_space<vmem>>) offsets(%dma_start3A_150 : memref<128xi32, #tpu.memory_space<vmem>>) semaphore(%arg10 : memref<!tpu.dma_semaphore, #tpu.memory_space<semaphore_mem>>)
      %dma_start3A_154 = arith.constant 2 : i32
      %dma_start3A_155 = arith.constant 0 : i32
      %dma_start3A_156 = arith.constant 0 : i32
      %dma_start3A_157 = tpu.memref_slice %arg6[%dma_start3A_154, %dma_start3A_155, %dma_start3A_156] : memref<4x128x32xf32, #tpu.memory_space<vmem>> -> memref<1x128x32xf32, #tpu.memory_space<vmem>>
      %dma_start3A_158 = tpu.memref_squeeze %dma_start3A_157 : memref<1x128x32xf32, #tpu.memory_space<vmem>> -> memref<128x32xf32, #tpu.memory_space<vmem>>
      %dma_start3A_159 = arith.constant 256 : i32
      %dma_start3A_160 = tpu.memref_slice %arg5[%scan3A_132, %dma_start3A_159] : memref<26x512xi32, #tpu.memory_space<vmem>> -> memref<1x128xi32, #tpu.memory_space<vmem>>
      %dma_start3A_161 = tpu.memref_squeeze %dma_start3A_160 : memref<1x128xi32, #tpu.memory_space<vmem>> -> memref<128xi32, #tpu.memory_space<vmem>>
      %dma_start3A_162 = arith.constant 0 : i32
      %dma_start3A_163 = arith.constant 0 : i32
      %dma_start3A_164 = tpu.memref_slice %arg3[%dma_start3A_162, %dma_start3A_163] : memref<1000000x32xf32, #tpu.memory_space<hbm>> -> memref<1000000x32xf32, #tpu.memory_space<hbm>>
      tpu.enqueue_indirect_dma source(%dma_start3A_164 : memref<1000000x32xf32, #tpu.memory_space<hbm>>) target(%dma_start3A_158 : memref<128x32xf32, #tpu.memory_space<vmem>>) offsets(%dma_start3A_161 : memref<128xi32, #tpu.memory_space<vmem>>) semaphore(%arg11 : memref<!tpu.dma_semaphore, #tpu.memory_space<semaphore_mem>>)
      %dma_start3A_165 = arith.constant 3 : i32
      %dma_start3A_166 = arith.constant 0 : i32
      %dma_start3A_167 = arith.constant 0 : i32
      %dma_start3A_168 = tpu.memref_slice %arg6[%dma_start3A_165, %dma_start3A_166, %dma_start3A_167] : memref<4x128x32xf32, #tpu.memory_space<vmem>> -> memref<1x128x32xf32, #tpu.memory_space<vmem>>
      %dma_start3A_169 = tpu.memref_squeeze %dma_start3A_168 : memref<1x128x32xf32, #tpu.memory_space<vmem>> -> memref<128x32xf32, #tpu.memory_space<vmem>>
      %dma_start3A_170 = arith.constant 384 : i32
      %dma_start3A_171 = tpu.memref_slice %arg5[%scan3A_132, %dma_start3A_170] : memref<26x512xi32, #tpu.memory_space<vmem>> -> memref<1x128xi32, #tpu.memory_space<vmem>>
      %dma_start3A_172 = tpu.memref_squeeze %dma_start3A_171 : memref<1x128xi32, #tpu.memory_space<vmem>> -> memref<128xi32, #tpu.memory_space<vmem>>
      %dma_start3A_173 = arith.constant 0 : i32
      %dma_start3A_174 = arith.constant 0 : i32
      %dma_start3A_175 = tpu.memref_slice %arg3[%dma_start3A_173, %dma_start3A_174] : memref<1000000x32xf32, #tpu.memory_space<hbm>> -> memref<1000000x32xf32, #tpu.memory_space<hbm>>
      tpu.enqueue_indirect_dma source(%dma_start3A_175 : memref<1000000x32xf32, #tpu.memory_space<hbm>>) target(%dma_start3A_169 : memref<128x32xf32, #tpu.memory_space<vmem>>) offsets(%dma_start3A_172 : memref<128xi32, #tpu.memory_space<vmem>>) semaphore(%arg12 : memref<!tpu.dma_semaphore, #tpu.memory_space<semaphore_mem>>)
      %dma_wait3A = arith.constant 0 : i32
      %dma_wait3A_176 = arith.constant 0 : i32
      %dma_wait3A_177 = arith.constant 0 : i32
      %dma_wait3A_178 = tpu.memref_slice %arg6[%dma_wait3A, %dma_wait3A_176, %dma_wait3A_177] : memref<4x128x32xf32, #tpu.memory_space<vmem>> -> memref<1x128x32xf32, #tpu.memory_space<vmem>>
      %dma_wait3A_179 = tpu.memref_squeeze %dma_wait3A_178 : memref<1x128x32xf32, #tpu.memory_space<vmem>> -> memref<128x32xf32, #tpu.memory_space<vmem>>
      %dma_wait3A_180 = arith.constant 0 : i32
      %dma_wait3A_181 = tpu.memref_slice %arg5[%scan3A_132, %dma_wait3A_180] : memref<26x512xi32, #tpu.memory_space<vmem>> -> memref<1x128xi32, #tpu.memory_space<vmem>>
      %dma_wait3A_182 = tpu.memref_squeeze %dma_wait3A_181 : memref<1x128xi32, #tpu.memory_space<vmem>> -> memref<128xi32, #tpu.memory_space<vmem>>
      %dma_wait3A_183 = arith.constant 0 : i32
      %dma_wait3A_184 = arith.constant 0 : i32
      %dma_wait3A_185 = tpu.memref_slice %arg3[%dma_wait3A_183, %dma_wait3A_184] : memref<1000000x32xf32, #tpu.memory_space<hbm>> -> memref<1000000x32xf32, #tpu.memory_space<hbm>>
      tpu.wait_indirect_dma semaphore(%arg9 : memref<!tpu.dma_semaphore, #tpu.memory_space<semaphore_mem>>) src(%dma_wait3A_185 : memref<1000000x32xf32, #tpu.memory_space<hbm>>) dst(%dma_wait3A_179 : memref<128x32xf32, #tpu.memory_space<vmem>>)
      %parallel_loop3A = arith.constant 0 : i32
      %parallel_loop3A_186 = arith.constant 128 : i32
      %parallel_loop3A_187 = arith.constant 1 : i32
      scf.for %parallel_loop3A_662 = %parallel_loop3A to %parallel_loop3A_186 step %parallel_loop3A_187  : i32 {
        %parallel_loop3A_663 = arith.constant 0 : i32
        %parallel_loop3A_664 = arith.index_cast %parallel_loop3A_663 : i32 to index
        %parallel_loop3A_665 = arith.index_cast %parallel_loop3A_662 : i32 to index
        %parallel_loop3A_666 = arith.constant 0 : index
        %parallel_loop3A_667 = tpu.vector_load %arg6[%parallel_loop3A_664, %parallel_loop3A_665, %parallel_loop3A_666] {strides = array<i32>} : memref<4x128x32xf32, #tpu.memory_space<vmem>>, vector<16xf32>,
        %parallel_loop3A_668 = vector.broadcast %parallel_loop3A_662 : i32 to vector<16xi32>
        %parallel_loop3A_669 = arith.addi %add3A_60, %parallel_loop3A_668 : vector<16xi32>
        %parallel_loop3A_670 = arith.constant 0 : i32
        %parallel_loop3A_671 = arith.constant 0 : i32
        %parallel_loop3A_672 = tpu.memref_slice %arg7[%parallel_loop3A_670, %parallel_loop3A_671] : memref<4x4096xf32, #tpu.memory_space<vmem>> -> memref<1x4096xf32, #tpu.memory_space<vmem>>
        %parallel_loop3A_673 = tpu.memref_squeeze %parallel_loop3A_672 : memref<1x4096xf32, #tpu.memory_space<vmem>> -> memref<4096xf32, #tpu.memory_space<vmem>>
        tpu.vector_store_idx %parallel_loop3A_673[%parallel_loop3A_669], %parallel_loop3A_667 : memref<4096xf32, #tpu.memory_space<vmem>>[vector<16xi32>], vector<16xf32>,
        %parallel_loop3A_674 = arith.constant 0 : i32
        %parallel_loop3A_675 = arith.index_cast %parallel_loop3A_674 : i32 to index
        %parallel_loop3A_676 = arith.index_cast %parallel_loop3A_662 : i32 to index
        %parallel_loop3A_677 = arith.constant 16 : index
        %parallel_loop3A_678 = tpu.vector_load %arg6[%parallel_loop3A_675, %parallel_loop3A_676, %parallel_loop3A_677] {strides = array<i32>} : memref<4x128x32xf32, #tpu.memory_space<vmem>>, vector<16xf32>,
        %parallel_loop3A_679 = vector.broadcast %parallel_loop3A_662 : i32 to vector<16xi32>
        %parallel_loop3A_680 = arith.addi %add3A_126, %parallel_loop3A_679 : vector<16xi32>
        %parallel_loop3A_681 = arith.constant 0 : i32
        %parallel_loop3A_682 = arith.constant 0 : i32
        %parallel_loop3A_683 = tpu.memref_slice %arg7[%parallel_loop3A_681, %parallel_loop3A_682] : memref<4x4096xf32, #tpu.memory_space<vmem>> -> memref<1x4096xf32, #tpu.memory_space<vmem>>
        %parallel_loop3A_684 = tpu.memref_squeeze %parallel_loop3A_683 : memref<1x4096xf32, #tpu.memory_space<vmem>> -> memref<4096xf32, #tpu.memory_space<vmem>>
        tpu.vector_store_idx %parallel_loop3A_684[%parallel_loop3A_680], %parallel_loop3A_678 : memref<4096xf32, #tpu.memory_space<vmem>>[vector<16xi32>], vector<16xf32>,
      } {sc.loop_unroll_factor = 4 : i64, sc.parallel_access}
      %mul3A_188 = arith.constant 524288 : i32
      %mul3A_189 = arith.muli %scan3A_132, %mul3A_188 : i32
      %add3A_190 = arith.constant 0 : i32
      %add3A_191 = arith.addi %mul3A_189, %add3A_190 : i32
      %add3A_192 = arith.constant 0 : i32
      %add3A_193 = arith.addi %mul3A_2, %add3A_192 : i32
      %mul3A_194 = arith.constant 1024 : i32
      %mul3A_195 = arith.muli %add3A_193, %mul3A_194 : i32
      %add3A_196 = arith.addi %add3A_191, %mul3A_195 : i32
      %dma_start3A_197 = arith.constant 0 : i32
      %dma_start3A_198 = arith.constant 0 : i32
      %dma_start3A_199 = tpu.memref_slice %arg7[%dma_start3A_197, %dma_start3A_198] : memref<4x4096xf32, #tpu.memory_space<vmem>> -> memref<1x1024xf32, #tpu.memory_space<vmem>>
      %dma_start3A_200 = tpu.memref_squeeze %dma_start3A_199 : memref<1x1024xf32, #tpu.memory_space<vmem>> -> memref<1024xf32, #tpu.memory_space<vmem>>
      %dma_start3A_201 = tpu.memref_slice %arg4[%add3A_196] : memref<13631488xf32, #tpu.memory_space<hbm>> -> memref<1024xf32, #tpu.memory_space<hbm>>
      %dma_start3A_202 = tpu.memref_slice %arg4[%add3A_196] : memref<13631488xf32, #tpu.memory_space<hbm>> -> memref<1024xf32, #tpu.memory_space<hbm>>
      %dma_start3A_203 = arith.constant 0 : i32
      %dma_start3A_204 = tpu.memref_slice %arg7[%dma_start3A_197, %dma_start3A_203] : memref<4x4096xf32, #tpu.memory_space<vmem>> -> memref<1x1024xf32, #tpu.memory_space<vmem>>
      %dma_start3A_205 = tpu.memref_squeeze %dma_start3A_204 : memref<1x1024xf32, #tpu.memory_space<vmem>> -> memref<1024xf32, #tpu.memory_space<vmem>>
      tpu.enqueue_dma source(%dma_start3A_205 : memref<1024xf32, #tpu.memory_space<vmem>>) target(%dma_start3A_202 : memref<1024xf32, #tpu.memory_space<hbm>>) target_semaphore(%arg13 : memref<!tpu.dma_semaphore, #tpu.memory_space<semaphore_mem>>)
      %mul3A_206 = arith.constant 524288 : i32
      %mul3A_207 = arith.muli %scan3A_132, %mul3A_206 : i32
      %add3A_208 = arith.constant 131072 : i32
      %add3A_209 = arith.addi %mul3A_207, %add3A_208 : i32
      %add3A_210 = arith.constant 0 : i32
      %add3A_211 = arith.addi %mul3A_2, %add3A_210 : i32
      %mul3A_212 = arith.constant 1024 : i32
      %mul3A_213 = arith.muli %add3A_211, %mul3A_212 : i32
      %add3A_214 = arith.addi %add3A_209, %mul3A_213 : i32
      %dma_start3A_215 = arith.constant 0 : i32
      %dma_start3A_216 = arith.constant 1024 : i32
      %dma_start3A_217 = tpu.memref_slice %arg7[%dma_start3A_215, %dma_start3A_216] : memref<4x4096xf32, #tpu.memory_space<vmem>> -> memref<1x1024xf32, #tpu.memory_space<vmem>>
      %dma_start3A_218 = tpu.memref_squeeze %dma_start3A_217 : memref<1x1024xf32, #tpu.memory_space<vmem>> -> memref<1024xf32, #tpu.memory_space<vmem>>
      %dma_start3A_219 = tpu.memref_slice %arg4[%add3A_214] : memref<13631488xf32, #tpu.memory_space<hbm>> -> memref<1024xf32, #tpu.memory_space<hbm>>
      %dma_start3A_220 = tpu.memref_slice %arg4[%add3A_214] : memref<13631488xf32, #tpu.memory_space<hbm>> -> memref<1024xf32, #tpu.memory_space<hbm>>
      %dma_start3A_221 = arith.constant 1024 : i32
      %dma_start3A_222 = tpu.memref_slice %arg7[%dma_start3A_215, %dma_start3A_221] : memref<4x4096xf32, #tpu.memory_space<vmem>> -> memref<1x1024xf32, #tpu.memory_space<vmem>>
      %dma_start3A_223 = tpu.memref_squeeze %dma_start3A_222 : memref<1x1024xf32, #tpu.memory_space<vmem>> -> memref<1024xf32, #tpu.memory_space<vmem>>
      tpu.enqueue_dma source(%dma_start3A_223 : memref<1024xf32, #tpu.memory_space<vmem>>) target(%dma_start3A_220 : memref<1024xf32, #tpu.memory_space<hbm>>) target_semaphore(%arg13 : memref<!tpu.dma_semaphore, #tpu.memory_space<semaphore_mem>>)
      %mul3A_224 = arith.constant 524288 : i32
      %mul3A_225 = arith.muli %scan3A_132, %mul3A_224 : i32
      %add3A_226 = arith.constant 262144 : i32
      %add3A_227 = arith.addi %mul3A_225, %add3A_226 : i32
      %add3A_228 = arith.constant 0 : i32
      %add3A_229 = arith.addi %mul3A_2, %add3A_228 : i32
      %mul3A_230 = arith.constant 1024 : i32
      %mul3A_231 = arith.muli %add3A_229, %mul3A_230 : i32
      %add3A_232 = arith.addi %add3A_227, %mul3A_231 : i32
      %dma_start3A_233 = arith.constant 0 : i32
      %dma_start3A_234 = arith.constant 2048 : i32
      %dma_start3A_235 = tpu.memref_slice %arg7[%dma_start3A_233, %dma_start3A_234] : memref<4x4096xf32, #tpu.memory_space<vmem>> -> memref<1x1024xf32, #tpu.memory_space<vmem>>
      %dma_start3A_236 = tpu.memref_squeeze %dma_start3A_235 : memref<1x1024xf32, #tpu.memory_space<vmem>> -> memref<1024xf32, #tpu.memory_space<vmem>>
      %dma_start3A_237 = tpu.memref_slice %arg4[%add3A_232] : memref<13631488xf32, #tpu.memory_space<hbm>> -> memref<1024xf32, #tpu.memory_space<hbm>>
      %dma_start3A_238 = tpu.memref_slice %arg4[%add3A_232] : memref<13631488xf32, #tpu.memory_space<hbm>> -> memref<1024xf32, #tpu.memory_space<hbm>>
      %dma_start3A_239 = arith.constant 2048 : i32
      %dma_start3A_240 = tpu.memref_slice %arg7[%dma_start3A_233, %dma_start3A_239] : memref<4x4096xf32, #tpu.memory_space<vmem>> -> memref<1x1024xf32, #tpu.memory_space<vmem>>
      %dma_start3A_241 = tpu.memref_squeeze %dma_start3A_240 : memref<1x1024xf32, #tpu.memory_space<vmem>> -> memref<1024xf32, #tpu.memory_space<vmem>>
      tpu.enqueue_dma source(%dma_start3A_241 : memref<1024xf32, #tpu.memory_space<vmem>>) target(%dma_start3A_238 : memref<1024xf32, #tpu.memory_space<hbm>>) target_semaphore(%arg13 : memref<!tpu.dma_semaphore, #tpu.memory_space<semaphore_mem>>)
      %mul3A_242 = arith.constant 524288 : i32
      %mul3A_243 = arith.muli %scan3A_132, %mul3A_242 : i32
      %add3A_244 = arith.constant 393216 : i32
      %add3A_245 = arith.addi %mul3A_243, %add3A_244 : i32
      %add3A_246 = arith.constant 0 : i32
      %add3A_247 = arith.addi %mul3A_2, %add3A_246 : i32
      %mul3A_248 = arith.constant 1024 : i32
      %mul3A_249 = arith.muli %add3A_247, %mul3A_248 : i32
      %add3A_250 = arith.addi %add3A_245, %mul3A_249 : i32
      %dma_start3A_251 = arith.constant 0 : i32
      %dma_start3A_252 = arith.constant 3072 : i32
      %dma_start3A_253 = tpu.memref_slice %arg7[%dma_start3A_251, %dma_start3A_252] : memref<4x4096xf32, #tpu.memory_space<vmem>> -> memref<1x1024xf32, #tpu.memory_space<vmem>>
      %dma_start3A_254 = tpu.memref_squeeze %dma_start3A_253 : memref<1x1024xf32, #tpu.memory_space<vmem>> -> memref<1024xf32, #tpu.memory_space<vmem>>
      %dma_start3A_255 = tpu.memref_slice %arg4[%add3A_250] : memref<13631488xf32, #tpu.memory_space<hbm>> -> memref<1024xf32, #tpu.memory_space<hbm>>
      %dma_start3A_256 = tpu.memref_slice %arg4[%add3A_250] : memref<13631488xf32, #tpu.memory_space<hbm>> -> memref<1024xf32, #tpu.memory_space<hbm>>
      %dma_start3A_257 = arith.constant 3072 : i32
      %dma_start3A_258 = tpu.memref_slice %arg7[%dma_start3A_251, %dma_start3A_257] : memref<4x4096xf32, #tpu.memory_space<vmem>> -> memref<1x1024xf32, #tpu.memory_space<vmem>>
      %dma_start3A_259 = tpu.memref_squeeze %dma_start3A_258 : memref<1x1024xf32, #tpu.memory_space<vmem>> -> memref<1024xf32, #tpu.memory_space<vmem>>
      tpu.enqueue_dma source(%dma_start3A_259 : memref<1024xf32, #tpu.memory_space<vmem>>) target(%dma_start3A_256 : memref<1024xf32, #tpu.memory_space<hbm>>) target_semaphore(%arg13 : memref<!tpu.dma_semaphore, #tpu.memory_space<semaphore_mem>>)
      %dma_wait3A_260 = arith.constant 1 : i32
      %dma_wait3A_261 = arith.constant 0 : i32
      %dma_wait3A_262 = arith.constant 0 : i32
      %dma_wait3A_263 = tpu.memref_slice %arg6[%dma_wait3A_260, %dma_wait3A_261, %dma_wait3A_262] : memref<4x128x32xf32, #tpu.memory_space<vmem>> -> memref<1x128x32xf32, #tpu.memory_space<vmem>>
      %dma_wait3A_264 = tpu.memref_squeeze %dma_wait3A_263 : memref<1x128x32xf32, #tpu.memory_space<vmem>> -> memref<128x32xf32, #tpu.memory_space<vmem>>
      %dma_wait3A_265 = arith.constant 128 : i32
      %dma_wait3A_266 = tpu.memref_slice %arg5[%scan3A_132, %dma_wait3A_265] : memref<26x512xi32, #tpu.memory_space<vmem>> -> memref<1x128xi32, #tpu.memory_space<vmem>>
      %dma_wait3A_267 = tpu.memref_squeeze %dma_wait3A_266 : memref<1x128xi32, #tpu.memory_space<vmem>> -> memref<128xi32, #tpu.memory_space<vmem>>
      %dma_wait3A_268 = arith.constant 0 : i32
      %dma_wait3A_269 = arith.constant 0 : i32
      %dma_wait3A_270 = tpu.memref_slice %arg3[%dma_wait3A_268, %dma_wait3A_269] : memref<1000000x32xf32, #tpu.memory_space<hbm>> -> memref<1000000x32xf32, #tpu.memory_space<hbm>>
      tpu.wait_indirect_dma semaphore(%arg10 : memref<!tpu.dma_semaphore, #tpu.memory_space<semaphore_mem>>) src(%dma_wait3A_270 : memref<1000000x32xf32, #tpu.memory_space<hbm>>) dst(%dma_wait3A_264 : memref<128x32xf32, #tpu.memory_space<vmem>>)
      %parallel_loop3A_271 = arith.constant 0 : i32
      %parallel_loop3A_272 = arith.constant 128 : i32
      %parallel_loop3A_273 = arith.constant 1 : i32
      scf.for %parallel_loop3A_662 = %parallel_loop3A_271 to %parallel_loop3A_272 step %parallel_loop3A_273  : i32 {
        %parallel_loop3A_663 = arith.constant 1 : i32
        %parallel_loop3A_664 = arith.index_cast %parallel_loop3A_663 : i32 to index
        %parallel_loop3A_665 = arith.index_cast %parallel_loop3A_662 : i32 to index
        %parallel_loop3A_666 = arith.constant 0 : index
        %parallel_loop3A_667 = tpu.vector_load %arg6[%parallel_loop3A_664, %parallel_loop3A_665, %parallel_loop3A_666] {strides = array<i32>} : memref<4x128x32xf32, #tpu.memory_space<vmem>>, vector<16xf32>,
        %parallel_loop3A_668 = vector.broadcast %parallel_loop3A_662 : i32 to vector<16xi32>
        %parallel_loop3A_669 = arith.addi %add3A_60, %parallel_loop3A_668 : vector<16xi32>
        %parallel_loop3A_670 = arith.constant 1 : i32
        %parallel_loop3A_671 = arith.constant 0 : i32
        %parallel_loop3A_672 = tpu.memref_slice %arg7[%parallel_loop3A_670, %parallel_loop3A_671] : memref<4x4096xf32, #tpu.memory_space<vmem>> -> memref<1x4096xf32, #tpu.memory_space<vmem>>
        %parallel_loop3A_673 = tpu.memref_squeeze %parallel_loop3A_672 : memref<1x4096xf32, #tpu.memory_space<vmem>> -> memref<4096xf32, #tpu.memory_space<vmem>>
        tpu.vector_store_idx %parallel_loop3A_673[%parallel_loop3A_669], %parallel_loop3A_667 : memref<4096xf32, #tpu.memory_space<vmem>>[vector<16xi32>], vector<16xf32>,
        %parallel_loop3A_674 = arith.constant 1 : i32
        %parallel_loop3A_675 = arith.index_cast %parallel_loop3A_674 : i32 to index
        %parallel_loop3A_676 = arith.index_cast %parallel_loop3A_662 : i32 to index
        %parallel_loop3A_677 = arith.constant 16 : index
        %parallel_loop3A_678 = tpu.vector_load %arg6[%parallel_loop3A_675, %parallel_loop3A_676, %parallel_loop3A_677] {strides = array<i32>} : memref<4x128x32xf32, #tpu.memory_space<vmem>>, vector<16xf32>,
        %parallel_loop3A_679 = vector.broadcast %parallel_loop3A_662 : i32 to vector<16xi32>
        %parallel_loop3A_680 = arith.addi %add3A_126, %parallel_loop3A_679 : vector<16xi32>
        %parallel_loop3A_681 = arith.constant 1 : i32
        %parallel_loop3A_682 = arith.constant 0 : i32
        %parallel_loop3A_683 = tpu.memref_slice %arg7[%parallel_loop3A_681, %parallel_loop3A_682] : memref<4x4096xf32, #tpu.memory_space<vmem>> -> memref<1x4096xf32, #tpu.memory_space<vmem>>
        %parallel_loop3A_684 = tpu.memref_squeeze %parallel_loop3A_683 : memref<1x4096xf32, #tpu.memory_space<vmem>> -> memref<4096xf32, #tpu.memory_space<vmem>>
        tpu.vector_store_idx %parallel_loop3A_684[%parallel_loop3A_680], %parallel_loop3A_678 : memref<4096xf32, #tpu.memory_space<vmem>>[vector<16xi32>], vector<16xf32>,
      } {sc.loop_unroll_factor = 4 : i64, sc.parallel_access}
      %mul3A_274 = arith.constant 524288 : i32
      %mul3A_275 = arith.muli %scan3A_132, %mul3A_274 : i32
      %add3A_276 = arith.constant 0 : i32
      %add3A_277 = arith.addi %mul3A_275, %add3A_276 : i32
      %add3A_278 = arith.constant 1 : i32
      %add3A_279 = arith.addi %mul3A_2, %add3A_278 : i32
      %mul3A_280 = arith.constant 1024 : i32
      %mul3A_281 = arith.muli %add3A_279, %mul3A_280 : i32
      %add3A_282 = arith.addi %add3A_277, %mul3A_281 : i32
      %dma_start3A_283 = arith.constant 1 : i32
      %dma_start3A_284 = arith.constant 0 : i32
      %dma_start3A_285 = tpu.memref_slice %arg7[%dma_start3A_283, %dma_start3A_284] : memref<4x4096xf32, #tpu.memory_space<vmem>> -> memref<1x1024xf32, #tpu.memory_space<vmem>>
      %dma_start3A_286 = tpu.memref_squeeze %dma_start3A_285 : memref<1x1024xf32, #tpu.memory_space<vmem>> -> memref<1024xf32, #tpu.memory_space<vmem>>
      %dma_start3A_287 = tpu.memref_slice %arg4[%add3A_282] : memref<13631488xf32, #tpu.memory_space<hbm>> -> memref<1024xf32, #tpu.memory_space<hbm>>
      %dma_start3A_288 = tpu.memref_slice %arg4[%add3A_282] : memref<13631488xf32, #tpu.memory_space<hbm>> -> memref<1024xf32, #tpu.memory_space<hbm>>
      %dma_start3A_289 = arith.constant 0 : i32
      %dma_start3A_290 = tpu.memref_slice %arg7[%dma_start3A_283, %dma_start3A_289] : memref<4x4096xf32, #tpu.memory_space<vmem>> -> memref<1x1024xf32, #tpu.memory_space<vmem>>
      %dma_start3A_291 = tpu.memref_squeeze %dma_start3A_290 : memref<1x1024xf32, #tpu.memory_space<vmem>> -> memref<1024xf32, #tpu.memory_space<vmem>>
      tpu.enqueue_dma source(%dma_start3A_291 : memref<1024xf32, #tpu.memory_space<vmem>>) target(%dma_start3A_288 : memref<1024xf32, #tpu.memory_space<hbm>>) target_semaphore(%arg14 : memref<!tpu.dma_semaphore, #tpu.memory_space<semaphore_mem>>)
      %mul3A_292 = arith.constant 524288 : i32
      %mul3A_293 = arith.muli %scan3A_132, %mul3A_292 : i32
      %add3A_294 = arith.constant 131072 : i32
      %add3A_295 = arith.addi %mul3A_293, %add3A_294 : i32
      %add3A_296 = arith.constant 1 : i32
      %add3A_297 = arith.addi %mul3A_2, %add3A_296 : i32
      %mul3A_298 = arith.constant 1024 : i32
      %mul3A_299 = arith.muli %add3A_297, %mul3A_298 : i32
      %add3A_300 = arith.addi %add3A_295, %mul3A_299 : i32
      %dma_start3A_301 = arith.constant 1 : i32
      %dma_start3A_302 = arith.constant 1024 : i32
      %dma_start3A_303 = tpu.memref_slice %arg7[%dma_start3A_301, %dma_start3A_302] : memref<4x4096xf32, #tpu.memory_space<vmem>> -> memref<1x1024xf32, #tpu.memory_space<vmem>>
      %dma_start3A_304 = tpu.memref_squeeze %dma_start3A_303 : memref<1x1024xf32, #tpu.memory_space<vmem>> -> memref<1024xf32, #tpu.memory_space<vmem>>
      %dma_start3A_305 = tpu.memref_slice %arg4[%add3A_300] : memref<13631488xf32, #tpu.memory_space<hbm>> -> memref<1024xf32, #tpu.memory_space<hbm>>
      %dma_start3A_306 = tpu.memref_slice %arg4[%add3A_300] : memref<13631488xf32, #tpu.memory_space<hbm>> -> memref<1024xf32, #tpu.memory_space<hbm>>
      %dma_start3A_307 = arith.constant 1024 : i32
      %dma_start3A_308 = tpu.memref_slice %arg7[%dma_start3A_301, %dma_start3A_307] : memref<4x4096xf32, #tpu.memory_space<vmem>> -> memref<1x1024xf32, #tpu.memory_space<vmem>>
      %dma_start3A_309 = tpu.memref_squeeze %dma_start3A_308 : memref<1x1024xf32, #tpu.memory_space<vmem>> -> memref<1024xf32, #tpu.memory_space<vmem>>
      tpu.enqueue_dma source(%dma_start3A_309 : memref<1024xf32, #tpu.memory_space<vmem>>) target(%dma_start3A_306 : memref<1024xf32, #tpu.memory_space<hbm>>) target_semaphore(%arg14 : memref<!tpu.dma_semaphore, #tpu.memory_space<semaphore_mem>>)
      %mul3A_310 = arith.constant 524288 : i32
      %mul3A_311 = arith.muli %scan3A_132, %mul3A_310 : i32
      %add3A_312 = arith.constant 262144 : i32
      %add3A_313 = arith.addi %mul3A_311, %add3A_312 : i32
      %add3A_314 = arith.constant 1 : i32
      %add3A_315 = arith.addi %mul3A_2, %add3A_314 : i32
      %mul3A_316 = arith.constant 1024 : i32
      %mul3A_317 = arith.muli %add3A_315, %mul3A_316 : i32
      %add3A_318 = arith.addi %add3A_313, %mul3A_317 : i32
      %dma_start3A_319 = arith.constant 1 : i32
      %dma_start3A_320 = arith.constant 2048 : i32
      %dma_start3A_321 = tpu.memref_slice %arg7[%dma_start3A_319, %dma_start3A_320] : memref<4x4096xf32, #tpu.memory_space<vmem>> -> memref<1x1024xf32, #tpu.memory_space<vmem>>
      %dma_start3A_322 = tpu.memref_squeeze %dma_start3A_321 : memref<1x1024xf32, #tpu.memory_space<vmem>> -> memref<1024xf32, #tpu.memory_space<vmem>>
      %dma_start3A_323 = tpu.memref_slice %arg4[%add3A_318] : memref<13631488xf32, #tpu.memory_space<hbm>> -> memref<1024xf32, #tpu.memory_space<hbm>>
      %dma_start3A_324 = tpu.memref_slice %arg4[%add3A_318] : memref<13631488xf32, #tpu.memory_space<hbm>> -> memref<1024xf32, #tpu.memory_space<hbm>>
      %dma_start3A_325 = arith.constant 2048 : i32
      %dma_start3A_326 = tpu.memref_slice %arg7[%dma_start3A_319, %dma_start3A_325] : memref<4x4096xf32, #tpu.memory_space<vmem>> -> memref<1x1024xf32, #tpu.memory_space<vmem>>
      %dma_start3A_327 = tpu.memref_squeeze %dma_start3A_326 : memref<1x1024xf32, #tpu.memory_space<vmem>> -> memref<1024xf32, #tpu.memory_space<vmem>>
      tpu.enqueue_dma source(%dma_start3A_327 : memref<1024xf32, #tpu.memory_space<vmem>>) target(%dma_start3A_324 : memref<1024xf32, #tpu.memory_space<hbm>>) target_semaphore(%arg14 : memref<!tpu.dma_semaphore, #tpu.memory_space<semaphore_mem>>)
      %mul3A_328 = arith.constant 524288 : i32
      %mul3A_329 = arith.muli %scan3A_132, %mul3A_328 : i32
      %add3A_330 = arith.constant 393216 : i32
      %add3A_331 = arith.addi %mul3A_329, %add3A_330 : i32
      %add3A_332 = arith.constant 1 : i32
      %add3A_333 = arith.addi %mul3A_2, %add3A_332 : i32
      %mul3A_334 = arith.constant 1024 : i32
      %mul3A_335 = arith.muli %add3A_333, %mul3A_334 : i32
      %add3A_336 = arith.addi %add3A_331, %mul3A_335 : i32
      %dma_start3A_337 = arith.constant 1 : i32
      %dma_start3A_338 = arith.constant 3072 : i32
      %dma_start3A_339 = tpu.memref_slice %arg7[%dma_start3A_337, %dma_start3A_338] : memref<4x4096xf32, #tpu.memory_space<vmem>> -> memref<1x1024xf32, #tpu.memory_space<vmem>>
      %dma_start3A_340 = tpu.memref_squeeze %dma_start3A_339 : memref<1x1024xf32, #tpu.memory_space<vmem>> -> memref<1024xf32, #tpu.memory_space<vmem>>
      %dma_start3A_341 = tpu.memref_slice %arg4[%add3A_336] : memref<13631488xf32, #tpu.memory_space<hbm>> -> memref<1024xf32, #tpu.memory_space<hbm>>
      %dma_start3A_342 = tpu.memref_slice %arg4[%add3A_336] : memref<13631488xf32, #tpu.memory_space<hbm>> -> memref<1024xf32, #tpu.memory_space<hbm>>
      %dma_start3A_343 = arith.constant 3072 : i32
      %dma_start3A_344 = tpu.memref_slice %arg7[%dma_start3A_337, %dma_start3A_343] : memref<4x4096xf32, #tpu.memory_space<vmem>> -> memref<1x1024xf32, #tpu.memory_space<vmem>>
      %dma_start3A_345 = tpu.memref_squeeze %dma_start3A_344 : memref<1x1024xf32, #tpu.memory_space<vmem>> -> memref<1024xf32, #tpu.memory_space<vmem>>
      tpu.enqueue_dma source(%dma_start3A_345 : memref<1024xf32, #tpu.memory_space<vmem>>) target(%dma_start3A_342 : memref<1024xf32, #tpu.memory_space<hbm>>) target_semaphore(%arg14 : memref<!tpu.dma_semaphore, #tpu.memory_space<semaphore_mem>>)
      %dma_wait3A_346 = arith.constant 2 : i32
      %dma_wait3A_347 = arith.constant 0 : i32
      %dma_wait3A_348 = arith.constant 0 : i32
      %dma_wait3A_349 = tpu.memref_slice %arg6[%dma_wait3A_346, %dma_wait3A_347, %dma_wait3A_348] : memref<4x128x32xf32, #tpu.memory_space<vmem>> -> memref<1x128x32xf32, #tpu.memory_space<vmem>>
      %dma_wait3A_350 = tpu.memref_squeeze %dma_wait3A_349 : memref<1x128x32xf32, #tpu.memory_space<vmem>> -> memref<128x32xf32, #tpu.memory_space<vmem>>
      %dma_wait3A_351 = arith.constant 256 : i32
      %dma_wait3A_352 = tpu.memref_slice %arg5[%scan3A_132, %dma_wait3A_351] : memref<26x512xi32, #tpu.memory_space<vmem>> -> memref<1x128xi32, #tpu.memory_space<vmem>>
      %dma_wait3A_353 = tpu.memref_squeeze %dma_wait3A_352 : memref<1x128xi32, #tpu.memory_space<vmem>> -> memref<128xi32, #tpu.memory_space<vmem>>
      %dma_wait3A_354 = arith.constant 0 : i32
      %dma_wait3A_355 = arith.constant 0 : i32
      %dma_wait3A_356 = tpu.memref_slice %arg3[%dma_wait3A_354, %dma_wait3A_355] : memref<1000000x32xf32, #tpu.memory_space<hbm>> -> memref<1000000x32xf32, #tpu.memory_space<hbm>>
      tpu.wait_indirect_dma semaphore(%arg11 : memref<!tpu.dma_semaphore, #tpu.memory_space<semaphore_mem>>) src(%dma_wait3A_356 : memref<1000000x32xf32, #tpu.memory_space<hbm>>) dst(%dma_wait3A_350 : memref<128x32xf32, #tpu.memory_space<vmem>>)
      %parallel_loop3A_357 = arith.constant 0 : i32
      %parallel_loop3A_358 = arith.constant 128 : i32
      %parallel_loop3A_359 = arith.constant 1 : i32
      scf.for %parallel_loop3A_662 = %parallel_loop3A_357 to %parallel_loop3A_358 step %parallel_loop3A_359  : i32 {
        %parallel_loop3A_663 = arith.constant 2 : i32
        %parallel_loop3A_664 = arith.index_cast %parallel_loop3A_663 : i32 to index
        %parallel_loop3A_665 = arith.index_cast %parallel_loop3A_662 : i32 to index
        %parallel_loop3A_666 = arith.constant 0 : index
        %parallel_loop3A_667 = tpu.vector_load %arg6[%parallel_loop3A_664, %parallel_loop3A_665, %parallel_loop3A_666] {strides = array<i32>} : memref<4x128x32xf32, #tpu.memory_space<vmem>>, vector<16xf32>,
        %parallel_loop3A_668 = vector.broadcast %parallel_loop3A_662 : i32 to vector<16xi32>
        %parallel_loop3A_669 = arith.addi %add3A_60, %parallel_loop3A_668 : vector<16xi32>
        %parallel_loop3A_670 = arith.constant 2 : i32
        %parallel_loop3A_671 = arith.constant 0 : i32
        %parallel_loop3A_672 = tpu.memref_slice %arg7[%parallel_loop3A_670, %parallel_loop3A_671] : memref<4x4096xf32, #tpu.memory_space<vmem>> -> memref<1x4096xf32, #tpu.memory_space<vmem>>
        %parallel_loop3A_673 = tpu.memref_squeeze %parallel_loop3A_672 : memref<1x4096xf32, #tpu.memory_space<vmem>> -> memref<4096xf32, #tpu.memory_space<vmem>>
        tpu.vector_store_idx %parallel_loop3A_673[%parallel_loop3A_669], %parallel_loop3A_667 : memref<4096xf32, #tpu.memory_space<vmem>>[vector<16xi32>], vector<16xf32>,
        %parallel_loop3A_674 = arith.constant 2 : i32
        %parallel_loop3A_675 = arith.index_cast %parallel_loop3A_674 : i32 to index
        %parallel_loop3A_676 = arith.index_cast %parallel_loop3A_662 : i32 to index
        %parallel_loop3A_677 = arith.constant 16 : index
        %parallel_loop3A_678 = tpu.vector_load %arg6[%parallel_loop3A_675, %parallel_loop3A_676, %parallel_loop3A_677] {strides = array<i32>} : memref<4x128x32xf32, #tpu.memory_space<vmem>>, vector<16xf32>,
        %parallel_loop3A_679 = vector.broadcast %parallel_loop3A_662 : i32 to vector<16xi32>
        %parallel_loop3A_680 = arith.addi %add3A_126, %parallel_loop3A_679 : vector<16xi32>
        %parallel_loop3A_681 = arith.constant 2 : i32
        %parallel_loop3A_682 = arith.constant 0 : i32
        %parallel_loop3A_683 = tpu.memref_slice %arg7[%parallel_loop3A_681, %parallel_loop3A_682] : memref<4x4096xf32, #tpu.memory_space<vmem>> -> memref<1x4096xf32, #tpu.memory_space<vmem>>
        %parallel_loop3A_684 = tpu.memref_squeeze %parallel_loop3A_683 : memref<1x4096xf32, #tpu.memory_space<vmem>> -> memref<4096xf32, #tpu.memory_space<vmem>>
        tpu.vector_store_idx %parallel_loop3A_684[%parallel_loop3A_680], %parallel_loop3A_678 : memref<4096xf32, #tpu.memory_space<vmem>>[vector<16xi32>], vector<16xf32>,
      } {sc.loop_unroll_factor = 4 : i64, sc.parallel_access}
      %mul3A_360 = arith.constant 524288 : i32
      %mul3A_361 = arith.muli %scan3A_132, %mul3A_360 : i32
      %add3A_362 = arith.constant 0 : i32
      %add3A_363 = arith.addi %mul3A_361, %add3A_362 : i32
      %add3A_364 = arith.constant 2 : i32
      %add3A_365 = arith.addi %mul3A_2, %add3A_364 : i32
      %mul3A_366 = arith.constant 1024 : i32
      %mul3A_367 = arith.muli %add3A_365, %mul3A_366 : i32
      %add3A_368 = arith.addi %add3A_363, %mul3A_367 : i32
      %dma_start3A_369 = arith.constant 2 : i32
      %dma_start3A_370 = arith.constant 0 : i32
      %dma_start3A_371 = tpu.memref_slice %arg7[%dma_start3A_369, %dma_start3A_370] : memref<4x4096xf32, #tpu.memory_space<vmem>> -> memref<1x1024xf32, #tpu.memory_space<vmem>>
      %dma_start3A_372 = tpu.memref_squeeze %dma_start3A_371 : memref<1x1024xf32, #tpu.memory_space<vmem>> -> memref<1024xf32, #tpu.memory_space<vmem>>
      %dma_start3A_373 = tpu.memref_slice %arg4[%add3A_368] : memref<13631488xf32, #tpu.memory_space<hbm>> -> memref<1024xf32, #tpu.memory_space<hbm>>
      %dma_start3A_374 = tpu.memref_slice %arg4[%add3A_368] : memref<13631488xf32, #tpu.memory_space<hbm>> -> memref<1024xf32, #tpu.memory_space<hbm>>
      %dma_start3A_375 = arith.constant 0 : i32
      %dma_start3A_376 = tpu.memref_slice %arg7[%dma_start3A_369, %dma_start3A_375] : memref<4x4096xf32, #tpu.memory_space<vmem>> -> memref<1x1024xf32, #tpu.memory_space<vmem>>
      %dma_start3A_377 = tpu.memref_squeeze %dma_start3A_376 : memref<1x1024xf32, #tpu.memory_space<vmem>> -> memref<1024xf32, #tpu.memory_space<vmem>>
      tpu.enqueue_dma source(%dma_start3A_377 : memref<1024xf32, #tpu.memory_space<vmem>>) target(%dma_start3A_374 : memref<1024xf32, #tpu.memory_space<hbm>>) target_semaphore(%arg15 : memref<!tpu.dma_semaphore, #tpu.memory_space<semaphore_mem>>)
      %mul3A_378 = arith.constant 524288 : i32
      %mul3A_379 = arith.muli %scan3A_132, %mul3A_378 : i32
      %add3A_380 = arith.constant 131072 : i32
      %add3A_381 = arith.addi %mul3A_379, %add3A_380 : i32
      %add3A_382 = arith.constant 2 : i32
      %add3A_383 = arith.addi %mul3A_2, %add3A_382 : i32
      %mul3A_384 = arith.constant 1024 : i32
      %mul3A_385 = arith.muli %add3A_383, %mul3A_384 : i32
      %add3A_386 = arith.addi %add3A_381, %mul3A_385 : i32
      %dma_start3A_387 = arith.constant 2 : i32
      %dma_start3A_388 = arith.constant 1024 : i32
      %dma_start3A_389 = tpu.memref_slice %arg7[%dma_start3A_387, %dma_start3A_388] : memref<4x4096xf32, #tpu.memory_space<vmem>> -> memref<1x1024xf32, #tpu.memory_space<vmem>>
      %dma_start3A_390 = tpu.memref_squeeze %dma_start3A_389 : memref<1x1024xf32, #tpu.memory_space<vmem>> -> memref<1024xf32, #tpu.memory_space<vmem>>
      %dma_start3A_391 = tpu.memref_slice %arg4[%add3A_386] : memref<13631488xf32, #tpu.memory_space<hbm>> -> memref<1024xf32, #tpu.memory_space<hbm>>
      %dma_start3A_392 = tpu.memref_slice %arg4[%add3A_386] : memref<13631488xf32, #tpu.memory_space<hbm>> -> memref<1024xf32, #tpu.memory_space<hbm>>
      %dma_start3A_393 = arith.constant 1024 : i32
      %dma_start3A_394 = tpu.memref_slice %arg7[%dma_start3A_387, %dma_start3A_393] : memref<4x4096xf32, #tpu.memory_space<vmem>> -> memref<1x1024xf32, #tpu.memory_space<vmem>>
      %dma_start3A_395 = tpu.memref_squeeze %dma_start3A_394 : memref<1x1024xf32, #tpu.memory_space<vmem>> -> memref<1024xf32, #tpu.memory_space<vmem>>
      tpu.enqueue_dma source(%dma_start3A_395 : memref<1024xf32, #tpu.memory_space<vmem>>) target(%dma_start3A_392 : memref<1024xf32, #tpu.memory_space<hbm>>) target_semaphore(%arg15 : memref<!tpu.dma_semaphore, #tpu.memory_space<semaphore_mem>>)
      %mul3A_396 = arith.constant 524288 : i32
      %mul3A_397 = arith.muli %scan3A_132, %mul3A_396 : i32
      %add3A_398 = arith.constant 262144 : i32
      %add3A_399 = arith.addi %mul3A_397, %add3A_398 : i32
      %add3A_400 = arith.constant 2 : i32
      %add3A_401 = arith.addi %mul3A_2, %add3A_400 : i32
      %mul3A_402 = arith.constant 1024 : i32
      %mul3A_403 = arith.muli %add3A_401, %mul3A_402 : i32
      %add3A_404 = arith.addi %add3A_399, %mul3A_403 : i32
      %dma_start3A_405 = arith.constant 2 : i32
      %dma_start3A_406 = arith.constant 2048 : i32
      %dma_start3A_407 = tpu.memref_slice %arg7[%dma_start3A_405, %dma_start3A_406] : memref<4x4096xf32, #tpu.memory_space<vmem>> -> memref<1x1024xf32, #tpu.memory_space<vmem>>
      %dma_start3A_408 = tpu.memref_squeeze %dma_start3A_407 : memref<1x1024xf32, #tpu.memory_space<vmem>> -> memref<1024xf32, #tpu.memory_space<vmem>>
      %dma_start3A_409 = tpu.memref_slice %arg4[%add3A_404] : memref<13631488xf32, #tpu.memory_space<hbm>> -> memref<1024xf32, #tpu.memory_space<hbm>>
      %dma_start3A_410 = tpu.memref_slice %arg4[%add3A_404] : memref<13631488xf32, #tpu.memory_space<hbm>> -> memref<1024xf32, #tpu.memory_space<hbm>>
      %dma_start3A_411 = arith.constant 2048 : i32
      %dma_start3A_412 = tpu.memref_slice %arg7[%dma_start3A_405, %dma_start3A_411] : memref<4x4096xf32, #tpu.memory_space<vmem>> -> memref<1x1024xf32, #tpu.memory_space<vmem>>
      %dma_start3A_413 = tpu.memref_squeeze %dma_start3A_412 : memref<1x1024xf32, #tpu.memory_space<vmem>> -> memref<1024xf32, #tpu.memory_space<vmem>>
      tpu.enqueue_dma source(%dma_start3A_413 : memref<1024xf32, #tpu.memory_space<vmem>>) target(%dma_start3A_410 : memref<1024xf32, #tpu.memory_space<hbm>>) target_semaphore(%arg15 : memref<!tpu.dma_semaphore, #tpu.memory_space<semaphore_mem>>)
      %mul3A_414 = arith.constant 524288 : i32
      %mul3A_415 = arith.muli %scan3A_132, %mul3A_414 : i32
      %add3A_416 = arith.constant 393216 : i32
      %add3A_417 = arith.addi %mul3A_415, %add3A_416 : i32
      %add3A_418 = arith.constant 2 : i32
      %add3A_419 = arith.addi %mul3A_2, %add3A_418 : i32
      %mul3A_420 = arith.constant 1024 : i32
      %mul3A_421 = arith.muli %add3A_419, %mul3A_420 : i32
      %add3A_422 = arith.addi %add3A_417, %mul3A_421 : i32
      %dma_start3A_423 = arith.constant 2 : i32
      %dma_start3A_424 = arith.constant 3072 : i32
      %dma_start3A_425 = tpu.memref_slice %arg7[%dma_start3A_423, %dma_start3A_424] : memref<4x4096xf32, #tpu.memory_space<vmem>> -> memref<1x1024xf32, #tpu.memory_space<vmem>>
      %dma_start3A_426 = tpu.memref_squeeze %dma_start3A_425 : memref<1x1024xf32, #tpu.memory_space<vmem>> -> memref<1024xf32, #tpu.memory_space<vmem>>
      %dma_start3A_427 = tpu.memref_slice %arg4[%add3A_422] : memref<13631488xf32, #tpu.memory_space<hbm>> -> memref<1024xf32, #tpu.memory_space<hbm>>
      %dma_start3A_428 = tpu.memref_slice %arg4[%add3A_422] : memref<13631488xf32, #tpu.memory_space<hbm>> -> memref<1024xf32, #tpu.memory_space<hbm>>
      %dma_start3A_429 = arith.constant 3072 : i32
      %dma_start3A_430 = tpu.memref_slice %arg7[%dma_start3A_423, %dma_start3A_429] : memref<4x4096xf32, #tpu.memory_space<vmem>> -> memref<1x1024xf32, #tpu.memory_space<vmem>>
      %dma_start3A_431 = tpu.memref_squeeze %dma_start3A_430 : memref<1x1024xf32, #tpu.memory_space<vmem>> -> memref<1024xf32, #tpu.memory_space<vmem>>
      tpu.enqueue_dma source(%dma_start3A_431 : memref<1024xf32, #tpu.memory_space<vmem>>) target(%dma_start3A_428 : memref<1024xf32, #tpu.memory_space<hbm>>) target_semaphore(%arg15 : memref<!tpu.dma_semaphore, #tpu.memory_space<semaphore_mem>>)
      %dma_wait3A_432 = arith.constant 3 : i32
      %dma_wait3A_433 = arith.constant 0 : i32
      %dma_wait3A_434 = arith.constant 0 : i32
      %dma_wait3A_435 = tpu.memref_slice %arg6[%dma_wait3A_432, %dma_wait3A_433, %dma_wait3A_434] : memref<4x128x32xf32, #tpu.memory_space<vmem>> -> memref<1x128x32xf32, #tpu.memory_space<vmem>>
      %dma_wait3A_436 = tpu.memref_squeeze %dma_wait3A_435 : memref<1x128x32xf32, #tpu.memory_space<vmem>> -> memref<128x32xf32, #tpu.memory_space<vmem>>
      %dma_wait3A_437 = arith.constant 384 : i32
      %dma_wait3A_438 = tpu.memref_slice %arg5[%scan3A_132, %dma_wait3A_437] : memref<26x512xi32, #tpu.memory_space<vmem>> -> memref<1x128xi32, #tpu.memory_space<vmem>>
      %dma_wait3A_439 = tpu.memref_squeeze %dma_wait3A_438 : memref<1x128xi32, #tpu.memory_space<vmem>> -> memref<128xi32, #tpu.memory_space<vmem>>
      %dma_wait3A_440 = arith.constant 0 : i32
      %dma_wait3A_441 = arith.constant 0 : i32
      %dma_wait3A_442 = tpu.memref_slice %arg3[%dma_wait3A_440, %dma_wait3A_441] : memref<1000000x32xf32, #tpu.memory_space<hbm>> -> memref<1000000x32xf32, #tpu.memory_space<hbm>>
      tpu.wait_indirect_dma semaphore(%arg12 : memref<!tpu.dma_semaphore, #tpu.memory_space<semaphore_mem>>) src(%dma_wait3A_442 : memref<1000000x32xf32, #tpu.memory_space<hbm>>) dst(%dma_wait3A_436 : memref<128x32xf32, #tpu.memory_space<vmem>>)
      %parallel_loop3A_443 = arith.constant 0 : i32
      %parallel_loop3A_444 = arith.constant 128 : i32
      %parallel_loop3A_445 = arith.constant 1 : i32
      scf.for %parallel_loop3A_662 = %parallel_loop3A_443 to %parallel_loop3A_444 step %parallel_loop3A_445  : i32 {
        %parallel_loop3A_663 = arith.constant 3 : i32
        %parallel_loop3A_664 = arith.index_cast %parallel_loop3A_663 : i32 to index
        %parallel_loop3A_665 = arith.index_cast %parallel_loop3A_662 : i32 to index
        %parallel_loop3A_666 = arith.constant 0 : index
        %parallel_loop3A_667 = tpu.vector_load %arg6[%parallel_loop3A_664, %parallel_loop3A_665, %parallel_loop3A_666] {strides = array<i32>} : memref<4x128x32xf32, #tpu.memory_space<vmem>>, vector<16xf32>,
        %parallel_loop3A_668 = vector.broadcast %parallel_loop3A_662 : i32 to vector<16xi32>
        %parallel_loop3A_669 = arith.addi %add3A_60, %parallel_loop3A_668 : vector<16xi32>
        %parallel_loop3A_670 = arith.constant 3 : i32
        %parallel_loop3A_671 = arith.constant 0 : i32
        %parallel_loop3A_672 = tpu.memref_slice %arg7[%parallel_loop3A_670, %parallel_loop3A_671] : memref<4x4096xf32, #tpu.memory_space<vmem>> -> memref<1x4096xf32, #tpu.memory_space<vmem>>
        %parallel_loop3A_673 = tpu.memref_squeeze %parallel_loop3A_672 : memref<1x4096xf32, #tpu.memory_space<vmem>> -> memref<4096xf32, #tpu.memory_space<vmem>>
        tpu.vector_store_idx %parallel_loop3A_673[%parallel_loop3A_669], %parallel_loop3A_667 : memref<4096xf32, #tpu.memory_space<vmem>>[vector<16xi32>], vector<16xf32>,
        %parallel_loop3A_674 = arith.constant 3 : i32
        %parallel_loop3A_675 = arith.index_cast %parallel_loop3A_674 : i32 to index
        %parallel_loop3A_676 = arith.index_cast %parallel_loop3A_662 : i32 to index
        %parallel_loop3A_677 = arith.constant 16 : index
        %parallel_loop3A_678 = tpu.vector_load %arg6[%parallel_loop3A_675, %parallel_loop3A_676, %parallel_loop3A_677] {strides = array<i32>} : memref<4x128x32xf32, #tpu.memory_space<vmem>>, vector<16xf32>,
        %parallel_loop3A_679 = vector.broadcast %parallel_loop3A_662 : i32 to vector<16xi32>
        %parallel_loop3A_680 = arith.addi %add3A_126, %parallel_loop3A_679 : vector<16xi32>
        %parallel_loop3A_681 = arith.constant 3 : i32
        %parallel_loop3A_682 = arith.constant 0 : i32
        %parallel_loop3A_683 = tpu.memref_slice %arg7[%parallel_loop3A_681, %parallel_loop3A_682] : memref<4x4096xf32, #tpu.memory_space<vmem>> -> memref<1x4096xf32, #tpu.memory_space<vmem>>
        %parallel_loop3A_684 = tpu.memref_squeeze %parallel_loop3A_683 : memref<1x4096xf32, #tpu.memory_space<vmem>> -> memref<4096xf32, #tpu.memory_space<vmem>>
        tpu.vector_store_idx %parallel_loop3A_684[%parallel_loop3A_680], %parallel_loop3A_678 : memref<4096xf32, #tpu.memory_space<vmem>>[vector<16xi32>], vector<16xf32>,
      } {sc.loop_unroll_factor = 4 : i64, sc.parallel_access}
      %mul3A_446 = arith.constant 524288 : i32
      %mul3A_447 = arith.muli %scan3A_132, %mul3A_446 : i32
      %add3A_448 = arith.constant 0 : i32
      %add3A_449 = arith.addi %mul3A_447, %add3A_448 : i32
      %add3A_450 = arith.constant 3 : i32
      %add3A_451 = arith.addi %mul3A_2, %add3A_450 : i32
      %mul3A_452 = arith.constant 1024 : i32
      %mul3A_453 = arith.muli %add3A_451, %mul3A_452 : i32
      %add3A_454 = arith.addi %add3A_449, %mul3A_453 : i32
      %dma_start3A_455 = arith.constant 3 : i32
      %dma_start3A_456 = arith.constant 0 : i32
      %dma_start3A_457 = tpu.memref_slice %arg7[%dma_start3A_455, %dma_start3A_456] : memref<4x4096xf32, #tpu.memory_space<vmem>> -> memref<1x1024xf32, #tpu.memory_space<vmem>>
      %dma_start3A_458 = tpu.memref_squeeze %dma_start3A_457 : memref<1x1024xf32, #tpu.memory_space<vmem>> -> memref<1024xf32, #tpu.memory_space<vmem>>
      %dma_start3A_459 = tpu.memref_slice %arg4[%add3A_454] : memref<13631488xf32, #tpu.memory_space<hbm>> -> memref<1024xf32, #tpu.memory_space<hbm>>
      %dma_start3A_460 = tpu.memref_slice %arg4[%add3A_454] : memref<13631488xf32, #tpu.memory_space<hbm>> -> memref<1024xf32, #tpu.memory_space<hbm>>
      %dma_start3A_461 = arith.constant 0 : i32
      %dma_start3A_462 = tpu.memref_slice %arg7[%dma_start3A_455, %dma_start3A_461] : memref<4x4096xf32, #tpu.memory_space<vmem>> -> memref<1x1024xf32, #tpu.memory_space<vmem>>
      %dma_start3A_463 = tpu.memref_squeeze %dma_start3A_462 : memref<1x1024xf32, #tpu.memory_space<vmem>> -> memref<1024xf32, #tpu.memory_space<vmem>>
      tpu.enqueue_dma source(%dma_start3A_463 : memref<1024xf32, #tpu.memory_space<vmem>>) target(%dma_start3A_460 : memref<1024xf32, #tpu.memory_space<hbm>>) target_semaphore(%arg16 : memref<!tpu.dma_semaphore, #tpu.memory_space<semaphore_mem>>)
      %mul3A_464 = arith.constant 524288 : i32
      %mul3A_465 = arith.muli %scan3A_132, %mul3A_464 : i32
      %add3A_466 = arith.constant 131072 : i32
      %add3A_467 = arith.addi %mul3A_465, %add3A_466 : i32
      %add3A_468 = arith.constant 3 : i32
      %add3A_469 = arith.addi %mul3A_2, %add3A_468 : i32
      %mul3A_470 = arith.constant 1024 : i32
      %mul3A_471 = arith.muli %add3A_469, %mul3A_470 : i32
      %add3A_472 = arith.addi %add3A_467, %mul3A_471 : i32
      %dma_start3A_473 = arith.constant 3 : i32
      %dma_start3A_474 = arith.constant 1024 : i32
      %dma_start3A_475 = tpu.memref_slice %arg7[%dma_start3A_473, %dma_start3A_474] : memref<4x4096xf32, #tpu.memory_space<vmem>> -> memref<1x1024xf32, #tpu.memory_space<vmem>>
      %dma_start3A_476 = tpu.memref_squeeze %dma_start3A_475 : memref<1x1024xf32, #tpu.memory_space<vmem>> -> memref<1024xf32, #tpu.memory_space<vmem>>
      %dma_start3A_477 = tpu.memref_slice %arg4[%add3A_472] : memref<13631488xf32, #tpu.memory_space<hbm>> -> memref<1024xf32, #tpu.memory_space<hbm>>
      %dma_start3A_478 = tpu.memref_slice %arg4[%add3A_472] : memref<13631488xf32, #tpu.memory_space<hbm>> -> memref<1024xf32, #tpu.memory_space<hbm>>
      %dma_start3A_479 = arith.constant 1024 : i32
      %dma_start3A_480 = tpu.memref_slice %arg7[%dma_start3A_473, %dma_start3A_479] : memref<4x4096xf32, #tpu.memory_space<vmem>> -> memref<1x1024xf32, #tpu.memory_space<vmem>>
      %dma_start3A_481 = tpu.memref_squeeze %dma_start3A_480 : memref<1x1024xf32, #tpu.memory_space<vmem>> -> memref<1024xf32, #tpu.memory_space<vmem>>
      tpu.enqueue_dma source(%dma_start3A_481 : memref<1024xf32, #tpu.memory_space<vmem>>) target(%dma_start3A_478 : memref<1024xf32, #tpu.memory_space<hbm>>) target_semaphore(%arg16 : memref<!tpu.dma_semaphore, #tpu.memory_space<semaphore_mem>>)
      %mul3A_482 = arith.constant 524288 : i32
      %mul3A_483 = arith.muli %scan3A_132, %mul3A_482 : i32
      %add3A_484 = arith.constant 262144 : i32
      %add3A_485 = arith.addi %mul3A_483, %add3A_484 : i32
      %add3A_486 = arith.constant 3 : i32
      %add3A_487 = arith.addi %mul3A_2, %add3A_486 : i32
      %mul3A_488 = arith.constant 1024 : i32
      %mul3A_489 = arith.muli %add3A_487, %mul3A_488 : i32
      %add3A_490 = arith.addi %add3A_485, %mul3A_489 : i32
      %dma_start3A_491 = arith.constant 3 : i32
      %dma_start3A_492 = arith.constant 2048 : i32
      %dma_start3A_493 = tpu.memref_slice %arg7[%dma_start3A_491, %dma_start3A_492] : memref<4x4096xf32, #tpu.memory_space<vmem>> -> memref<1x1024xf32, #tpu.memory_space<vmem>>
      %dma_start3A_494 = tpu.memref_squeeze %dma_start3A_493 : memref<1x1024xf32, #tpu.memory_space<vmem>> -> memref<1024xf32, #tpu.memory_space<vmem>>
      %dma_start3A_495 = tpu.memref_slice %arg4[%add3A_490] : memref<13631488xf32, #tpu.memory_space<hbm>> -> memref<1024xf32, #tpu.memory_space<hbm>>
      %dma_start3A_496 = tpu.memref_slice %arg4[%add3A_490] : memref<13631488xf32, #tpu.memory_space<hbm>> -> memref<1024xf32, #tpu.memory_space<hbm>>
      %dma_start3A_497 = arith.constant 2048 : i32
      %dma_start3A_498 = tpu.memref_slice %arg7[%dma_start3A_491, %dma_start3A_497] : memref<4x4096xf32, #tpu.memory_space<vmem>> -> memref<1x1024xf32, #tpu.memory_space<vmem>>
      %dma_start3A_499 = tpu.memref_squeeze %dma_start3A_498 : memref<1x1024xf32, #tpu.memory_space<vmem>> -> memref<1024xf32, #tpu.memory_space<vmem>>
      tpu.enqueue_dma source(%dma_start3A_499 : memref<1024xf32, #tpu.memory_space<vmem>>) target(%dma_start3A_496 : memref<1024xf32, #tpu.memory_space<hbm>>) target_semaphore(%arg16 : memref<!tpu.dma_semaphore, #tpu.memory_space<semaphore_mem>>)
      %mul3A_500 = arith.constant 524288 : i32
      %mul3A_501 = arith.muli %scan3A_132, %mul3A_500 : i32
      %add3A_502 = arith.constant 393216 : i32
      %add3A_503 = arith.addi %mul3A_501, %add3A_502 : i32
      %add3A_504 = arith.constant 3 : i32
      %add3A_505 = arith.addi %mul3A_2, %add3A_504 : i32
      %mul3A_506 = arith.constant 1024 : i32
      %mul3A_507 = arith.muli %add3A_505, %mul3A_506 : i32
      %add3A_508 = arith.addi %add3A_503, %mul3A_507 : i32
      %dma_start3A_509 = arith.constant 3 : i32
      %dma_start3A_510 = arith.constant 3072 : i32
      %dma_start3A_511 = tpu.memref_slice %arg7[%dma_start3A_509, %dma_start3A_510] : memref<4x4096xf32, #tpu.memory_space<vmem>> -> memref<1x1024xf32, #tpu.memory_space<vmem>>
      %dma_start3A_512 = tpu.memref_squeeze %dma_start3A_511 : memref<1x1024xf32, #tpu.memory_space<vmem>> -> memref<1024xf32, #tpu.memory_space<vmem>>
      %dma_start3A_513 = tpu.memref_slice %arg4[%add3A_508] : memref<13631488xf32, #tpu.memory_space<hbm>> -> memref<1024xf32, #tpu.memory_space<hbm>>
      %dma_start3A_514 = tpu.memref_slice %arg4[%add3A_508] : memref<13631488xf32, #tpu.memory_space<hbm>> -> memref<1024xf32, #tpu.memory_space<hbm>>
      %dma_start3A_515 = arith.constant 3072 : i32
      %dma_start3A_516 = tpu.memref_slice %arg7[%dma_start3A_509, %dma_start3A_515] : memref<4x4096xf32, #tpu.memory_space<vmem>> -> memref<1x1024xf32, #tpu.memory_space<vmem>>
      %dma_start3A_517 = tpu.memref_squeeze %dma_start3A_516 : memref<1x1024xf32, #tpu.memory_space<vmem>> -> memref<1024xf32, #tpu.memory_space<vmem>>
      tpu.enqueue_dma source(%dma_start3A_517 : memref<1024xf32, #tpu.memory_space<vmem>>) target(%dma_start3A_514 : memref<1024xf32, #tpu.memory_space<hbm>>) target_semaphore(%arg16 : memref<!tpu.dma_semaphore, #tpu.memory_space<semaphore_mem>>)
      %dma_wait3A_518 = arith.constant 0 : i32
      %dma_wait3A_519 = arith.constant 0 : i32
      %dma_wait3A_520 = tpu.memref_slice %arg7[%dma_wait3A_518, %dma_wait3A_519] : memref<4x4096xf32, #tpu.memory_space<vmem>> -> memref<1x1024xf32, #tpu.memory_space<vmem>>
      %dma_wait3A_521 = tpu.memref_squeeze %dma_wait3A_520 : memref<1x1024xf32, #tpu.memory_space<vmem>> -> memref<1024xf32, #tpu.memory_space<vmem>>
      %dma_wait3A_522 = tpu.memref_slice %arg4[%add3A_196] : memref<13631488xf32, #tpu.memory_space<hbm>> -> memref<1024xf32, #tpu.memory_space<hbm>>
      %dma_wait3A_523 = tpu.memref_slice %arg4[%add3A_196] : memref<13631488xf32, #tpu.memory_space<hbm>> -> memref<1024xf32, #tpu.memory_space<hbm>>
      %dma_wait3A_524 = arith.constant 0 : i32
      %dma_wait3A_525 = tpu.memref_slice %arg7[%dma_wait3A_518, %dma_wait3A_524] : memref<4x4096xf32, #tpu.memory_space<vmem>> -> memref<1x1024xf32, #tpu.memory_space<vmem>>
      %dma_wait3A_526 = tpu.memref_squeeze %dma_wait3A_525 : memref<1x1024xf32, #tpu.memory_space<vmem>> -> memref<1024xf32, #tpu.memory_space<vmem>>
      tpu.wait_dma2 semaphore(%arg13 : memref<!tpu.dma_semaphore, #tpu.memory_space<semaphore_mem>>) src(%dma_wait3A_526 : memref<1024xf32, #tpu.memory_space<vmem>>) dst(%dma_wait3A_523 : memref<1024xf32, #tpu.memory_space<hbm>>)
      %dma_wait3A_527 = arith.constant 0 : i32
      %dma_wait3A_528 = arith.constant 1024 : i32
      %dma_wait3A_529 = tpu.memref_slice %arg7[%dma_wait3A_527, %dma_wait3A_528] : memref<4x4096xf32, #tpu.memory_space<vmem>> -> memref<1x1024xf32, #tpu.memory_space<vmem>>
      %dma_wait3A_530 = tpu.memref_squeeze %dma_wait3A_529 : memref<1x1024xf32, #tpu.memory_space<vmem>> -> memref<1024xf32, #tpu.memory_space<vmem>>
      %dma_wait3A_531 = tpu.memref_slice %arg4[%add3A_214] : memref<13631488xf32, #tpu.memory_space<hbm>> -> memref<1024xf32, #tpu.memory_space<hbm>>
      %dma_wait3A_532 = tpu.memref_slice %arg4[%add3A_214] : memref<13631488xf32, #tpu.memory_space<hbm>> -> memref<1024xf32, #tpu.memory_space<hbm>>
      %dma_wait3A_533 = arith.constant 1024 : i32
      %dma_wait3A_534 = tpu.memref_slice %arg7[%dma_wait3A_527, %dma_wait3A_533] : memref<4x4096xf32, #tpu.memory_space<vmem>> -> memref<1x1024xf32, #tpu.memory_space<vmem>>
      %dma_wait3A_535 = tpu.memref_squeeze %dma_wait3A_534 : memref<1x1024xf32, #tpu.memory_space<vmem>> -> memref<1024xf32, #tpu.memory_space<vmem>>
      tpu.wait_dma2 semaphore(%arg13 : memref<!tpu.dma_semaphore, #tpu.memory_space<semaphore_mem>>) src(%dma_wait3A_535 : memref<1024xf32, #tpu.memory_space<vmem>>) dst(%dma_wait3A_532 : memref<1024xf32, #tpu.memory_space<hbm>>)
      %dma_wait3A_536 = arith.constant 0 : i32
      %dma_wait3A_537 = arith.constant 2048 : i32
      %dma_wait3A_538 = tpu.memref_slice %arg7[%dma_wait3A_536, %dma_wait3A_537] : memref<4x4096xf32, #tpu.memory_space<vmem>> -> memref<1x1024xf32, #tpu.memory_space<vmem>>
      %dma_wait3A_539 = tpu.memref_squeeze %dma_wait3A_538 : memref<1x1024xf32, #tpu.memory_space<vmem>> -> memref<1024xf32, #tpu.memory_space<vmem>>
      %dma_wait3A_540 = tpu.memref_slice %arg4[%add3A_232] : memref<13631488xf32, #tpu.memory_space<hbm>> -> memref<1024xf32, #tpu.memory_space<hbm>>
      %dma_wait3A_541 = tpu.memref_slice %arg4[%add3A_232] : memref<13631488xf32, #tpu.memory_space<hbm>> -> memref<1024xf32, #tpu.memory_space<hbm>>
      %dma_wait3A_542 = arith.constant 2048 : i32
      %dma_wait3A_543 = tpu.memref_slice %arg7[%dma_wait3A_536, %dma_wait3A_542] : memref<4x4096xf32, #tpu.memory_space<vmem>> -> memref<1x1024xf32, #tpu.memory_space<vmem>>
      %dma_wait3A_544 = tpu.memref_squeeze %dma_wait3A_543 : memref<1x1024xf32, #tpu.memory_space<vmem>> -> memref<1024xf32, #tpu.memory_space<vmem>>
      tpu.wait_dma2 semaphore(%arg13 : memref<!tpu.dma_semaphore, #tpu.memory_space<semaphore_mem>>) src(%dma_wait3A_544 : memref<1024xf32, #tpu.memory_space<vmem>>) dst(%dma_wait3A_541 : memref<1024xf32, #tpu.memory_space<hbm>>)
      %dma_wait3A_545 = arith.constant 0 : i32
      %dma_wait3A_546 = arith.constant 3072 : i32
      %dma_wait3A_547 = tpu.memref_slice %arg7[%dma_wait3A_545, %dma_wait3A_546] : memref<4x4096xf32, #tpu.memory_space<vmem>> -> memref<1x1024xf32, #tpu.memory_space<vmem>>
      %dma_wait3A_548 = tpu.memref_squeeze %dma_wait3A_547 : memref<1x1024xf32, #tpu.memory_space<vmem>> -> memref<1024xf32, #tpu.memory_space<vmem>>
      %dma_wait3A_549 = tpu.memref_slice %arg4[%add3A_250] : memref<13631488xf32, #tpu.memory_space<hbm>> -> memref<1024xf32, #tpu.memory_space<hbm>>
      %dma_wait3A_550 = tpu.memref_slice %arg4[%add3A_250] : memref<13631488xf32, #tpu.memory_space<hbm>> -> memref<1024xf32, #tpu.memory_space<hbm>>
      %dma_wait3A_551 = arith.constant 3072 : i32
      %dma_wait3A_552 = tpu.memref_slice %arg7[%dma_wait3A_545, %dma_wait3A_551] : memref<4x4096xf32, #tpu.memory_space<vmem>> -> memref<1x1024xf32, #tpu.memory_space<vmem>>
      %dma_wait3A_553 = tpu.memref_squeeze %dma_wait3A_552 : memref<1x1024xf32, #tpu.memory_space<vmem>> -> memref<1024xf32, #tpu.memory_space<vmem>>
      tpu.wait_dma2 semaphore(%arg13 : memref<!tpu.dma_semaphore, #tpu.memory_space<semaphore_mem>>) src(%dma_wait3A_553 : memref<1024xf32, #tpu.memory_space<vmem>>) dst(%dma_wait3A_550 : memref<1024xf32, #tpu.memory_space<hbm>>)
      %dma_wait3A_554 = arith.constant 1 : i32
      %dma_wait3A_555 = arith.constant 0 : i32
      %dma_wait3A_556 = tpu.memref_slice %arg7[%dma_wait3A_554, %dma_wait3A_555] : memref<4x4096xf32, #tpu.memory_space<vmem>> -> memref<1x1024xf32, #tpu.memory_space<vmem>>
      %dma_wait3A_557 = tpu.memref_squeeze %dma_wait3A_556 : memref<1x1024xf32, #tpu.memory_space<vmem>> -> memref<1024xf32, #tpu.memory_space<vmem>>
      %dma_wait3A_558 = tpu.memref_slice %arg4[%add3A_282] : memref<13631488xf32, #tpu.memory_space<hbm>> -> memref<1024xf32, #tpu.memory_space<hbm>>
      %dma_wait3A_559 = tpu.memref_slice %arg4[%add3A_282] : memref<13631488xf32, #tpu.memory_space<hbm>> -> memref<1024xf32, #tpu.memory_space<hbm>>
      %dma_wait3A_560 = arith.constant 0 : i32
      %dma_wait3A_561 = tpu.memref_slice %arg7[%dma_wait3A_554, %dma_wait3A_560] : memref<4x4096xf32, #tpu.memory_space<vmem>> -> memref<1x1024xf32, #tpu.memory_space<vmem>>
      %dma_wait3A_562 = tpu.memref_squeeze %dma_wait3A_561 : memref<1x1024xf32, #tpu.memory_space<vmem>> -> memref<1024xf32, #tpu.memory_space<vmem>>
      tpu.wait_dma2 semaphore(%arg14 : memref<!tpu.dma_semaphore, #tpu.memory_space<semaphore_mem>>) src(%dma_wait3A_562 : memref<1024xf32, #tpu.memory_space<vmem>>) dst(%dma_wait3A_559 : memref<1024xf32, #tpu.memory_space<hbm>>)
      %dma_wait3A_563 = arith.constant 1 : i32
      %dma_wait3A_564 = arith.constant 1024 : i32
      %dma_wait3A_565 = tpu.memref_slice %arg7[%dma_wait3A_563, %dma_wait3A_564] : memref<4x4096xf32, #tpu.memory_space<vmem>> -> memref<1x1024xf32, #tpu.memory_space<vmem>>
      %dma_wait3A_566 = tpu.memref_squeeze %dma_wait3A_565 : memref<1x1024xf32, #tpu.memory_space<vmem>> -> memref<1024xf32, #tpu.memory_space<vmem>>
      %dma_wait3A_567 = tpu.memref_slice %arg4[%add3A_300] : memref<13631488xf32, #tpu.memory_space<hbm>> -> memref<1024xf32, #tpu.memory_space<hbm>>
      %dma_wait3A_568 = tpu.memref_slice %arg4[%add3A_300] : memref<13631488xf32, #tpu.memory_space<hbm>> -> memref<1024xf32, #tpu.memory_space<hbm>>
      %dma_wait3A_569 = arith.constant 1024 : i32
      %dma_wait3A_570 = tpu.memref_slice %arg7[%dma_wait3A_563, %dma_wait3A_569] : memref<4x4096xf32, #tpu.memory_space<vmem>> -> memref<1x1024xf32, #tpu.memory_space<vmem>>
      %dma_wait3A_571 = tpu.memref_squeeze %dma_wait3A_570 : memref<1x1024xf32, #tpu.memory_space<vmem>> -> memref<1024xf32, #tpu.memory_space<vmem>>
      tpu.wait_dma2 semaphore(%arg14 : memref<!tpu.dma_semaphore, #tpu.memory_space<semaphore_mem>>) src(%dma_wait3A_571 : memref<1024xf32, #tpu.memory_space<vmem>>) dst(%dma_wait3A_568 : memref<1024xf32, #tpu.memory_space<hbm>>)
      %dma_wait3A_572 = arith.constant 1 : i32
      %dma_wait3A_573 = arith.constant 2048 : i32
      %dma_wait3A_574 = tpu.memref_slice %arg7[%dma_wait3A_572, %dma_wait3A_573] : memref<4x4096xf32, #tpu.memory_space<vmem>> -> memref<1x1024xf32, #tpu.memory_space<vmem>>
      %dma_wait3A_575 = tpu.memref_squeeze %dma_wait3A_574 : memref<1x1024xf32, #tpu.memory_space<vmem>> -> memref<1024xf32, #tpu.memory_space<vmem>>
      %dma_wait3A_576 = tpu.memref_slice %arg4[%add3A_318] : memref<13631488xf32, #tpu.memory_space<hbm>> -> memref<1024xf32, #tpu.memory_space<hbm>>
      %dma_wait3A_577 = tpu.memref_slice %arg4[%add3A_318] : memref<13631488xf32, #tpu.memory_space<hbm>> -> memref<1024xf32, #tpu.memory_space<hbm>>
      %dma_wait3A_578 = arith.constant 2048 : i32
      %dma_wait3A_579 = tpu.memref_slice %arg7[%dma_wait3A_572, %dma_wait3A_578] : memref<4x4096xf32, #tpu.memory_space<vmem>> -> memref<1x1024xf32, #tpu.memory_space<vmem>>
      %dma_wait3A_580 = tpu.memref_squeeze %dma_wait3A_579 : memref<1x1024xf32, #tpu.memory_space<vmem>> -> memref<1024xf32, #tpu.memory_space<vmem>>
      tpu.wait_dma2 semaphore(%arg14 : memref<!tpu.dma_semaphore, #tpu.memory_space<semaphore_mem>>) src(%dma_wait3A_580 : memref<1024xf32, #tpu.memory_space<vmem>>) dst(%dma_wait3A_577 : memref<1024xf32, #tpu.memory_space<hbm>>)
      %dma_wait3A_581 = arith.constant 1 : i32
      %dma_wait3A_582 = arith.constant 3072 : i32
      %dma_wait3A_583 = tpu.memref_slice %arg7[%dma_wait3A_581, %dma_wait3A_582] : memref<4x4096xf32, #tpu.memory_space<vmem>> -> memref<1x1024xf32, #tpu.memory_space<vmem>>
      %dma_wait3A_584 = tpu.memref_squeeze %dma_wait3A_583 : memref<1x1024xf32, #tpu.memory_space<vmem>> -> memref<1024xf32, #tpu.memory_space<vmem>>
      %dma_wait3A_585 = tpu.memref_slice %arg4[%add3A_336] : memref<13631488xf32, #tpu.memory_space<hbm>> -> memref<1024xf32, #tpu.memory_space<hbm>>
      %dma_wait3A_586 = tpu.memref_slice %arg4[%add3A_336] : memref<13631488xf32, #tpu.memory_space<hbm>> -> memref<1024xf32, #tpu.memory_space<hbm>>
      %dma_wait3A_587 = arith.constant 3072 : i32
      %dma_wait3A_588 = tpu.memref_slice %arg7[%dma_wait3A_581, %dma_wait3A_587] : memref<4x4096xf32, #tpu.memory_space<vmem>> -> memref<1x1024xf32, #tpu.memory_space<vmem>>
      %dma_wait3A_589 = tpu.memref_squeeze %dma_wait3A_588 : memref<1x1024xf32, #tpu.memory_space<vmem>> -> memref<1024xf32, #tpu.memory_space<vmem>>
      tpu.wait_dma2 semaphore(%arg14 : memref<!tpu.dma_semaphore, #tpu.memory_space<semaphore_mem>>) src(%dma_wait3A_589 : memref<1024xf32, #tpu.memory_space<vmem>>) dst(%dma_wait3A_586 : memref<1024xf32, #tpu.memory_space<hbm>>)
      %dma_wait3A_590 = arith.constant 2 : i32
      %dma_wait3A_591 = arith.constant 0 : i32
      %dma_wait3A_592 = tpu.memref_slice %arg7[%dma_wait3A_590, %dma_wait3A_591] : memref<4x4096xf32, #tpu.memory_space<vmem>> -> memref<1x1024xf32, #tpu.memory_space<vmem>>
      %dma_wait3A_593 = tpu.memref_squeeze %dma_wait3A_592 : memref<1x1024xf32, #tpu.memory_space<vmem>> -> memref<1024xf32, #tpu.memory_space<vmem>>
      %dma_wait3A_594 = tpu.memref_slice %arg4[%add3A_368] : memref<13631488xf32, #tpu.memory_space<hbm>> -> memref<1024xf32, #tpu.memory_space<hbm>>
      %dma_wait3A_595 = tpu.memref_slice %arg4[%add3A_368] : memref<13631488xf32, #tpu.memory_space<hbm>> -> memref<1024xf32, #tpu.memory_space<hbm>>
      %dma_wait3A_596 = arith.constant 0 : i32
      %dma_wait3A_597 = tpu.memref_slice %arg7[%dma_wait3A_590, %dma_wait3A_596] : memref<4x4096xf32, #tpu.memory_space<vmem>> -> memref<1x1024xf32, #tpu.memory_space<vmem>>
      %dma_wait3A_598 = tpu.memref_squeeze %dma_wait3A_597 : memref<1x1024xf32, #tpu.memory_space<vmem>> -> memref<1024xf32, #tpu.memory_space<vmem>>
      tpu.wait_dma2 semaphore(%arg15 : memref<!tpu.dma_semaphore, #tpu.memory_space<semaphore_mem>>) src(%dma_wait3A_598 : memref<1024xf32, #tpu.memory_space<vmem>>) dst(%dma_wait3A_595 : memref<1024xf32, #tpu.memory_space<hbm>>)
      %dma_wait3A_599 = arith.constant 2 : i32
      %dma_wait3A_600 = arith.constant 1024 : i32
      %dma_wait3A_601 = tpu.memref_slice %arg7[%dma_wait3A_599, %dma_wait3A_600] : memref<4x4096xf32, #tpu.memory_space<vmem>> -> memref<1x1024xf32, #tpu.memory_space<vmem>>
      %dma_wait3A_602 = tpu.memref_squeeze %dma_wait3A_601 : memref<1x1024xf32, #tpu.memory_space<vmem>> -> memref<1024xf32, #tpu.memory_space<vmem>>
      %dma_wait3A_603 = tpu.memref_slice %arg4[%add3A_386] : memref<13631488xf32, #tpu.memory_space<hbm>> -> memref<1024xf32, #tpu.memory_space<hbm>>
      %dma_wait3A_604 = tpu.memref_slice %arg4[%add3A_386] : memref<13631488xf32, #tpu.memory_space<hbm>> -> memref<1024xf32, #tpu.memory_space<hbm>>
      %dma_wait3A_605 = arith.constant 1024 : i32
      %dma_wait3A_606 = tpu.memref_slice %arg7[%dma_wait3A_599, %dma_wait3A_605] : memref<4x4096xf32, #tpu.memory_space<vmem>> -> memref<1x1024xf32, #tpu.memory_space<vmem>>
      %dma_wait3A_607 = tpu.memref_squeeze %dma_wait3A_606 : memref<1x1024xf32, #tpu.memory_space<vmem>> -> memref<1024xf32, #tpu.memory_space<vmem>>
      tpu.wait_dma2 semaphore(%arg15 : memref<!tpu.dma_semaphore, #tpu.memory_space<semaphore_mem>>) src(%dma_wait3A_607 : memref<1024xf32, #tpu.memory_space<vmem>>) dst(%dma_wait3A_604 : memref<1024xf32, #tpu.memory_space<hbm>>)
      %dma_wait3A_608 = arith.constant 2 : i32
      %dma_wait3A_609 = arith.constant 2048 : i32
      %dma_wait3A_610 = tpu.memref_slice %arg7[%dma_wait3A_608, %dma_wait3A_609] : memref<4x4096xf32, #tpu.memory_space<vmem>> -> memref<1x1024xf32, #tpu.memory_space<vmem>>
      %dma_wait3A_611 = tpu.memref_squeeze %dma_wait3A_610 : memref<1x1024xf32, #tpu.memory_space<vmem>> -> memref<1024xf32, #tpu.memory_space<vmem>>
      %dma_wait3A_612 = tpu.memref_slice %arg4[%add3A_404] : memref<13631488xf32, #tpu.memory_space<hbm>> -> memref<1024xf32, #tpu.memory_space<hbm>>
      %dma_wait3A_613 = tpu.memref_slice %arg4[%add3A_404] : memref<13631488xf32, #tpu.memory_space<hbm>> -> memref<1024xf32, #tpu.memory_space<hbm>>
      %dma_wait3A_614 = arith.constant 2048 : i32
      %dma_wait3A_615 = tpu.memref_slice %arg7[%dma_wait3A_608, %dma_wait3A_614] : memref<4x4096xf32, #tpu.memory_space<vmem>> -> memref<1x1024xf32, #tpu.memory_space<vmem>>
      %dma_wait3A_616 = tpu.memref_squeeze %dma_wait3A_615 : memref<1x1024xf32, #tpu.memory_space<vmem>> -> memref<1024xf32, #tpu.memory_space<vmem>>
      tpu.wait_dma2 semaphore(%arg15 : memref<!tpu.dma_semaphore, #tpu.memory_space<semaphore_mem>>) src(%dma_wait3A_616 : memref<1024xf32, #tpu.memory_space<vmem>>) dst(%dma_wait3A_613 : memref<1024xf32, #tpu.memory_space<hbm>>)
      %dma_wait3A_617 = arith.constant 2 : i32
      %dma_wait3A_618 = arith.constant 3072 : i32
      %dma_wait3A_619 = tpu.memref_slice %arg7[%dma_wait3A_617, %dma_wait3A_618] : memref<4x4096xf32, #tpu.memory_space<vmem>> -> memref<1x1024xf32, #tpu.memory_space<vmem>>
      %dma_wait3A_620 = tpu.memref_squeeze %dma_wait3A_619 : memref<1x1024xf32, #tpu.memory_space<vmem>> -> memref<1024xf32, #tpu.memory_space<vmem>>
      %dma_wait3A_621 = tpu.memref_slice %arg4[%add3A_422] : memref<13631488xf32, #tpu.memory_space<hbm>> -> memref<1024xf32, #tpu.memory_space<hbm>>
      %dma_wait3A_622 = tpu.memref_slice %arg4[%add3A_422] : memref<13631488xf32, #tpu.memory_space<hbm>> -> memref<1024xf32, #tpu.memory_space<hbm>>
      %dma_wait3A_623 = arith.constant 3072 : i32
      %dma_wait3A_624 = tpu.memref_slice %arg7[%dma_wait3A_617, %dma_wait3A_623] : memref<4x4096xf32, #tpu.memory_space<vmem>> -> memref<1x1024xf32, #tpu.memory_space<vmem>>
      %dma_wait3A_625 = tpu.memref_squeeze %dma_wait3A_624 : memref<1x1024xf32, #tpu.memory_space<vmem>> -> memref<1024xf32, #tpu.memory_space<vmem>>
      tpu.wait_dma2 semaphore(%arg15 : memref<!tpu.dma_semaphore, #tpu.memory_space<semaphore_mem>>) src(%dma_wait3A_625 : memref<1024xf32, #tpu.memory_space<vmem>>) dst(%dma_wait3A_622 : memref<1024xf32, #tpu.memory_space<hbm>>)
      %dma_wait3A_626 = arith.constant 3 : i32
      %dma_wait3A_627 = arith.constant 0 : i32
      %dma_wait3A_628 = tpu.memref_slice %arg7[%dma_wait3A_626, %dma_wait3A_627] : memref<4x4096xf32, #tpu.memory_space<vmem>> -> memref<1x1024xf32, #tpu.memory_space<vmem>>
      %dma_wait3A_629 = tpu.memref_squeeze %dma_wait3A_628 : memref<1x1024xf32, #tpu.memory_space<vmem>> -> memref<1024xf32, #tpu.memory_space<vmem>>
      %dma_wait3A_630 = tpu.memref_slice %arg4[%add3A_454] : memref<13631488xf32, #tpu.memory_space<hbm>> -> memref<1024xf32, #tpu.memory_space<hbm>>
      %dma_wait3A_631 = tpu.memref_slice %arg4[%add3A_454] : memref<13631488xf32, #tpu.memory_space<hbm>> -> memref<1024xf32, #tpu.memory_space<hbm>>
      %dma_wait3A_632 = arith.constant 0 : i32
      %dma_wait3A_633 = tpu.memref_slice %arg7[%dma_wait3A_626, %dma_wait3A_632] : memref<4x4096xf32, #tpu.memory_space<vmem>> -> memref<1x1024xf32, #tpu.memory_space<vmem>>
      %dma_wait3A_634 = tpu.memref_squeeze %dma_wait3A_633 : memref<1x1024xf32, #tpu.memory_space<vmem>> -> memref<1024xf32, #tpu.memory_space<vmem>>
      tpu.wait_dma2 semaphore(%arg16 : memref<!tpu.dma_semaphore, #tpu.memory_space<semaphore_mem>>) src(%dma_wait3A_634 : memref<1024xf32, #tpu.memory_space<vmem>>) dst(%dma_wait3A_631 : memref<1024xf32, #tpu.memory_space<hbm>>)
      %dma_wait3A_635 = arith.constant 3 : i32
      %dma_wait3A_636 = arith.constant 1024 : i32
      %dma_wait3A_637 = tpu.memref_slice %arg7[%dma_wait3A_635, %dma_wait3A_636] : memref<4x4096xf32, #tpu.memory_space<vmem>> -> memref<1x1024xf32, #tpu.memory_space<vmem>>
      %dma_wait3A_638 = tpu.memref_squeeze %dma_wait3A_637 : memref<1x1024xf32, #tpu.memory_space<vmem>> -> memref<1024xf32, #tpu.memory_space<vmem>>
      %dma_wait3A_639 = tpu.memref_slice %arg4[%add3A_472] : memref<13631488xf32, #tpu.memory_space<hbm>> -> memref<1024xf32, #tpu.memory_space<hbm>>
      %dma_wait3A_640 = tpu.memref_slice %arg4[%add3A_472] : memref<13631488xf32, #tpu.memory_space<hbm>> -> memref<1024xf32, #tpu.memory_space<hbm>>
      %dma_wait3A_641 = arith.constant 1024 : i32
      %dma_wait3A_642 = tpu.memref_slice %arg7[%dma_wait3A_635, %dma_wait3A_641] : memref<4x4096xf32, #tpu.memory_space<vmem>> -> memref<1x1024xf32, #tpu.memory_space<vmem>>
      %dma_wait3A_643 = tpu.memref_squeeze %dma_wait3A_642 : memref<1x1024xf32, #tpu.memory_space<vmem>> -> memref<1024xf32, #tpu.memory_space<vmem>>
      tpu.wait_dma2 semaphore(%arg16 : memref<!tpu.dma_semaphore, #tpu.memory_space<semaphore_mem>>) src(%dma_wait3A_643 : memref<1024xf32, #tpu.memory_space<vmem>>) dst(%dma_wait3A_640 : memref<1024xf32, #tpu.memory_space<hbm>>)
      %dma_wait3A_644 = arith.constant 3 : i32
      %dma_wait3A_645 = arith.constant 2048 : i32
      %dma_wait3A_646 = tpu.memref_slice %arg7[%dma_wait3A_644, %dma_wait3A_645] : memref<4x4096xf32, #tpu.memory_space<vmem>> -> memref<1x1024xf32, #tpu.memory_space<vmem>>
      %dma_wait3A_647 = tpu.memref_squeeze %dma_wait3A_646 : memref<1x1024xf32, #tpu.memory_space<vmem>> -> memref<1024xf32, #tpu.memory_space<vmem>>
      %dma_wait3A_648 = tpu.memref_slice %arg4[%add3A_490] : memref<13631488xf32, #tpu.memory_space<hbm>> -> memref<1024xf32, #tpu.memory_space<hbm>>
      %dma_wait3A_649 = tpu.memref_slice %arg4[%add3A_490] : memref<13631488xf32, #tpu.memory_space<hbm>> -> memref<1024xf32, #tpu.memory_space<hbm>>
      %dma_wait3A_650 = arith.constant 2048 : i32
      %dma_wait3A_651 = tpu.memref_slice %arg7[%dma_wait3A_644, %dma_wait3A_650] : memref<4x4096xf32, #tpu.memory_space<vmem>> -> memref<1x1024xf32, #tpu.memory_space<vmem>>
      %dma_wait3A_652 = tpu.memref_squeeze %dma_wait3A_651 : memref<1x1024xf32, #tpu.memory_space<vmem>> -> memref<1024xf32, #tpu.memory_space<vmem>>
      tpu.wait_dma2 semaphore(%arg16 : memref<!tpu.dma_semaphore, #tpu.memory_space<semaphore_mem>>) src(%dma_wait3A_652 : memref<1024xf32, #tpu.memory_space<vmem>>) dst(%dma_wait3A_649 : memref<1024xf32, #tpu.memory_space<hbm>>)
      %dma_wait3A_653 = arith.constant 3 : i32
      %dma_wait3A_654 = arith.constant 3072 : i32
      %dma_wait3A_655 = tpu.memref_slice %arg7[%dma_wait3A_653, %dma_wait3A_654] : memref<4x4096xf32, #tpu.memory_space<vmem>> -> memref<1x1024xf32, #tpu.memory_space<vmem>>
      %dma_wait3A_656 = tpu.memref_squeeze %dma_wait3A_655 : memref<1x1024xf32, #tpu.memory_space<vmem>> -> memref<1024xf32, #tpu.memory_space<vmem>>
      %dma_wait3A_657 = tpu.memref_slice %arg4[%add3A_508] : memref<13631488xf32, #tpu.memory_space<hbm>> -> memref<1024xf32, #tpu.memory_space<hbm>>
      %dma_wait3A_658 = tpu.memref_slice %arg4[%add3A_508] : memref<13631488xf32, #tpu.memory_space<hbm>> -> memref<1024xf32, #tpu.memory_space<hbm>>
      %dma_wait3A_659 = arith.constant 3072 : i32
      %dma_wait3A_660 = tpu.memref_slice %arg7[%dma_wait3A_653, %dma_wait3A_659] : memref<4x4096xf32, #tpu.memory_space<vmem>> -> memref<1x1024xf32, #tpu.memory_space<vmem>>
      %dma_wait3A_661 = tpu.memref_squeeze %dma_wait3A_660 : memref<1x1024xf32, #tpu.memory_space<vmem>> -> memref<1024xf32, #tpu.memory_space<vmem>>
      tpu.wait_dma2 semaphore(%arg16 : memref<!tpu.dma_semaphore, #tpu.memory_space<semaphore_mem>>) src(%dma_wait3A_661 : memref<1024xf32, #tpu.memory_space<vmem>>) dst(%dma_wait3A_658 : memref<1024xf32, #tpu.memory_space<hbm>>)
    }
    %scan3A_131 = arith.constant 26 : i32
    return
  }
}

</mosaic_0001>

<sc_bundles>
// kernel: kernel.4.cloned.1.call-start
scs
__scs_entry_jumppad:
0x0: {  	(pc) =	sbr.rel $0x88, $3  }
0x1: {  	(tag) =	ssettag $0x0;
	lr =	simm.s32 $0x1  }
0x2: {  	[smem:$0x3F9F] =	sst lr;
	_ =	strace $0xD0000000  }
0x3: {  	_ = 	snop  }
0x4: {  	_ = 	snop  }
0x5: {  	_ = 	snop  }
0x6: {  	_ = 	snop  }
0x7: {  	_ = 	snop  }
__scs_overlays_trampoline_lowered:
0x8: {  	[smem:$0x3FAE] =	sst s0  }
0x9: {  	[smem:$0x3FAF] =	sst s1  }
0xa: {  	[smem:$0x3FB0] =	sst s2  }
0xb: {  	[smem:$0x3FB1] =	sst s3  }
0xc: {  	[smem:$0x3FB2] =	sst s4  }
0xd: {  	[smem:$0x3FB3] =	sst s5  }
0xe: {  	[smem:$0x3FB4] =	sst s6  }
0xf: {  	[smem:$0x3FB5] =	sst s7  }
0x10: {  	[smem:$0x3FB6] =	sst s8  }
0x11: {  	[smem:$0x3FB7] =	sst s9;
	s0 =	simm.s32 @!p0 $0x0  }
0x12: {  	s1 =	sld [smem:$0x3F9D];
	s0 =	simm.s32 @p0 $0x1  }
0x13: {  	[smem:$0x3FB8] =	sst s0;
	s0 =	simm.s32 @!p1 $0x0  }
0x14: {  	s2 =	sld [smem:$0x3F9C];
	s0 =	simm.s32 @p1 $0x1  }
0x15: {  	[smem:$0x3FB9] =	sst s0;
	s0 =	simm.s32 @!p2 $0x0  }
0x16: {  	s3 =	sld [smem:$0x3FDB];
	s0 =	simm.s32 @p2 $0x1  }
0x17: {  	s4 =	simm.s32 $0x1BF5;
	[smem:$0x3FBB] =	sst s0  }
0x18: {  	s0 =	sld [smem:$0x3F9E];
	_ =	swait.ge [sflag:s4], $0x0  }
0x19: {  	s7 =	sld [smem:$0x3F9F]  }
0x1a: {  	s8 =	sadd.s32 $0xFFFFE003, lr  }
0x1b: {  	s9 =	sadd.s32 $0xFFFFFEF7, lr;
	s5 =	simm.s32 $0xFFFFFFFF;
	p2 =	slt.u32 s8, $0xFFFFF086  }
0x1c: {  	p1 =	slt.u32 s9, $0xF7A;
	s5 =	simm.s32 @!p2 $0x0  }
0x1d: {  	s5 =	simm.s32 @p1 $0x1;
	p0 =	seq.s32 s7, s2  }
0x1e: {  	s7 =	smul.u32 @!p0 $0xF7A, s2;
	p2 =	seq.s32 @!p0 s5, $0x0  }
0x1f: {  	s9 =	smul.u32 $0xF7A, s1;
	s8 =	simm.s32 @!p0 $0x1BF5;
	p2 =	por !p2, p0  }
0x20: {  	[sflag:s8] =	ssyncset.s32 @!p0 $0xFFFFF086;
	s6 =	sadd.s32 @!p0 s3, s7;
	s7 =	simm.s32 @!p0 $0x108  }
0x21: {  	s3 =	sadd.s32 s3, s9;
	s6 =	sadd.s32 @!p0 $0x88, s6;
	s7 =	simm.s32 @p2 $0x1082  }
0x22: {  	[simem:s7], [sflag:s8] =	dma.local @!p0 [hbm:s6], $0xF7A  }
0x23: {  	s9 =	sor.u32 $0xD0000000, s2;
	s6 =	simm.s32 $0x108;
	_ =	swait.ge @!p0 [sflag:s8], $0x0  }
0x24: {  	s3 =	sadd.s32 $0x88, s3;
	s6 =	simm.s32 @!p1 $0x1082;
	[sflag:s4] =	ssyncset.s32 $0xFFFFF086  }
0x25: {  	[simem:s6], [sflag:s4] =	dma.local [hbm:s3], $0xF7A  }
0x26: {  	[smem:$0x3F9F] =	sst s1;
	(tag) =	ssettag s2;
	_ =	strace s9  }
0x27: {  	s1 =	sld [smem:$0x3FAF]  }
0x28: {  	s2 =	sld [smem:$0x3FB0]  }
0x29: {  	s4 =	sld [smem:$0x3FB2]  }
0x2a: {  	p0 =	seq.s32 s5, $0x0;
	s5 =	sld [smem:$0x3FB3]  }
0x2b: {  	s6 =	sld [smem:$0x3FB4]  }
0x2c: {  	s7 =	sld [smem:$0x3FB5]  }
0x2d: {  	s3 =	simm.s32 $0x108;
	s8 =	sld [smem:$0x3FB6]  }
0x2e: {  	s3 =	simm.s32 @!p0 $0x1082;
	s9 =	sld [smem:$0x3FB7]  }
0x2f: {  	lr =	sadd.s32 s0, s3;
	s0 =	sld [smem:$0x3FAE]  }
0x30: {  	s3 =	sld [smem:$0x3FB1]  }
0x31: {  	[smem:$0x3FBA] =	sst s10  }
0x32: {  	s10 =	sld [smem:$0x3FB8];
	_ =	sdelay $0x3  }
0x33: {  	p0 =	seq.s32 s10, $0x1;
	s10 =	sld [smem:$0x3FBA];
	_ =	sdelay $0x3  }
0x34: {  	[smem:$0x3FBA] =	sst s10  }
0x35: {  	s10 =	sld [smem:$0x3FB9];
	_ =	sdelay $0x3  }
0x36: {  	p1 =	seq.s32 s10, $0x1;
	s10 =	sld [smem:$0x3FBA];
	_ =	sdelay $0x3  }
0x37: {  	[smem:$0x3FBA] =	sst s10  }
0x38: {  	s10 =	sld [smem:$0x3FBB]  }
0x39: {  	_ = 	snop;
	(pc) =	sbr.ind lr, $3  }
0x3a: {  	_ = 	snop  }
0x3b: {  	_ = 	snop  }
0x3c: {  	p2 =	seq.s32 s10, $0x1;
	s10 =	sld [smem:$0x3FBA]  }
0x3d: {  	_ =	shalt  }
0x3e: {  	_ =	shalt  }
0x3f: {  	_ =	shalt  }
0x40: {  	_ =	shalt  }
0x41: {  	_ =	shalt  }
0x42: {  	_ =	shalt  }
0x43: {  	_ =	shalt  }
0x44: {  	_ =	shalt  }
0x45: {  	_ =	shalt  }
0x46: {  	_ =	shalt  }
0x47: {  	_ =	shalt  }
0x48: {  	_ =	shalt  }
0x49: {  	_ =	shalt  }
0x4a: {  	_ =	shalt  }
0x4b: {  	_ =	shalt  }
0x4c: {  	_ =	shalt  }
0x4d: {  	_ =	shalt  }
0x4e: {  	_ =	shalt  }
0x4f: {  	_ =	shalt  }
0x50: {  	_ =	shalt  }
0x51: {  	_ =	shalt  }
0x52: {  	_ =	shalt  }
0x53: {  	_ =	shalt  }
0x54: {  	_ =	shalt  }
0x55: {  	_ =	shalt  }
0x56: {  	_ =	shalt  }
0x57: {  	_ =	shalt  }
0x58: {  	_ =	shalt  }
0x59: {  	_ =	shalt  }
0x5a: {  	_ =	shalt  }
0x5b: {  	_ =	shalt  }
0x5c: {  	_ =	shalt  }
0x5d: {  	_ =	shalt  }
0x5e: {  	_ =	shalt  }
0x5f: {  	_ =	shalt  }
0x60: {  	_ =	shalt  }
0x61: {  	_ =	shalt  }
0x62: {  	_ =	shalt  }
0x63: {  	_ =	shalt  }
0x64: {  	_ =	shalt  }
0x65: {  	_ =	shalt  }
0x66: {  	_ =	shalt  }
0x67: {  	_ =	shalt  }
0x68: {  	_ =	shalt  }
0x69: {  	_ =	shalt  }
0x6a: {  	_ =	shalt  }
0x6b: {  	_ =	shalt  }
0x6c: {  	_ =	shalt  }
0x6d: {  	_ =	shalt  }
0x6e: {  	_ =	shalt  }
0x6f: {  	_ =	shalt  }
0x70: {  	_ =	shalt  }
0x71: {  	_ =	shalt  }
0x72: {  	_ =	shalt  }
0x73: {  	_ =	shalt  }
0x74: {  	_ =	shalt  }
0x75: {  	_ =	shalt  }
0x76: {  	_ =	shalt  }
0x77: {  	_ =	shalt  }
0x78: {  	_ =	shalt  }
0x79: {  	_ =	shalt  }
0x7a: {  	_ =	shalt  }
0x7b: {  	_ =	shalt  }
0x7c: {  	_ =	shalt  }
0x7d: {  	_ =	shalt  }
0x7e: {  	_ =	shalt  }
0x7f: {  	_ =	shalt  }
0x80: {  	_ =	shalt  }
0x81: {  	_ =	shalt  }
0x82: {  	_ =	shalt  }
0x83: {  	_ =	shalt  }
0x84: {  	_ =	shalt  }
0x85: {  	_ =	shalt  }
0x86: {  	_ =	shalt  }
0x87: {  	_ =	shalt  }
.Lfunc_end0:
.L_simem_size_0:
called_computation_lowered:
.L_overlay_start_0:
0x88: {  	s2 =	sld [smem:$0x3FD9]  }
0x89: {  	s3 =	sld [smem:$0x3FFE];
	_ =	sdelay $0x1  }
0x8a: {  	s1 =	srdreg.scid  }
0x8b: {  	s0 =	sand.u32 $0x1, s1  }
0x8c: {  	s17 =	sshll.u32 s0, $0xA;
	s2 =	sadd.s32 s3, s2  }
0x8d: {  	s2 =	sadd.s32 s2, s17  }
0x8e: {  	[smem:$0x3FC6] =	sst s2  }
0x8f: {  	_ = 	snop  }
0x90: {  	s2 =	sld [smem:$0x3FC8]  }
0x91: {  	s18 =	sld [smem:$0x3FD0];
	(tm) =	ssettm $0x1  }
0x92: {  	s4 =	sld [smem:$0x3FFB];
	_ =	sdelay $0x3  }
0x93: {  	_ =	strace s4  }
0x94: {  	s4 =	sld [smem:$0x3FFC];
	_ =	sdelay $0x3  }
0x95: {  	_ =	strace s4  }
0x96: {  	s4 =	sld [smem:$0x3FFD];
	_ =	sdelay $0x3  }
0x97: {  	_ =	strace s4  }
0x98: {  	_ =	strace $0x8FFFFFFF  }
0x99: {  	s19 =	sld [smem:$0x3FDB];
	_ =	sdelay $0x1  }
0x9a: {  	s5 =	simm.s32 $_scs_section_size  }
0x9b: {  	s6 =	simm.s32 $_size__tile_overlayer_lowered;
	s7 =	simm.s32 $_tile_overlayer_lowered  }
0x9c: {  	s22 =	simm.s32 $0x1BFF;
	s21 =	sshll.u32 s7, $0x1;
	s4 =	sadd.s32 s5, s19  }
0x9d: {  	s8 =	simm.s32 $0x0;
	s20 =	sshll.u32 s6, $0x1;
	s6 =	sadd.s32 s21, s4  }
0x9e: {  	[timem:s8], [sflag:s22] =	dma.local [hbm:s6], s20  }
0x9f: {  	_ =	swait.ge [sflag:s22], s20  }
0xa0: {  	s5 =	ssub.s32 $0x0, s20;
	[sflag:s22] =	ssyncset.done $0x0  }
0xa1: {  	[sflag:s22] =	ssyncadd.s32 s5;
	_ =	sdelay $0x1  }
0xa2: {  	s23 =	simm.s32 $0x1B8B  }
0xa3: {  	_ =	swait.ge [sflag:s23], $0x1  }
0xa4: {  	[sflag:s23] =	ssyncset.done $0x0  }
0xa5: {  	s25 =	simm.s32 $0x1B8E;
	s24 =	sld [smem:$0x3FFE];
	[sflag:s23] =	ssyncadd.s32 $0xFFFFFFFF  }
0xa6: {  	s26 =	simm.s32 $execute0_lowered;
	[smem:$0x3FD2] =	sst s25  }
0xa7: {  	s6 =	sshll.u32 s26, $0x1;
	_ =	strace $0x80000046;
	[dreg:$0x1] =	wrdreg $0xFFFFFFFF  }
0xa8: {  	s28 =	simm.s32 $_size_execute0_lowered;
	s4 =	sadd.s32 s4, s6;
	[dreg:$0x0] =	wrdreg $0x0  }
0xa9: {  	s6 =	sshll.u32 s28, $0x1;
	[dreg:$0x2] =	wrdreg s4  }
0xaa: {  	[dreg:$0x3] =	wrdreg s6  }
0xab: {  	[dreg:$0x4] =	wrdreg $0xC0  }
0xac: {  	_ =	task [dreg:s8], $0x5FFFF  }
0xad: {  	[dreg:$0x1] =	wrdreg $0xFFFFFFFF  }
0xae: {  	[dreg:$0x0] =	wrdreg $0x60  }
0xaf: {  	[dreg:$0x2] =	wrdreg s2  }
0xb0: {  	[dreg:$0x3] =	wrdreg s18  }
0xb1: {  	[dreg:$0x4] =	wrdreg s24  }
0xb2: {  	[dreg:$0x5] =	wrdreg $0x9  }
0xb3: {  	_ =	task.clear_ibuf [dreg:s8], $0x6FFFF;
	_ =	strace $0x90000046  }
0xb4: {  	s29 =	simm.s32 $0x9;
	_ =	strace $0x80000048  }
0xb5: {  	_ =	swait.ge [sflag:s29], $0x1  }
0xb6: {  	[sflag:s29] =	ssyncadd.s32 $0xFFFFFFFF  }
0xb7: {  	_ =	strace $0x90000048  }
0xb8: {  	_ =	sfence  }
0xb9: {  	s30 =	sld [smem:$0x0];
	_ =	sdelay $0x2  }
0xba: {  	s31 =	sshll.u32 s1, $0xD;
	s1 =	sshrl.u32 s1, $0x2  }
0xbb: {  	s3 =	sand.u32 $0x4000, s31;
	s1 =	sadd.s32 s1, s30  }
0xbc: {  	s0 =	sor.u32 s3, s0;
	s1 =	sshll.u32 s1, $0x11  }
0xbd: {  	s0 =	sor.u32 s1, s0  }
0xbe: {  	s0 =	sadd.s32 $0x8F2B, s0  }
0xbf: {  	[sflag:s0] =	ssyncadd.remote.s32 $0x1  }
0xc0: {  	_ =	sfence.sel $0xFFFF  }
0xc1: {  	[dreg:$0x0] =	wrdreg $0xFFFFFFFF;
	(pc) =	sbr.abs _section_cstart, $3  }
0xc2: {  	[dreg:$0x1] =	wrdreg $0xFFFFFFFF  }
0xc3: {  	_ =	task.clear_ibuf [dreg:s8], $0x2FFFF;
	_ =	strace $0x9FFFFFFF  }
0xc4: {  	(tm) =	ssettm $0x7FFFFFFF  }
0xc5: {  	_ =	shalt  }
tec
execute0_lowered:
.L_overlay_start_1:
0x0: {  	(tag) =	ssettag $0x1  }
0x1: {  	s7 =	rddreg [dreg:$0x0]  }
0x2: {  	s0 =	srdreg.scid;
	s6 =	stileid.u32  }
0x3: {  	s1 =	rddreg [dreg:$0x2];
	s3 =	simm.s32 $0x0;
	s0 =	sand.u32 $0x1, s0  }
0x4: {  	s2 =	sshll.u32 s6, $0x1;
	[smem:$0x7FF] =	sst s3;
	s5 =	sadd.s32 $0xA00, s1  }
0x5: {  	p0 =	slt.u32 s6, $0x2;
	s6 =	simm.s32 $0xF5;
	s31 =	sadd.s32 $0x100, s7  }
0x6: {  	s1 =	sadd.s32 $0x3D1100, s1;
	_ =	strace $0x80000047;
	[dreg:$0xa] =	wrdreg s5  }
0x7: {  	s2 =	sor.u32 s0, s2;
	s0 =	ssub.s32 $0x2, s0;
	[dreg:$0xf] =	wrdreg s31  }
0x8: {  	s6 =	simm.s32 @!p0 $0xF4;
	[dreg:$0x10] =	wrdreg s1;
	s28 =	smul.u32 $0xF4, s2  }
0x9: {  	s4 =	smin.u32 s2, $0x4;
	s29 =	sshrl.u32 s0, $0x1;
	[dreg:$0xc] =	wrdreg s6  }
.Ltmp0:
0xa: {  	s30 =	sadd.s32 $0xFFFFFFFE, s6;
	s0 =	ssub.s32 s0, s29;
	(pc) =	sbr.rel .LBB2_1-.Ltmp0, $4  }
0xb: {  	[dreg:$0xe] =	wrdreg s30;
	s4 =	sadd.s32 s4, s28;
	s0 =	smax.u32 s0, $0x1  }
0xc: {  	s3 =	sshll.u32 s4, $0x7;
	[dreg:$0x11] =	wrdreg s0  }
0xd: {  	v0 =	vlaneseq.u32;
	[dreg:$0xb] =	wrdreg s4;
	s3 =	sadd.s32 s7, s3  }
0xe: {  	v0 =	vmul.u32 $0x20, v0;
	s1 =	simm.s32 $0x0;
	p0 =	sne.s32 s2, $0x1F;
	[dreg:$0xd] =	wrdreg s3  }
.LBB2_15:
0xf: {  	s1 =	sadd.s32 $0x1, s1;
	s0 =	rddreg [dreg:$0x11]  }
0x10: {  	p1 =	sne.s32 s1, s0  }
.Ltmp1:
0x11: {  	_ = 	snop;
	(pc) =	sbr.rel @!p1 .LBB2_16-.Ltmp1, $1  }
0x12: {  	_ =	sdelay $0x3  }
.LBB2_1:
.Ltmp2:
0x13: {  	(pc) =	sbr.rel .LBB2_2-.Ltmp2, $4  }
0x14: {  	[dreg:$0x12] =	wrdreg s1  }
0x15: {  	s0 =	simm.s32 $0x0;
	s31 =	rddreg [dreg:$0xd]  }
0x16: {  	s2 =	simm.s32 $0x400;
	s3 =	simm.s32 $0x7A1400;
	s6 =	simm.s32 $0x0  }
0x17: {  	[tilespmem:s0], [sflag:$0x1] =	stream.strided.gather [hbm4b:s31+s2], $0x1000, s3, s2, $0x38;
	[tilespmem:$0x4000] =	vst v63  }
.LBB2_10:
0x18: {  	s6 =	sadd.s32 $0x1, s6  }
0x19: {  	p1 =	sne.s32 s6, $0x7B  }
.Ltmp3:
0x1a: {  	_ = 	snop;
	(pc) =	sbr.rel @!p1 .LBB2_11-.Ltmp3, $1  }
0x1b: {  	_ =	sdelay $0x3  }
.LBB2_2:
0x1c: {  	s0 =	sshllo.u32 s6, $0x1;
	s5 =	rddreg [dreg:$0xc];
	s7 =	sshll.u32 s6, $0x1  }
0x1d: {  	p1 =	sge.u32 s0, s5;
	p3 =	sge.u32 s7, s5  }
.Ltmp4:
0x1e: {  	[dreg:$0x14] =	wrdreg s0;
	s0 =	sadd.s32 @!p1 s4, s0;
	(pc) =	sbr.rel @p3 .LBB2_6-.Ltmp4, $4  }
0x1f: {  	s1 =	rddreg [dreg:$0x0];
	p2 =	seq.s32 s6, $0x0;
	s0 =	sshll.u32 @!p1 s0, $0x7  }
0x20: {  	[dreg:$0x13] =	wrdreg s6;
	s2 =	simm.s32 @!p1 $0x7A1400;
	s0 =	sand.u32 @!p1 $0x1FFFFF80, s0  }
0x21: {  	s3 =	simm.s32 @!p1 $0x1000;
	s0 =	sadd.s32 @!p1 s1, s0;
	s1 =	simm.s32 @!p1 $0x400  }
0x22: {  	[tilespmem:s3], [sflag:$0x2] =	stream.strided.gather @!p1 [hbm4b:s0+s1], $0x1000, s2, s1, $0x38;
	[tilespmem:$0x4000] =	vst v63  }
0x23: {  	[dreg:$0x15] =	wrdreg s7;
	s0 =	simm.s32 $0x1  }
0x24: {  	s26 =	simm.s32 $0x0;
	s9 =	simm.s32 $0x0;
	s3 =	simm.s32 $0x0  }
0x25: {  	_ =	swait.ge [sflag:s0], $0x1000;
	s2 =	sand.u32 $0x10, s26;
	s1 =	sand.u32 $0x3FFFFFF0, s9  }
0x26: {  	s28 =	sand.u32 $0xFFFFFE00, s3;
	[sflag:s0] =	ssyncset.done $0x0;
	s4 =	sor.u32 $0xF, s2  }
0x27: {  	s9 =	sor.u32 $0x1, s2;
	s16 =	sor.u32 $0x2, s2;
	s12 =	sor.u32 $0x3, s2  }
0x28: {  	s14 =	sor.u32 $0x4, s2;
	s15 =	sor.u32 $0x5, s2;
	s17 =	sor.u32 $0x6, s2  }
0x29: {  	s19 =	sor.u32 $0x7, s2;
	s20 =	sor.u32 $0x8, s2;
	s5 =	sor.u32 $0x9, s2  }
0x2a: {  	s8 =	sor.u32 $0xA, s2;
	s18 =	sor.u32 $0xB, s2;
	[sflag:s0] =	ssyncadd.s32 $0xFFFFF000  }
0x2b: {  	s0 =	simm.s32 @!p2 $0x3;
	s10 =	sshll.u32 s4, $0x7;
	s3 =	sor.u32 s4, s28  }
0x2c: {  	s11 =	sshll.u32 s9, $0x7;
	s13 =	sshll.u32 s16, $0x7;
	s21 =	sshll.u32 s12, $0x7  }
0x2d: {  	s22 =	sshll.u32 s14, $0x7;
	s29 =	sshll.u32 s15, $0x7;
	s30 =	sshll.u32 s17, $0x7  }
0x2e: {  	s31 =	sshll.u32 s19, $0x7;
	s6 =	sshll.u32 s20, $0x7;
	s23 =	sshll.u32 s5, $0x7  }
0x2f: {  	s9 =	sor.u32 s9, s28;
	s16 =	sor.u32 s16, s28;
	s12 =	sor.u32 s12, s28  }
0x30: {  	s14 =	sor.u32 s14, s28;
	s17 =	sor.u32 s17, s28;
	_ =	swait.ge @!p2 [sflag:s0], $0x1000  }
0x31: {  	s19 =	sor.u32 s19, s28;
	[dreg:$0x16] =	wrdreg s3;
	[sflag:s0] =	ssyncset.done @!p2 $0x0  }
0x32: {  	s3 =	sadd.s32 s1, s11;
	[sflag:s0] =	ssyncadd.s32 @!p2 $0xFFFFF000;
	s0 =	sadd.s32 s1, s10  }
0x33: {  	s24 =	sadd.s32 s1, s13;
	s21 =	sadd.s32 s1, s21;
	s22 =	sadd.s32 s1, s22;
	v21 =	vld [tilespmem:s0+$0x0]  }
0x34: {  	s25 =	sadd.s32 s1, s29;
	s7 =	sadd.s32 s1, s23;
	s23 =	sshll.u32 s18, $0x7;
	v2 =	vld [tilespmem:s3+$0x0]  }
0x35: {  	s4 =	sadd.s32 s1, s30;
	s0 =	sadd.s32 s1, s23;
	s23 =	sor.u32 $0xC, s2;
	v3 =	vld [tilespmem:s24+$0x0]  }
0x36: {  	s11 =	sshll.u32 s8, $0x7;
	s6 =	sadd.s32 s1, s6;
	v4 =	vld [tilespmem:s21+$0x0];
	s29 =	sshll.u32 s23, $0x7  }
0x37: {  	v20 =	vor.u32 s16, v0;
	s16 =	sor.u32 s15, s28;
	v5 =	vld [tilespmem:s22+$0x0];
	s3 =	sadd.s32 s1, s29;
	s29 =	rddreg [dreg:$0x16]  }
0x38: {  	v18 =	vor.u32 s12, v0;
	s12 =	simm.s32 $0x2000;
	s13 =	sadd.s32 s1, s11;
	s11 =	sor.u32 $0xE, s2;
	v6 =	vld [tilespmem:s25+$0x0];
	v22 =	vor.u32 s29, v0  }
0x39: {  	s10 =	sadd.s32 s1, s31;
	s30 =	sshll.u32 s11, $0x7;
	s24 =	sor.u32 $0xD, s2;
	v7 =	vld [tilespmem:s4+$0x0]  }
0x3a: {  	s30 =	sadd.s32 s1, s30;
	v9 =	vld [tilespmem:s10+$0x0];
	s22 =	sor.u32 s20, s28;
	s25 =	sor.u32 s5, s28  }
0x3b: {  	v19 =	vor.u32 s9, v0;
	v17 =	vor.u32 s14, v0;
	v15 =	vor.u32 s17, v0;
	v10 =	vld [tilespmem:s6+$0x0];
	s5 =	sor.u32 s18, s28;
	s29 =	sshll.u32 s2, $0x7;
	s2 =	sor.u32 s2, s28  }
0x3c: {  	v14 =	vor.u32 s19, v0;
	v16 =	vor.u32 s16, v0;
	v11 =	vld [tilespmem:s7+$0x0];
	s21 =	sshll.u32 s24, $0x7;
	v1 =	vor.u32 s2, v0;
	s2 =	sadd.s32 s1, s29;
	s29 =	sor.u32 s8, s28  }
0x3d: {  	v13 =	vor.u32 s22, v0;
	v12 =	vor.u32 s25, v0;
	s4 =	sor.u32 s23, s28;
	s31 =	sadd.s32 s1, s21;
	s1 =	sor.u32 s24, s28;
	v8 =	vor.u32 s29, v0;
	[tilespmem:v22+s12+$0x0] =	vst.idx.msk $0xffff, v21  }
.LBB2_4:
0x3e: {  	s26 =	sadd.s32 $0x10, s26;
	s11 =	sor.u32 s11, s28  }
0x3f: {  	v21 =	vld [tilespmem:s13+$0x0];
	s14 =	sand.u32 $0x10, s26;
	p3 =	slt.u32 s26, $0xF0;
	s13 =	sshrl.u32 s26, $0x1  }
0x40: {  	s15 =	sshll.u32 s26, $0x4;
	s16 =	sor.u32 $0xF, s14;
	s19 =	sand.u32 $0x3FFFFFF0, s13  }
0x41: {  	s28 =	sand.u32 $0xFFFFFE00, s15;
	s9 =	sor.u32 $0x1, s14;
	s15 =	sor.u32 $0x2, s14  }
0x42: {  	v22 =	vor.u32 s5, v0;
	v23 =	vor.u32 s4, v0;
	s5 =	sor.u32 $0x4, s14;
	s10 =	sor.u32 $0x5, s14;
	s4 =	sor.u32 $0x6, s14  }
0x43: {  	s8 =	sor.u32 $0x7, s14;
	s20 =	sor.u32 $0x8, s14;
	s21 =	sor.u32 $0x9, s14  }
0x44: {  	s22 =	sor.u32 $0xA, s14;
	s18 =	sor.u32 $0xB, s14;
	s29 =	sor.u32 $0xD, s14  }
0x45: {  	[tilespmem:v19+s12+$0x0] =	vst.idx.msk $0xffff, v2;
	v19 =	vor.u32 s11, v0;
	s11 =	sor.u32 $0xE, s14;
	s17 =	sshll.u32 s16, $0x7;
	[dreg:$0x4] =	wrdreg s18  }
0x46: {  	v24 =	vor.u32 s1, v0;
	s1 =	sor.u32 s16, s28;
	s16 =	sor.u32 $0xC, s14;
	[dreg:$0x7] =	wrdreg s29  }
0x47: {  	s6 =	sshll.u32 s5, $0x7;
	s7 =	sshll.u32 s10, $0x7;
	s13 =	sshll.u32 s4, $0x7  }
0x48: {  	[tilespmem:v18+s12+$0x0] =	vst.idx.msk $0xffff, v4;
	v4 =	vld [tilespmem:s31+$0x0];
	s23 =	sshll.u32 s8, $0x7;
	s24 =	sshll.u32 s20, $0x7;
	s25 =	sshll.u32 s21, $0x7  }
0x49: {  	[tilespmem:v17+s12+$0x0] =	vst.idx.msk $0xffff, v5;
	v5 =	vld [tilespmem:s30+$0x0];
	s30 =	sshll.u32 s22, $0x7;
	s31 =	sshll.u32 s18, $0x7;
	s5 =	sor.u32 s5, s28  }
0x4a: {  	v2 =	vld [tilespmem:s0+$0x0];
	[tilespmem:v20+s12+$0x0] =	vst.idx.msk $0xffff, v3;
	s4 =	sor.u32 s4, s28;
	s20 =	sor.u32 s20, s28;
	s21 =	sor.u32 s21, s28  }
0x4b: {  	v3 =	vld [tilespmem:s3+$0x0];
	[tilespmem:v14+s12+$0x0] =	vst.idx.msk $0xffff, v9;
	s0 =	sadd.s32 s19, s17;
	s17 =	sor.u32 $0x3, s14;
	[dreg:$0x6] =	wrdreg s16  }
0x4c: {  	[tilespmem:v16+s12+$0x0] =	vst.idx.msk $0xffff, v6;
	v6 =	vld [tilespmem:s2+$0x0];
	s2 =	sshll.u32 s15, $0x7;
	s18 =	sshll.u32 s16, $0x7;
	s16 =	sshll.u32 s29, $0x7  }
0x4d: {  	[tilespmem:v13+s12+$0x0] =	vst.idx.msk $0xffff, v10;
	v18 =	vor.u32 s1, v0;
	s1 =	sshll.u32 s11, $0x7;
	s29 =	sshll.u32 s14, $0x7;
	s23 =	sadd.s32 s19, s23;
	v17 =	vld [tilespmem:s0+$0x0]  }
0x4e: {  	[tilespmem:v12+s12+$0x0] =	vst.idx.msk $0xffff, v11;
	s24 =	sadd.s32 s19, s24;
	s25 =	sadd.s32 s19, s25;
	s14 =	sor.u32 s14, s28;
	v9 =	vld [tilespmem:s23+$0x0]  }
0x4f: {  	[tilespmem:v15+s12+$0x0] =	vst.idx.msk $0xffff, v7;
	s0 =	sshll.u32 s9, $0x7;
	s3 =	sshll.u32 s17, $0x7;
	s2 =	sadd.s32 s19, s2;
	v10 =	vld [tilespmem:s24+$0x0]  }
0x50: {  	[tilespmem:v8+s12+$0x0] =	vst.idx.msk $0xffff, v21;
	s9 =	sor.u32 s9, s28;
	v11 =	vld [tilespmem:s25+$0x0];
	s24 =	rddreg [dreg:$0x4];
	s0 =	sadd.s32 s19, s0  }
0x51: {  	s17 =	sor.u32 s17, s28;
	s23 =	sor.u32 s22, s28;
	s25 =	rddreg [dreg:$0x6];
	[tilespmem:v22+s12+$0x0] =	vst.idx.msk $0xffff, v2;
	v2 =	vld [tilespmem:s0+$0x0]  }
0x52: {  	s0 =	sadd.s32 s19, s3;
	s3 =	sadd.s32 s19, s6;
	s6 =	sadd.s32 s19, s7;
	[tilespmem:v23+s12+$0x0] =	vst.idx.msk $0xffff, v3;
	v3 =	vld [tilespmem:s2+$0x0]  }
.Ltmp5:
0x53: {  	v15 =	vor.u32 s4, v0;
	s7 =	sadd.s32 s19, s13;
	s13 =	sadd.s32 s19, s30;
	[tilespmem:v24+s12+$0x0] =	vst.idx.msk $0xffff, v4;
	v4 =	vld [tilespmem:s0+$0x0];
	(pc) =	sbr.rel @p3 .LBB2_4-.Ltmp5, $4  }
0x54: {  	v13 =	vor.u32 s20, v0;
	v12 =	vor.u32 s21, v0;
	s30 =	sadd.s32 s19, s1;
	[tilespmem:v19+s12+$0x0] =	vst.idx.msk $0xffff, v5;
	s0 =	sadd.s32 s19, s31;
	v5 =	vld [tilespmem:s3+$0x0];
	s3 =	sadd.s32 s19, s18  }
0x55: {  	v8 =	vor.u32 s23, v0;
	s31 =	sadd.s32 s19, s16;
	v19 =	vor.u32 s9, v0;
	s16 =	sor.u32 s15, s28;
	v7 =	vld [tilespmem:s7+$0x0];
	s18 =	sor.u32 s10, s28;
	[tilespmem:v1+s12+$0x0] =	vst.idx.msk $0xffff, v6  }
0x56: {  	s2 =	sadd.s32 s19, s29;
	s19 =	sor.u32 s8, s28;
	s29 =	rddreg [dreg:$0x7];
	v6 =	vld [tilespmem:s6+$0x0];
	v1 =	vor.u32 s14, v0;
	v20 =	vor.u32 s16, v0;
	v16 =	vor.u32 s18, v0  }
0x57: {  	s4 =	sor.u32 s25, s28;
	v14 =	vor.u32 s19, v0;
	s1 =	sor.u32 s29, s28;
	[tilespmem:v18+s12+$0x0] =	vst.idx.msk $0xffff, v17;
	v18 =	vor.u32 s17, v0;
	v17 =	vor.u32 s5, v0;
	s5 =	sor.u32 s24, s28  }
0x58: {  	_ =	sdelay $0x3  }
0x59: {  	[tilespmem:v19+s12+$0x0] =	vst.idx.msk $0xffff, v2  }
0x5a: {  	[tilespmem:v20+s12+$0x0] =	vst.idx.msk $0xffff, v3  }
0x5b: {  	[tilespmem:v18+s12+$0x0] =	vst.idx.msk $0xffff, v4  }
0x5c: {  	[tilespmem:v14+s12+$0x0] =	vst.idx.msk $0xffff, v9  }
0x5d: {  	v2 =	vld [tilespmem:s13+$0x0];
	[tilespmem:v13+s12+$0x0] =	vst.idx.msk $0xffff, v10  }
0x5e: {  	v3 =	vor.u32 s5, v0;
	v56 =	vld [tilespmem:s0+$0x0];
	[tilespmem:v12+s12+$0x0] =	vst.idx.msk $0xffff, v11  }
0x5f: {  	v57 =	vor.u32 s4, v0;
	v58 =	vld [tilespmem:s3+$0x0];
	[tilespmem:v17+s12+$0x0] =	vst.idx.msk $0xffff, v5  }
0x60: {  	[tilespmem:v15+s12+$0x0] =	vst.idx.msk $0xffff, v7  }
0x61: {  	v59 =	vor.u32 s1, v0;
	s25 =	sor.u32 s11, s28;
	v60 =	vld [tilespmem:s31+$0x0];
	[tilespmem:v16+s12+$0x0] =	vst.idx.msk $0xffff, v6  }
0x62: {  	v62 =	vld [tilespmem:s30+$0x0];
	v61 =	vor.u32 s25, v0;
	[tilespmem:v8+s12+$0x0] =	vst.idx.msk $0xffff, v2  }
0x63: {  	v63 =	vld [tilespmem:s2+$0x0];
	[tilespmem:v3+s12+$0x0] =	vst.idx.msk $0xffff, v56  }
0x64: {  	[tilespmem:v57+s12+$0x0] =	vst.idx.msk $0xffff, v58  }
0x65: {  	s4 =	rddreg [dreg:$0xb]  }
0x66: {  	s26 =	rddreg [dreg:$0x15];
	[tilespmem:v59+s12+$0x0] =	vst.idx.msk $0xffff, v60  }
0x67: {  	[tilespmem:v61+s12+$0x0] =	vst.idx.msk $0xffff, v62  }
0x68: {  	[tilespmem:v1+s12+$0x0] =	vst.idx.msk $0xffff, v63;
	s0 =	sadd.s32 s4, s26  }
0x69: {  	s29 =	rddreg [dreg:$0xa];
	s28 =	sshll.u32 s0, $0x9  }
0x6a: {  	s30 =	simm.s32 $0x0;
	s31 =	rddreg [dreg:$0xe];
	s1 =	sand.u32 $0x1FFFFE00, s28  }
0x6b: {  	s6 =	rddreg [dreg:$0x13];
	p3 =	sge.u32 s26, s31;
	s1 =	sadd.s32 s29, s1  }
0x6c: {  	[hbm4b:s1+s30] =	stream.linear.scatter [tilespmem:s12], [sflag:$0x3], $0x1000, $0x38;
	[tilespmem:$0x4000] =	vst v63  }
0x6d: {  	s0 =	sshll.u32 @!p3 s0, $0x7;
	s2 =	simm.s32 @!p3 $0x7A1400;
	s1 =	rddreg [dreg:$0xf]  }
0x6e: {  	s3 =	simm.s32 @!p3 $0x0;
	s0 =	sadd.s32 @!p3 s0, s1;
	s1 =	simm.s32 @!p3 $0x400  }
0x6f: {  	[tilespmem:s3], [sflag:$0x1] =	stream.strided.gather @!p3 [hbm4b:s0+s1], $0x1000, s2, s1, $0x38;
	[tilespmem:$0x4000] =	vst v63  }
.LBB2_6:
.Ltmp6:
0x70: {  	(pc) =	sbr.rel @p1 .LBB2_10-.Ltmp6, $1  }
0x71: {  	_ =	sdelay $0x3  }
0x72: {  	s0 =	simm.s32 $0x2;
	s25 =	simm.s32 $0x0  }
0x73: {  	s9 =	simm.s32 $0x0;
	s3 =	simm.s32 $0x0;
	_ =	swait.ge [sflag:s0], $0x1000  }
0x74: {  	s2 =	sand.u32 $0x10, s25;
	s1 =	sand.u32 $0x3FFFFFF0, s9;
	s26 =	sand.u32 $0xFFFFFE00, s3  }
0x75: {  	[sflag:s0] =	ssyncset.done $0x0;
	s4 =	sor.u32 $0xF, s2;
	s6 =	sor.u32 $0x1, s2  }
0x76: {  	s9 =	sor.u32 $0x2, s2;
	s28 =	sor.u32 $0x4, s2;
	s12 =	sor.u32 $0x5, s2  }
0x77: {  	s14 =	sor.u32 $0x6, s2;
	s15 =	sor.u32 $0x7, s2;
	s16 =	sor.u32 $0x8, s2  }
0x78: {  	s5 =	sor.u32 $0x9, s2;
	s8 =	sor.u32 $0xA, s2;
	[sflag:s0] =	ssyncadd.s32 $0xFFFFF000  }
0x79: {  	s0 =	simm.s32 @!p2 $0x4;
	s10 =	sshll.u32 s4, $0x7;
	s7 =	sor.u32 s4, s26  }
0x7a: {  	s4 =	sor.u32 $0xB, s2;
	s11 =	sshll.u32 s6, $0x7;
	s13 =	sshll.u32 s9, $0x7  }
0x7b: {  	s18 =	sshll.u32 s28, $0x7;
	s19 =	sshll.u32 s12, $0x7;
	s20 =	sshll.u32 s14, $0x7  }
0x7c: {  	s21 =	sshll.u32 s15, $0x7;
	s22 =	sshll.u32 s16, $0x7;
	s23 =	sshll.u32 s5, $0x7  }
0x7d: {  	s6 =	sor.u32 s6, s26;
	s9 =	sor.u32 s9, s26;
	_ =	swait.ge @!p2 [sflag:s0], $0x1000  }
0x7e: {  	s3 =	sadd.s32 s1, s11;
	s24 =	sadd.s32 s1, s13;
	s18 =	sadd.s32 s1, s18  }
0x7f: {  	s19 =	sadd.s32 s1, s19;
	s11 =	sadd.s32 s1, s20;
	[sflag:s0] =	ssyncset.done @!p2 $0x0  }
0x80: {  	s21 =	sadd.s32 s1, s21;
	[sflag:s0] =	ssyncadd.s32 @!p2 $0xFFFFF000;
	s0 =	sadd.s32 s1, s10  }
0x81: {  	s20 =	sshll.u32 s8, $0x7;
	s22 =	sadd.s32 s1, s22;
	s23 =	sadd.s32 s1, s23;
	v21 =	vld [tilespmem:s0+$0x1000]  }
0x82: {  	s31 =	sshll.u32 s4, $0x7;
	s13 =	sadd.s32 s1, s20;
	s20 =	sor.u32 $0xE, s2;
	v3 =	vld [tilespmem:s24+$0x1000]  }
0x83: {  	v22 =	vor.u32 s7, v0;
	s7 =	sshll.u32 s2, $0x7;
	s10 =	sor.u32 $0x3, s2;
	s29 =	sshll.u32 s20, $0x7;
	v5 =	vld [tilespmem:s18+$0x1000]  }
0x84: {  	s17 =	sshll.u32 s10, $0x7;
	s0 =	sadd.s32 s1, s31;
	s31 =	sor.u32 $0xC, s2;
	v6 =	vld [tilespmem:s19+$0x1000]  }
0x85: {  	s24 =	sor.u32 $0xD, s2;
	s29 =	sadd.s32 s1, s29;
	s2 =	sor.u32 s2, s26;
	v7 =	vld [tilespmem:s11+$0x1000]  }
0x86: {  	s10 =	sor.u32 s10, s26;
	s11 =	sor.u32 s28, s26;
	v9 =	vld [tilespmem:s21+$0x1000];
	s18 =	sor.u32 s14, s26  }
0x87: {  	s19 =	sor.u32 s15, s26;
	s21 =	sor.u32 s16, s26;
	v10 =	vld [tilespmem:s22+$0x1000];
	s22 =	sor.u32 s5, s26  }
0x88: {  	v19 =	vor.u32 s6, v0;
	v20 =	vor.u32 s9, v0;
	v2 =	vld [tilespmem:s3+$0x1000];
	s28 =	sor.u32 s8, s26;
	s5 =	sor.u32 s4, s26;
	s17 =	sadd.s32 s1, s17  }
0x89: {  	s3 =	sshll.u32 s31, $0x7;
	v1 =	vor.u32 s2, v0;
	v18 =	vor.u32 s10, v0;
	v17 =	vor.u32 s11, v0;
	s2 =	sadd.s32 s1, s7;
	v4 =	vld [tilespmem:s17+$0x1000];
	s17 =	sshll.u32 s24, $0x7  }
0x8a: {  	v11 =	vld [tilespmem:s23+$0x1000];
	v15 =	vor.u32 s18, v0;
	v14 =	vor.u32 s19, v0;
	v13 =	vor.u32 s21, v0;
	s30 =	sadd.s32 s1, s17;
	s17 =	sor.u32 s12, s26;
	s12 =	simm.s32 $0x3000  }
0x8b: {  	v12 =	vor.u32 s22, v0;
	v8 =	vor.u32 s28, v0;
	s4 =	sor.u32 s31, s26;
	s3 =	sadd.s32 s1, s3;
	s1 =	sor.u32 s24, s26;
	v16 =	vor.u32 s17, v0;
	[tilespmem:v22+s12+$0x0] =	vst.idx.msk $0xffff, v21  }
.LBB2_8:
0x8c: {  	s25 =	sadd.s32 $0x10, s25  }
0x8d: {  	s21 =	sor.u32 s20, s26;
	s14 =	sand.u32 $0x10, s25  }
0x8e: {  	p1 =	slt.u32 s25, $0xF0;
	s22 =	sshrl.u32 s25, $0x1;
	s23 =	sshll.u32 s25, $0x4  }
0x8f: {  	s24 =	sor.u32 $0xF, s14;
	s19 =	sand.u32 $0x3FFFFFF0, s22;
	s26 =	sand.u32 $0xFFFFFE00, s23  }
0x90: {  	v22 =	vor.u32 s5, v0;
	v23 =	vor.u32 s4, v0;
	s4 =	sor.u32 $0x1, s14;
	s5 =	sor.u32 $0x2, s14;
	s15 =	sor.u32 $0x3, s14  }
0x91: {  	s17 =	sor.u32 $0x4, s14;
	s9 =	sor.u32 $0x5, s14;
	s10 =	sor.u32 $0x6, s14  }
0x92: {  	[tilespmem:v19+s12+$0x0] =	vst.idx.msk $0xffff, v2;
	v19 =	vor.u32 s21, v0;
	s8 =	sor.u32 $0x7, s14;
	s18 =	sor.u32 $0x8, s14;
	s21 =	sor.u32 $0x9, s14  }
0x93: {  	s22 =	sor.u32 $0xA, s14;
	s31 =	sor.u32 $0xB, s14;
	s11 =	sor.u32 $0xD, s14  }
0x94: {  	s20 =	sor.u32 $0xE, s14;
	s28 =	sshll.u32 s24, $0x7;
	[dreg:$0x9] =	wrdreg s18  }
0x95: {  	v24 =	vor.u32 s1, v0;
	s1 =	sor.u32 s24, s26;
	[tilespmem:v16+s12+$0x0] =	vst.idx.msk $0xffff, v6;
	v6 =	vld [tilespmem:s2+$0x1000];
	[dreg:$0x5] =	wrdreg s31;
	s2 =	sshll.u32 s5, $0x7  }
0x96: {  	[tilespmem:v20+s12+$0x0] =	vst.idx.msk $0xffff, v3;
	v3 =	vld [tilespmem:s3+$0x1000];
	s3 =	sshll.u32 s15, $0x7;
	s6 =	sshll.u32 s17, $0x7;
	s7 =	sshll.u32 s9, $0x7  }
0x97: {  	v21 =	vld [tilespmem:s13+$0x1000];
	s13 =	sshll.u32 s10, $0x7;
	s16 =	sshll.u32 s8, $0x7;
	s18 =	sshll.u32 s18, $0x7  }
0x98: {  	[tilespmem:v17+s12+$0x0] =	vst.idx.msk $0xffff, v5;
	v5 =	vld [tilespmem:s29+$0x1000];
	s23 =	sshll.u32 s21, $0x7;
	s24 =	sshll.u32 s22, $0x7;
	s29 =	sshll.u32 s31, $0x7  }
0x99: {  	v2 =	vld [tilespmem:s0+$0x1000];
	[tilespmem:v18+s12+$0x0] =	vst.idx.msk $0xffff, v4;
	s31 =	sshll.u32 s11, $0x7;
	s21 =	sor.u32 s21, s26;
	s0 =	sadd.s32 s19, s28  }
0x9a: {  	v18 =	vor.u32 s1, v0;
	[tilespmem:v15+s12+$0x0] =	vst.idx.msk $0xffff, v7;
	s28 =	sor.u32 $0xC, s14;
	s1 =	sshll.u32 s20, $0x7;
	s2 =	sadd.s32 s19, s2  }
0x9b: {  	v4 =	vld [tilespmem:s30+$0x1000];
	[tilespmem:v14+s12+$0x0] =	vst.idx.msk $0xffff, v9;
	s16 =	sadd.s32 s19, s16;
	s18 =	sadd.s32 s19, s18;
	s23 =	sadd.s32 s19, s23  }
0x9c: {  	[tilespmem:v13+s12+$0x0] =	vst.idx.msk $0xffff, v10;
	v17 =	vld [tilespmem:s0+$0x1000];
	[dreg:$0x8] =	wrdreg s28;
	s0 =	sshll.u32 s4, $0x7;
	s30 =	sshll.u32 s28, $0x7  }
0x9d: {  	[tilespmem:v12+s12+$0x0] =	vst.idx.msk $0xffff, v11;
	s28 =	sshll.u32 s14, $0x7;
	s4 =	sor.u32 s4, s26;
	v9 =	vld [tilespmem:s16+$0x1000];
	s0 =	sadd.s32 s19, s0  }
0x9e: {  	[tilespmem:v22+s12+$0x0] =	vst.idx.msk $0xffff, v2;
	v2 =	vld [tilespmem:s0+$0x1000];
	s0 =	sadd.s32 s19, s3;
	s3 =	sadd.s32 s19, s6;
	s6 =	sadd.s32 s19, s7  }
0x9f: {  	[tilespmem:v23+s12+$0x0] =	vst.idx.msk $0xffff, v3;
	v3 =	vld [tilespmem:s2+$0x1000];
	s7 =	sadd.s32 s19, s13;
	s13 =	sadd.s32 s19, s24;
	s2 =	sadd.s32 s19, s28  }
0xa0: {  	v10 =	vld [tilespmem:s18+$0x1000];
	[tilespmem:v19+s12+$0x0] =	vst.idx.msk $0xffff, v5;
	v19 =	vor.u32 s4, v0;
	s4 =	sor.u32 s5, s26;
	s5 =	sor.u32 s15, s26;
	s15 =	sor.u32 s10, s26  }
0xa1: {  	[tilespmem:v24+s12+$0x0] =	vst.idx.msk $0xffff, v4;
	s24 =	sor.u32 s22, s26;
	s28 =	rddreg [dreg:$0x5];
	v4 =	vld [tilespmem:s0+$0x1000];
	s0 =	sadd.s32 s19, s29  }
.Ltmp7:
0xa2: {  	[tilespmem:v8+s12+$0x0] =	vst.idx.msk $0xffff, v21;
	v5 =	vld [tilespmem:s3+$0x1000];
	s3 =	sadd.s32 s19, s30;
	s30 =	sadd.s32 s19, s31;
	(pc) =	sbr.rel @p1 .LBB2_8-.Ltmp7, $4  }
0xa3: {  	v12 =	vor.u32 s21, v0;
	[tilespmem:v1+s12+$0x0] =	vst.idx.msk $0xffff, v6;
	s29 =	sadd.s32 s19, s1;
	s31 =	sor.u32 s14, s26;
	v6 =	vld [tilespmem:s6+$0x1000];
	s6 =	sor.u32 s17, s26  }
0xa4: {  	v11 =	vld [tilespmem:s23+$0x1000];
	v20 =	vor.u32 s4, v0;
	s14 =	sor.u32 s9, s26;
	s17 =	sor.u32 s8, s26;
	v15 =	vor.u32 s15, v0;
	s19 =	rddreg [dreg:$0x9];
	v8 =	vor.u32 s24, v0  }
0xa5: {  	v7 =	vld [tilespmem:s7+$0x1000];
	v1 =	vor.u32 s31, v0;
	v16 =	vor.u32 s14, v0;
	v14 =	vor.u32 s17, v0;
	s1 =	sor.u32 s19, s26;
	s31 =	rddreg [dreg:$0x8]  }
0xa6: {  	[tilespmem:v18+s12+$0x0] =	vst.idx.msk $0xffff, v17;
	v18 =	vor.u32 s5, v0;
	v17 =	vor.u32 s6, v0;
	v13 =	vor.u32 s1, v0;
	s5 =	sor.u32 s28, s26;
	s4 =	sor.u32 s31, s26;
	s1 =	sor.u32 s11, s26  }
0xa7: {  	_ =	sdelay $0x3  }
0xa8: {  	[tilespmem:v19+s12+$0x0] =	vst.idx.msk $0xffff, v2  }
0xa9: {  	[tilespmem:v20+s12+$0x0] =	vst.idx.msk $0xffff, v3  }
0xaa: {  	[tilespmem:v18+s12+$0x0] =	vst.idx.msk $0xffff, v4  }
0xab: {  	[tilespmem:v17+s12+$0x0] =	vst.idx.msk $0xffff, v5  }
0xac: {  	v2 =	vld [tilespmem:s13+$0x1000];
	[tilespmem:v14+s12+$0x0] =	vst.idx.msk $0xffff, v9  }
0xad: {  	v3 =	vor.u32 s5, v0;
	v56 =	vld [tilespmem:s0+$0x1000];
	[tilespmem:v13+s12+$0x0] =	vst.idx.msk $0xffff, v10  }
0xae: {  	v57 =	vor.u32 s4, v0;
	v58 =	vld [tilespmem:s3+$0x1000];
	[tilespmem:v16+s12+$0x0] =	vst.idx.msk $0xffff, v6  }
0xaf: {  	[tilespmem:v12+s12+$0x0] =	vst.idx.msk $0xffff, v11  }
0xb0: {  	v59 =	vor.u32 s1, v0;
	s28 =	sor.u32 s20, s26;
	v60 =	vld [tilespmem:s30+$0x1000];
	[tilespmem:v15+s12+$0x0] =	vst.idx.msk $0xffff, v7  }
0xb1: {  	v62 =	vld [tilespmem:s29+$0x1000];
	v61 =	vor.u32 s28, v0;
	[tilespmem:v8+s12+$0x0] =	vst.idx.msk $0xffff, v2  }
0xb2: {  	v63 =	vld [tilespmem:s2+$0x1000];
	[tilespmem:v3+s12+$0x0] =	vst.idx.msk $0xffff, v56  }
0xb3: {  	[tilespmem:v57+s12+$0x0] =	vst.idx.msk $0xffff, v58  }
0xb4: {  	s4 =	rddreg [dreg:$0xb]  }
0xb5: {  	s29 =	rddreg [dreg:$0x14];
	[tilespmem:v59+s12+$0x0] =	vst.idx.msk $0xffff, v60  }
.Ltmp8:
0xb6: {  	[tilespmem:v61+s12+$0x0] =	vst.idx.msk $0xffff, v62;
	s0 =	sadd.s32 s4, s29;
	(pc) =	sbr.rel .LBB2_10-.Ltmp8, $4  }
0xb7: {  	[tilespmem:v1+s12+$0x0] =	vst.idx.msk $0xffff, v63;
	s0 =	sshll.u32 s0, $0x9  }
0xb8: {  	s30 =	rddreg [dreg:$0xa];
	s0 =	sand.u32 $0x1FFFFE00, s0  }
0xb9: {  	s31 =	simm.s32 $0x0;
	s6 =	rddreg [dreg:$0x13];
	s0 =	sadd.s32 s30, s0  }
0xba: {  	[hbm4b:s0+s31] =	stream.linear.scatter [tilespmem:s12], [sflag:$0x4], $0x1000, $0x38;
	[tilespmem:$0x4000] =	vst v63  }
.LBB2_11:
0xbb: {  	s0 =	simm.s32 $0x3  }
0xbc: {  	_ =	swait.ge [sflag:s0], $0x1000  }
.Ltmp9:
0xbd: {  	[sflag:s0] =	ssyncset.done $0x0;
	(pc) =	sbr.rel @p0 .LBB2_15-.Ltmp9, $4  }
0xbe: {  	s31 =	simm.s32 $0x4;
	[sflag:s0] =	ssyncadd.s32 $0xFFFFF000  }
0xbf: {  	_ =	swait.ge [sflag:s31], $0x1000  }
0xc0: {  	[sflag:s31] =	ssyncset.done $0x0  }
0xc1: {  	s1 =	rddreg [dreg:$0x12];
	[sflag:s31] =	ssyncadd.s32 $0xFFFFF000  }
0xc2: {  	s0 =	rddreg [dreg:$0x1];
	s1 =	simm.s32 $0x0;
	s6 =	simm.s32 $0x5  }
0xc3: {  	[tilespmem:s1], [sflag:$0x5] =	stream.linear.gather [hbm4b:s0+s1], $0x1000, $0x38;
	[tilespmem:$0x4000] =	vst v63  }
0xc4: {  	_ =	swait.ge [sflag:s6], $0x1000  }
0xc5: {  	[sflag:s6] =	ssyncset.done $0x0  }
0xc6: {  	s25 =	simm.s32 $0x800;
	s7 =	simm.s32 $0x200;
	[sflag:s6] =	ssyncadd.s32 $0xFFFFF000  }
0xc7: {  	s8 =	simm.s32 $0x0;
	v2 =	vor.u32 s7, v0;
	v1 =	vld [tilespmem:s25+$0xFFFFF810]  }
0xc8: {  	v4 =	vor.u32 s8, v0;
	v3 =	vld [tilespmem:s25+$0xFFFFF800];
	_ =	sdelay $0x2  }
0xc9: {  	s2 =	simm.s32 $0x2000  }
0xca: {  	s9 =	simm.s32 $0x201;
	[tilespmem:v2+s2+$0x0] =	vst.idx.msk $0xffff, v1  }
0xcb: {  	s10 =	simm.s32 $0x1;
	[tilespmem:v4+s2+$0x0] =	vst.idx.msk $0xffff, v3;
	v2 =	vor.u32 s9, v0;
	v1 =	vld [tilespmem:s25+$0xFFFFF890]  }
0xcc: {  	v4 =	vor.u32 s10, v0;
	v3 =	vld [tilespmem:s25+$0xFFFFF880];
	_ =	sdelay $0x3  }
0xcd: {  	s11 =	simm.s32 $0x202;
	[tilespmem:v2+s2+$0x0] =	vst.idx.msk $0xffff, v1  }
0xce: {  	s12 =	simm.s32 $0x2;
	[tilespmem:v4+s2+$0x0] =	vst.idx.msk $0xffff, v3;
	v2 =	vor.u32 s11, v0;
	v1 =	vld [tilespmem:s25+$0xFFFFF910]  }
0xcf: {  	v4 =	vor.u32 s12, v0;
	v3 =	vld [tilespmem:s25+$0xFFFFF900];
	_ =	sdelay $0x3  }
0xd0: {  	s13 =	simm.s32 $0x203;
	[tilespmem:v2+s2+$0x0] =	vst.idx.msk $0xffff, v1  }
0xd1: {  	s14 =	simm.s32 $0x3;
	[tilespmem:v4+s2+$0x0] =	vst.idx.msk $0xffff, v3;
	v2 =	vor.u32 s13, v0;
	v1 =	vld [tilespmem:s25+$0xFFFFF990]  }
0xd2: {  	v4 =	vor.u32 s14, v0;
	v3 =	vld [tilespmem:s25+$0xFFFFF980];
	_ =	sdelay $0x3  }
0xd3: {  	s15 =	simm.s32 $0x204;
	[tilespmem:v2+s2+$0x0] =	vst.idx.msk $0xffff, v1  }
0xd4: {  	s16 =	simm.s32 $0x4;
	[tilespmem:v4+s2+$0x0] =	vst.idx.msk $0xffff, v3;
	v2 =	vor.u32 s15, v0;
	v1 =	vld [tilespmem:s25+$0xFFFFFA10]  }
0xd5: {  	v4 =	vor.u32 s16, v0;
	v3 =	vld [tilespmem:s25+$0xFFFFFA00];
	_ =	sdelay $0x3  }
0xd6: {  	s17 =	simm.s32 $0x205;
	[tilespmem:v2+s2+$0x0] =	vst.idx.msk $0xffff, v1  }
0xd7: {  	s18 =	simm.s32 $0x5;
	[tilespmem:v4+s2+$0x0] =	vst.idx.msk $0xffff, v3;
	v2 =	vor.u32 s17, v0;
	v1 =	vld [tilespmem:s25+$0xFFFFFA90]  }
0xd8: {  	v4 =	vor.u32 s18, v0;
	v3 =	vld [tilespmem:s25+$0xFFFFFA80];
	_ =	sdelay $0x3  }
0xd9: {  	s19 =	simm.s32 $0x206;
	[tilespmem:v2+s2+$0x0] =	vst.idx.msk $0xffff, v1  }
0xda: {  	s20 =	simm.s32 $0x6;
	[tilespmem:v4+s2+$0x0] =	vst.idx.msk $0xffff, v3;
	v2 =	vor.u32 s19, v0;
	v1 =	vld [tilespmem:s25+$0xFFFFFB10]  }
0xdb: {  	v4 =	vor.u32 s20, v0;
	v3 =	vld [tilespmem:s25+$0xFFFFFB00];
	_ =	sdelay $0x3  }
0xdc: {  	s21 =	simm.s32 $0x207;
	[tilespmem:v2+s2+$0x0] =	vst.idx.msk $0xffff, v1  }
0xdd: {  	s22 =	simm.s32 $0x7;
	[tilespmem:v4+s2+$0x0] =	vst.idx.msk $0xffff, v3;
	v2 =	vor.u32 s21, v0;
	v1 =	vld [tilespmem:s25+$0xFFFFFB90]  }
0xde: {  	v4 =	vor.u32 s22, v0;
	v3 =	vld [tilespmem:s25+$0xFFFFFB80];
	_ =	sdelay $0x3  }
0xdf: {  	s23 =	simm.s32 $0x208;
	[tilespmem:v2+s2+$0x0] =	vst.idx.msk $0xffff, v1  }
0xe0: {  	s24 =	simm.s32 $0x8;
	[tilespmem:v4+s2+$0x0] =	vst.idx.msk $0xffff, v3;
	v2 =	vor.u32 s23, v0;
	v1 =	vld [tilespmem:s25+$0xFFFFFC10]  }
0xe1: {  	v4 =	vor.u32 s24, v0;
	v3 =	vld [tilespmem:s25+$0xFFFFFC00];
	_ =	sdelay $0x3  }
0xe2: {  	s26 =	simm.s32 $0x209;
	[tilespmem:v2+s2+$0x0] =	vst.idx.msk $0xffff, v1  }
0xe3: {  	s31 =	simm.s32 $0x9;
	[tilespmem:v4+s2+$0x0] =	vst.idx.msk $0xffff, v3;
	v2 =	vor.u32 s26, v0;
	v1 =	vld [tilespmem:s25+$0xFFFFFC90]  }
0xe4: {  	v4 =	vor.u32 s31, v0;
	v3 =	vld [tilespmem:s25+$0xFFFFFC80];
	_ =	sdelay $0x3  }
0xe5: {  	s1 =	simm.s32 $0x20A;
	[tilespmem:v2+s2+$0x0] =	vst.idx.msk $0xffff, v1  }
0xe6: {  	s3 =	simm.s32 $0xA;
	[tilespmem:v4+s2+$0x0] =	vst.idx.msk $0xffff, v3;
	v2 =	vor.u32 s1, v0;
	v1 =	vld [tilespmem:s25+$0xFFFFFD10]  }
0xe7: {  	v4 =	vor.u32 s3, v0;
	v3 =	vld [tilespmem:s25+$0xFFFFFD00];
	_ =	sdelay $0x1  }
0xe8: {  	s5 =	simm.s32 $0x400;
	s23 =	simm.s32 $0x820  }
0xe9: {  	v6 =	vor.u32 s5, v0;
	s6 =	simm.s32 $0x600;
	v5 =	vld [tilespmem:s23+$0xFFFFF800]  }
0xea: {  	s7 =	simm.s32 $0x20B;
	v8 =	vor.u32 s6, v0;
	v7 =	vld [tilespmem:s23+$0xFFFFF810];
	[tilespmem:v2+s2+$0x0] =	vst.idx.msk $0xffff, v1  }
0xeb: {  	s8 =	simm.s32 $0xB;
	[tilespmem:v4+s2+$0x0] =	vst.idx.msk $0xffff, v3;
	v2 =	vor.u32 s7, v0;
	v1 =	vld [tilespmem:s25+$0xFFFFFD90]  }
0xec: {  	v4 =	vor.u32 s8, v0;
	v3 =	vld [tilespmem:s25+$0xFFFFFD80];
	_ =	sdelay $0x1  }
0xed: {  	s9 =	simm.s32 $0x401;
	[tilespmem:v6+s2+$0x0] =	vst.idx.msk $0xffff, v5  }
0xee: {  	s10 =	simm.s32 $0x601;
	v6 =	vor.u32 s9, v0;
	[tilespmem:v8+s2+$0x0] =	vst.idx.msk $0xffff, v7;
	v5 =	vld [tilespmem:s23+$0xFFFFF880]  }
0xef: {  	s11 =	simm.s32 $0x20C;
	v8 =	vor.u32 s10, v0;
	v7 =	vld [tilespmem:s23+$0xFFFFF890];
	[tilespmem:v2+s2+$0x0] =	vst.idx.msk $0xffff, v1  }
0xf0: {  	s12 =	simm.s32 $0xC;
	[tilespmem:v4+s2+$0x0] =	vst.idx.msk $0xffff, v3;
	v2 =	vor.u32 s11, v0;
	v1 =	vld [tilespmem:s25+$0xFFFFFE10]  }
0xf1: {  	v4 =	vor.u32 s12, v0;
	v3 =	vld [tilespmem:s25+$0xFFFFFE00];
	_ =	sdelay $0x1  }
0xf2: {  	s13 =	simm.s32 $0x402;
	[tilespmem:v6+s2+$0x0] =	vst.idx.msk $0xffff, v5  }
0xf3: {  	s14 =	simm.s32 $0x602;
	v6 =	vor.u32 s13, v0;
	[tilespmem:v8+s2+$0x0] =	vst.idx.msk $0xffff, v7;
	v5 =	vld [tilespmem:s23+$0xFFFFF900]  }
0xf4: {  	s15 =	simm.s32 $0x20D;
	v8 =	vor.u32 s14, v0;
	v7 =	vld [tilespmem:s23+$0xFFFFF910];
	[tilespmem:v2+s2+$0x0] =	vst.idx.msk $0xffff, v1  }
0xf5: {  	s16 =	simm.s32 $0xD;
	[tilespmem:v4+s2+$0x0] =	vst.idx.msk $0xffff, v3;
	v2 =	vor.u32 s15, v0;
	v1 =	vld [tilespmem:s25+$0xFFFFFE90]  }
0xf6: {  	v4 =	vor.u32 s16, v0;
	v3 =	vld [tilespmem:s25+$0xFFFFFE80];
	_ =	sdelay $0x1  }
0xf7: {  	s17 =	simm.s32 $0x403;
	[tilespmem:v6+s2+$0x0] =	vst.idx.msk $0xffff, v5  }
0xf8: {  	s18 =	simm.s32 $0x603;
	v6 =	vor.u32 s17, v0;
	[tilespmem:v8+s2+$0x0] =	vst.idx.msk $0xffff, v7;
	v5 =	vld [tilespmem:s23+$0xFFFFF980]  }
0xf9: {  	s19 =	simm.s32 $0x20E;
	v8 =	vor.u32 s18, v0;
	v7 =	vld [tilespmem:s23+$0xFFFFF990];
	[tilespmem:v2+s2+$0x0] =	vst.idx.msk $0xffff, v1  }
0xfa: {  	s20 =	simm.s32 $0xE;
	[tilespmem:v4+s2+$0x0] =	vst.idx.msk $0xffff, v3;
	v2 =	vor.u32 s19, v0;
	v1 =	vld [tilespmem:s25+$0xFFFFFF10]  }
0xfb: {  	v4 =	vor.u32 s20, v0;
	v3 =	vld [tilespmem:s25+$0xFFFFFF00];
	_ =	sdelay $0x1  }
0xfc: {  	s21 =	simm.s32 $0x404;
	[tilespmem:v6+s2+$0x0] =	vst.idx.msk $0xffff, v5  }
0xfd: {  	s22 =	simm.s32 $0x604;
	v6 =	vor.u32 s21, v0;
	[tilespmem:v8+s2+$0x0] =	vst.idx.msk $0xffff, v7;
	v5 =	vld [tilespmem:s23+$0xFFFFFA00]  }
0xfe: {  	s24 =	simm.s32 $0x20F;
	v8 =	vor.u32 s22, v0;
	v7 =	vld [tilespmem:s23+$0xFFFFFA10];
	[tilespmem:v2+s2+$0x0] =	vst.idx.msk $0xffff, v1  }
0xff: {  	s26 =	simm.s32 $0xF;
	[tilespmem:v4+s2+$0x0] =	vst.idx.msk $0xffff, v3;
	v2 =	vor.u32 s24, v0;
	v1 =	vld [tilespmem:s25+$0xFFFFFF90]  }
0x100: {  	v4 =	vor.u32 s26, v0;
	v3 =	vld [tilespmem:s25+$0xFFFFFF80];
	_ =	sdelay $0x1  }
0x101: {  	s31 =	simm.s32 $0x405;
	[tilespmem:v6+s2+$0x0] =	vst.idx.msk $0xffff, v5  }
0x102: {  	s1 =	simm.s32 $0x605;
	v6 =	vor.u32 s31, v0;
	[tilespmem:v8+s2+$0x0] =	vst.idx.msk $0xffff, v7;
	v5 =	vld [tilespmem:s23+$0xFFFFFA80]  }
0x103: {  	s3 =	simm.s32 $0x210;
	v8 =	vor.u32 s1, v0;
	v7 =	vld [tilespmem:s23+$0xFFFFFA90];
	[tilespmem:v2+s2+$0x0] =	vst.idx.msk $0xffff, v1  }
0x104: {  	s5 =	simm.s32 $0x10;
	[tilespmem:v4+s2+$0x0] =	vst.idx.msk $0xffff, v3;
	v2 =	vor.u32 s3, v0;
	v1 =	vld [tilespmem:s25+$0x10]  }
0x105: {  	v4 =	vor.u32 s5, v0;
	v3 =	vld [tilespmem:s25+$0x0];
	_ =	sdelay $0x1  }
0x106: {  	s6 =	simm.s32 $0x406;
	[tilespmem:v6+s2+$0x0] =	vst.idx.msk $0xffff, v5  }
0x107: {  	s7 =	simm.s32 $0x606;
	v6 =	vor.u32 s6, v0;
	[tilespmem:v8+s2+$0x0] =	vst.idx.msk $0xffff, v7;
	v5 =	vld [tilespmem:s23+$0xFFFFFB00]  }
0x108: {  	s8 =	simm.s32 $0x211;
	v8 =	vor.u32 s7, v0;
	v7 =	vld [tilespmem:s23+$0xFFFFFB10];
	[tilespmem:v2+s2+$0x0] =	vst.idx.msk $0xffff, v1  }
0x109: {  	s9 =	simm.s32 $0x11;
	[tilespmem:v4+s2+$0x0] =	vst.idx.msk $0xffff, v3;
	v2 =	vor.u32 s8, v0;
	v1 =	vld [tilespmem:s25+$0x90]  }
0x10a: {  	v4 =	vor.u32 s9, v0;
	v3 =	vld [tilespmem:s25+$0x80];
	_ =	sdelay $0x1  }
0x10b: {  	s10 =	simm.s32 $0x407;
	[tilespmem:v6+s2+$0x0] =	vst.idx.msk $0xffff, v5  }
0x10c: {  	s11 =	simm.s32 $0x607;
	v6 =	vor.u32 s10, v0;
	[tilespmem:v8+s2+$0x0] =	vst.idx.msk $0xffff, v7;
	v5 =	vld [tilespmem:s23+$0xFFFFFB80]  }
0x10d: {  	s12 =	simm.s32 $0x212;
	v8 =	vor.u32 s11, v0;
	v7 =	vld [tilespmem:s23+$0xFFFFFB90];
	[tilespmem:v2+s2+$0x0] =	vst.idx.msk $0xffff, v1  }
0x10e: {  	s13 =	simm.s32 $0x12;
	[tilespmem:v4+s2+$0x0] =	vst.idx.msk $0xffff, v3;
	v2 =	vor.u32 s12, v0;
	v1 =	vld [tilespmem:s25+$0x110]  }
0x10f: {  	v4 =	vor.u32 s13, v0;
	v3 =	vld [tilespmem:s25+$0x100];
	_ =	sdelay $0x1  }
0x110: {  	s14 =	simm.s32 $0x408;
	[tilespmem:v6+s2+$0x0] =	vst.idx.msk $0xffff, v5  }
0x111: {  	s15 =	simm.s32 $0x608;
	v6 =	vor.u32 s14, v0;
	[tilespmem:v8+s2+$0x0] =	vst.idx.msk $0xffff, v7;
	v5 =	vld [tilespmem:s23+$0xFFFFFC00]  }
0x112: {  	s16 =	simm.s32 $0x213;
	v8 =	vor.u32 s15, v0;
	v7 =	vld [tilespmem:s23+$0xFFFFFC10];
	[tilespmem:v2+s2+$0x0] =	vst.idx.msk $0xffff, v1  }
0x113: {  	s17 =	simm.s32 $0x13;
	[tilespmem:v4+s2+$0x0] =	vst.idx.msk $0xffff, v3;
	v2 =	vor.u32 s16, v0;
	v1 =	vld [tilespmem:s25+$0x190]  }
0x114: {  	v4 =	vor.u32 s17, v0;
	v3 =	vld [tilespmem:s25+$0x180];
	_ =	sdelay $0x1  }
0x115: {  	s18 =	simm.s32 $0x409;
	[tilespmem:v6+s2+$0x0] =	vst.idx.msk $0xffff, v5  }
0x116: {  	s19 =	simm.s32 $0x609;
	v6 =	vor.u32 s18, v0;
	[tilespmem:v8+s2+$0x0] =	vst.idx.msk $0xffff, v7;
	v5 =	vld [tilespmem:s23+$0xFFFFFC80]  }
0x117: {  	s20 =	simm.s32 $0x214;
	v8 =	vor.u32 s19, v0;
	v7 =	vld [tilespmem:s23+$0xFFFFFC90];
	[tilespmem:v2+s2+$0x0] =	vst.idx.msk $0xffff, v1  }
0x118: {  	s21 =	simm.s32 $0x14;
	[tilespmem:v4+s2+$0x0] =	vst.idx.msk $0xffff, v3;
	v2 =	vor.u32 s20, v0;
	v1 =	vld [tilespmem:s25+$0x210]  }
0x119: {  	v4 =	vor.u32 s21, v0;
	v3 =	vld [tilespmem:s25+$0x200];
	_ =	sdelay $0x1  }
0x11a: {  	s22 =	simm.s32 $0x40A;
	[tilespmem:v6+s2+$0x0] =	vst.idx.msk $0xffff, v5  }
0x11b: {  	s24 =	simm.s32 $0x60A;
	v6 =	vor.u32 s22, v0;
	[tilespmem:v8+s2+$0x0] =	vst.idx.msk $0xffff, v7;
	v5 =	vld [tilespmem:s23+$0xFFFFFD00]  }
0x11c: {  	s26 =	simm.s32 $0x215;
	v8 =	vor.u32 s24, v0;
	v7 =	vld [tilespmem:s23+$0xFFFFFD10];
	[tilespmem:v2+s2+$0x0] =	vst.idx.msk $0xffff, v1  }
0x11d: {  	s31 =	simm.s32 $0x15;
	[tilespmem:v4+s2+$0x0] =	vst.idx.msk $0xffff, v3;
	v2 =	vor.u32 s26, v0;
	v1 =	vld [tilespmem:s25+$0x290]  }
0x11e: {  	s3 =	simm.s32 $0x800;
	s24 =	simm.s32 $0x840;
	v4 =	vor.u32 s31, v0;
	v3 =	vld [tilespmem:s25+$0x280]  }
0x11f: {  	s5 =	simm.s32 $0xA00;
	v10 =	vor.u32 s3, v0;
	v9 =	vld [tilespmem:s24+$0xFFFFF800]  }
0x120: {  	s6 =	simm.s32 $0x40B;
	v11 =	vld [tilespmem:s24+$0xFFFFF810];
	[tilespmem:v6+s2+$0x0] =	vst.idx.msk $0xffff, v5;
	v5 =	vor.u32 s5, v0  }
0x121: {  	s7 =	simm.s32 $0x60B;
	[tilespmem:v8+s2+$0x0] =	vst.idx.msk $0xffff, v7;
	v7 =	vor.u32 s6, v0;
	v6 =	vld [tilespmem:s23+$0xFFFFFD80]  }
0x122: {  	v12 =	vor.u32 s7, v0;
	s8 =	simm.s32 $0x216;
	v8 =	vld [tilespmem:s23+$0xFFFFFD90];
	[tilespmem:v2+s2+$0x0] =	vst.idx.msk $0xffff, v1  }
0x123: {  	s9 =	simm.s32 $0x16;
	[tilespmem:v4+s2+$0x0] =	vst.idx.msk $0xffff, v3;
	v2 =	vor.u32 s8, v0;
	v1 =	vld [tilespmem:s25+$0x310]  }
0x124: {  	s10 =	simm.s32 $0x801;
	[tilespmem:v10+s2+$0x0] =	vst.idx.msk $0xffff, v9;
	v4 =	vor.u32 s9, v0;
	v3 =	vld [tilespmem:s25+$0x300]  }
0x125: {  	s11 =	simm.s32 $0xA01;
	v10 =	vor.u32 s10, v0;
	v9 =	vld [tilespmem:s24+$0xFFFFF880];
	[tilespmem:v5+s2+$0x0] =	vst.idx.msk $0xffff, v11  }
0x126: {  	s12 =	simm.s32 $0x40C;
	v11 =	vor.u32 s11, v0;
	v5 =	vld [tilespmem:s24+$0xFFFFF890];
	[tilespmem:v7+s2+$0x0] =	vst.idx.msk $0xffff, v6  }
0x127: {  	s13 =	simm.s32 $0x60C;
	v7 =	vor.u32 s12, v0;
	[tilespmem:v12+s2+$0x0] =	vst.idx.msk $0xffff, v8;
	v6 =	vld [tilespmem:s23+$0xFFFFFE00]  }
0x128: {  	s14 =	simm.s32 $0x217;
	v56 =	vor.u32 s13, v0;
	v8 =	vld [tilespmem:s23+$0xFFFFFE10];
	[tilespmem:v2+s2+$0x0] =	vst.idx.msk $0xffff, v1  }
0x129: {  	s15 =	simm.s32 $0x17;
	[tilespmem:v4+s2+$0x0] =	vst.idx.msk $0xffff, v3;
	v2 =	vor.u32 s14, v0;
	v1 =	vld [tilespmem:s25+$0x390]  }
0x12a: {  	s16 =	simm.s32 $0x802;
	[tilespmem:v10+s2+$0x0] =	vst.idx.msk $0xffff, v9;
	v4 =	vor.u32 s15, v0;
	v3 =	vld [tilespmem:s25+$0x380]  }
0x12b: {  	s17 =	simm.s32 $0xA02;
	v10 =	vor.u32 s16, v0;
	v9 =	vld [tilespmem:s24+$0xFFFFF900];
	[tilespmem:v11+s2+$0x0] =	vst.idx.msk $0xffff, v5  }
0x12c: {  	s18 =	simm.s32 $0x40D;
	v11 =	vor.u32 s17, v0;
	v5 =	vld [tilespmem:s24+$0xFFFFF910];
	[tilespmem:v7+s2+$0x0] =	vst.idx.msk $0xffff, v6  }
0x12d: {  	s19 =	simm.s32 $0x60D;
	v7 =	vor.u32 s18, v0;
	[tilespmem:v56+s2+$0x0] =	vst.idx.msk $0xffff, v8;
	v6 =	vld [tilespmem:s23+$0xFFFFFE80]  }
0x12e: {  	v57 =	vor.u32 s19, v0;
	s20 =	simm.s32 $0x218;
	v8 =	vld [tilespmem:s23+$0xFFFFFE90];
	[tilespmem:v2+s2+$0x0] =	vst.idx.msk $0xffff, v1  }
0x12f: {  	s21 =	simm.s32 $0x18;
	[tilespmem:v4+s2+$0x0] =	vst.idx.msk $0xffff, v3;
	v2 =	vor.u32 s20, v0;
	v1 =	vld [tilespmem:s25+$0x410]  }
0x130: {  	s22 =	simm.s32 $0x803;
	[tilespmem:v10+s2+$0x0] =	vst.idx.msk $0xffff, v9;
	v4 =	vor.u32 s21, v0;
	v3 =	vld [tilespmem:s25+$0x400]  }
0x131: {  	v10 =	vor.u32 s22, v0;
	s26 =	simm.s32 $0xA03;
	v9 =	vld [tilespmem:s24+$0xFFFFF980];
	[tilespmem:v11+s2+$0x0] =	vst.idx.msk $0xffff, v5  }
0x132: {  	s31 =	simm.s32 $0x40E;
	v11 =	vor.u32 s26, v0;
	v5 =	vld [tilespmem:s24+$0xFFFFF990];
	[tilespmem:v7+s2+$0x0] =	vst.idx.msk $0xffff, v6  }
0x133: {  	s1 =	simm.s32 $0x60E;
	v7 =	vor.u32 s31, v0;
	[tilespmem:v57+s2+$0x0] =	vst.idx.msk $0xffff, v8;
	v6 =	vld [tilespmem:s23+$0xFFFFFF00]  }
0x134: {  	v58 =	vor.u32 s1, v0;
	s3 =	simm.s32 $0x219;
	v8 =	vld [tilespmem:s23+$0xFFFFFF10];
	[tilespmem:v2+s2+$0x0] =	vst.idx.msk $0xffff, v1  }
0x135: {  	s5 =	simm.s32 $0x19;
	[tilespmem:v4+s2+$0x0] =	vst.idx.msk $0xffff, v3;
	v2 =	vor.u32 s3, v0;
	v1 =	vld [tilespmem:s25+$0x490]  }
0x136: {  	s6 =	simm.s32 $0x804;
	[tilespmem:v10+s2+$0x0] =	vst.idx.msk $0xffff, v9;
	v4 =	vor.u32 s5, v0;
	v3 =	vld [tilespmem:s25+$0x480]  }
0x137: {  	s7 =	simm.s32 $0xA04;
	v10 =	vor.u32 s6, v0;
	v9 =	vld [tilespmem:s24+$0xFFFFFA00];
	[tilespmem:v11+s2+$0x0] =	vst.idx.msk $0xffff, v5  }
0x138: {  	s8 =	simm.s32 $0x40F;
	v11 =	vor.u32 s7, v0;
	v5 =	vld [tilespmem:s24+$0xFFFFFA10];
	[tilespmem:v7+s2+$0x0] =	vst.idx.msk $0xffff, v6  }
0x139: {  	s9 =	simm.s32 $0x60F;
	v7 =	vor.u32 s8, v0;
	[tilespmem:v58+s2+$0x0] =	vst.idx.msk $0xffff, v8;
	v6 =	vld [tilespmem:s23+$0xFFFFFF80]  }
0x13a: {  	s10 =	simm.s32 $0x21A;
	v59 =	vor.u32 s9, v0;
	v8 =	vld [tilespmem:s23+$0xFFFFFF90];
	[tilespmem:v2+s2+$0x0] =	vst.idx.msk $0xffff, v1  }
0x13b: {  	s11 =	simm.s32 $0x1A;
	[tilespmem:v4+s2+$0x0] =	vst.idx.msk $0xffff, v3;
	v2 =	vor.u32 s10, v0;
	v1 =	vld [tilespmem:s25+$0x510]  }
0x13c: {  	s12 =	simm.s32 $0x805;
	[tilespmem:v10+s2+$0x0] =	vst.idx.msk $0xffff, v9;
	v4 =	vor.u32 s11, v0;
	v3 =	vld [tilespmem:s25+$0x500]  }
0x13d: {  	s13 =	simm.s32 $0xA05;
	v10 =	vor.u32 s12, v0;
	v9 =	vld [tilespmem:s24+$0xFFFFFA80];
	[tilespmem:v11+s2+$0x0] =	vst.idx.msk $0xffff, v5  }
0x13e: {  	s14 =	simm.s32 $0x410;
	v11 =	vor.u32 s13, v0;
	v5 =	vld [tilespmem:s24+$0xFFFFFA90];
	[tilespmem:v7+s2+$0x0] =	vst.idx.msk $0xffff, v6  }
0x13f: {  	s15 =	simm.s32 $0x610;
	v7 =	vor.u32 s14, v0;
	[tilespmem:v59+s2+$0x0] =	vst.idx.msk $0xffff, v8;
	v6 =	vld [tilespmem:s23+$0x0]  }
0x140: {  	s16 =	simm.s32 $0x21B;
	v60 =	vor.u32 s15, v0;
	v8 =	vld [tilespmem:s23+$0x10];
	[tilespmem:v2+s2+$0x0] =	vst.idx.msk $0xffff, v1  }
0x141: {  	s17 =	simm.s32 $0x1B;
	[tilespmem:v4+s2+$0x0] =	vst.idx.msk $0xffff, v3;
	v2 =	vor.u32 s16, v0;
	v1 =	vld [tilespmem:s25+$0x590]  }
0x142: {  	s18 =	simm.s32 $0x806;
	[tilespmem:v10+s2+$0x0] =	vst.idx.msk $0xffff, v9;
	v4 =	vor.u32 s17, v0;
	v3 =	vld [tilespmem:s25+$0x580]  }
0x143: {  	s19 =	simm.s32 $0xA06;
	v10 =	vor.u32 s18, v0;
	v9 =	vld [tilespmem:s24+$0xFFFFFB00];
	[tilespmem:v11+s2+$0x0] =	vst.idx.msk $0xffff, v5  }
0x144: {  	s20 =	simm.s32 $0x411;
	v11 =	vor.u32 s19, v0;
	v5 =	vld [tilespmem:s24+$0xFFFFFB10];
	[tilespmem:v7+s2+$0x0] =	vst.idx.msk $0xffff, v6  }
0x145: {  	s21 =	simm.s32 $0x611;
	v7 =	vor.u32 s20, v0;
	[tilespmem:v60+s2+$0x0] =	vst.idx.msk $0xffff, v8;
	v6 =	vld [tilespmem:s23+$0x80]  }
0x146: {  	s22 =	simm.s32 $0x21C;
	v61 =	vor.u32 s21, v0;
	v8 =	vld [tilespmem:s23+$0x90];
	[tilespmem:v2+s2+$0x0] =	vst.idx.msk $0xffff, v1  }
0x147: {  	s26 =	simm.s32 $0x1C;
	[tilespmem:v4+s2+$0x0] =	vst.idx.msk $0xffff, v3;
	v2 =	vor.u32 s22, v0;
	v1 =	vld [tilespmem:s25+$0x610]  }
0x148: {  	s31 =	simm.s32 $0x807;
	[tilespmem:v10+s2+$0x0] =	vst.idx.msk $0xffff, v9;
	v4 =	vor.u32 s26, v0;
	v3 =	vld [tilespmem:s25+$0x600]  }
0x149: {  	s1 =	simm.s32 $0xA07;
	v10 =	vor.u32 s31, v0;
	v9 =	vld [tilespmem:s24+$0xFFFFFB80];
	[tilespmem:v11+s2+$0x0] =	vst.idx.msk $0xffff, v5  }
0x14a: {  	s3 =	simm.s32 $0x412;
	v11 =	vor.u32 s1, v0;
	v5 =	vld [tilespmem:s24+$0xFFFFFB90];
	[tilespmem:v7+s2+$0x0] =	vst.idx.msk $0xffff, v6  }
0x14b: {  	s5 =	simm.s32 $0x612;
	v7 =	vor.u32 s3, v0;
	[tilespmem:v61+s2+$0x0] =	vst.idx.msk $0xffff, v8;
	v6 =	vld [tilespmem:s23+$0x100]  }
0x14c: {  	s6 =	simm.s32 $0x21D;
	v62 =	vor.u32 s5, v0;
	v8 =	vld [tilespmem:s23+$0x110];
	[tilespmem:v2+s2+$0x0] =	vst.idx.msk $0xffff, v1  }
0x14d: {  	s7 =	simm.s32 $0x1D;
	[tilespmem:v4+s2+$0x0] =	vst.idx.msk $0xffff, v3;
	v2 =	vor.u32 s6, v0;
	v1 =	vld [tilespmem:s25+$0x690]  }
0x14e: {  	s8 =	simm.s32 $0x808;
	[tilespmem:v10+s2+$0x0] =	vst.idx.msk $0xffff, v9;
	v4 =	vor.u32 s7, v0;
	v3 =	vld [tilespmem:s25+$0x680]  }
0x14f: {  	s9 =	simm.s32 $0xA08;
	v10 =	vor.u32 s8, v0;
	v9 =	vld [tilespmem:s24+$0xFFFFFC00];
	[tilespmem:v11+s2+$0x0] =	vst.idx.msk $0xffff, v5  }
0x150: {  	s10 =	simm.s32 $0x413;
	v11 =	vor.u32 s9, v0;
	v5 =	vld [tilespmem:s24+$0xFFFFFC10];
	[tilespmem:v7+s2+$0x0] =	vst.idx.msk $0xffff, v6  }
0x151: {  	s11 =	simm.s32 $0x613;
	v7 =	vor.u32 s10, v0;
	[tilespmem:v62+s2+$0x0] =	vst.idx.msk $0xffff, v8;
	v6 =	vld [tilespmem:s23+$0x180]  }
0x152: {  	s12 =	simm.s32 $0x21E;
	v63 =	vor.u32 s11, v0;
	v8 =	vld [tilespmem:s23+$0x190];
	[tilespmem:v2+s2+$0x0] =	vst.idx.msk $0xffff, v1  }
0x153: {  	s13 =	simm.s32 $0x1E;
	[tilespmem:v4+s2+$0x0] =	vst.idx.msk $0xffff, v3;
	v2 =	vor.u32 s12, v0;
	v1 =	vld [tilespmem:s25+$0x710]  }
0x154: {  	s14 =	simm.s32 $0x809;
	[tilespmem:v10+s2+$0x0] =	vst.idx.msk $0xffff, v9;
	v4 =	vor.u32 s13, v0;
	v3 =	vld [tilespmem:s25+$0x700]  }
0x155: {  	s15 =	simm.s32 $0xA09;
	v10 =	vor.u32 s14, v0;
	v9 =	vld [tilespmem:s24+$0xFFFFFC80];
	[tilespmem:v11+s2+$0x0] =	vst.idx.msk $0xffff, v5  }
0x156: {  	s16 =	simm.s32 $0x414;
	v11 =	vor.u32 s15, v0;
	v5 =	vld [tilespmem:s24+$0xFFFFFC90];
	[tilespmem:v7+s2+$0x0] =	vst.idx.msk $0xffff, v6  }
0x157: {  	s17 =	simm.s32 $0x614;
	v13 =	vor.u32 s16, v0;
	[tilespmem:v63+s2+$0x0] =	vst.idx.msk $0xffff, v8;
	v6 =	vld [tilespmem:s23+$0x200]  }
0x158: {  	s18 =	simm.s32 $0x21F;
	v14 =	vor.u32 s17, v0;
	v12 =	vld [tilespmem:s23+$0x210];
	[tilespmem:v2+s2+$0x0] =	vst.idx.msk $0xffff, v1  }
0x159: {  	v16 =	vor.u32 s18, v0;
	s19 =	simm.s32 $0x1F;
	[tilespmem:v4+s2+$0x0] =	vst.idx.msk $0xffff, v3;
	v15 =	vld [tilespmem:s25+$0x790]  }
0x15a: {  	s20 =	simm.s32 $0x80A;
	[tilespmem:v10+s2+$0x0] =	vst.idx.msk $0xffff, v9;
	v2 =	vor.u32 s19, v0;
	v1 =	vld [tilespmem:s25+$0x780]  }
0x15b: {  	s21 =	simm.s32 $0xA0A;
	v9 =	vor.u32 s20, v0;
	v7 =	vld [tilespmem:s24+$0xFFFFFD00];
	[tilespmem:v11+s2+$0x0] =	vst.idx.msk $0xffff, v5  }
0x15c: {  	v10 =	vor.u32 s21, v0;
	s22 =	simm.s32 $0x415;
	v8 =	vld [tilespmem:s24+$0xFFFFFD10];
	[tilespmem:v13+s2+$0x0] =	vst.idx.msk $0xffff, v6  }
0x15d: {  	s28 =	simm.s32 $0x4;
	s29 =	simm.s32 $0xE1F;
	s31 =	simm.s32 $0x615;
	[tilespmem:v14+s2+$0x0] =	vst.idx.msk $0xffff, v12;
	v3 =	vld [tilespmem:s23+$0x280];
	v4 =	vor.u32 s22, v0  }
0x15e: {  	s30 =	simm.s32 $0x860;
	s26 =	simm.s32 $0x61F;
	v6 =	vor.u32 s31, v0;
	v5 =	vld [tilespmem:s23+$0x290];
	s25 =	simm.s32 $0xA1F;
	[tilespmem:v16+s2+$0x0] =	vst.idx.msk $0xffff, v15  }
.LBB2_13:
0x15f: {  	s0 =	sadd.s32 $0xFFFFFDE1, s29;
	v11 =	vld [tilespmem:s30+$0xFFFFF810];
	s28 =	sadd.s32 $0x2, s28;
	[tilespmem:v2+s2+$0x0] =	vst.idx.msk $0xffff, v1  }
0x160: {  	v1 =	vld [tilespmem:s30+$0xFFFFF800];
	v2 =	vor.u32 s0, v0;
	s0 =	sadd.s32 $0xFFFFFFE1, s29;
	p1 =	slt.u32 s28, $0x6;
	[tilespmem:v9+s2+$0x0] =	vst.idx.msk $0xffff, v7  }
0x161: {  	v7 =	vor.u32 s0, v0;
	v9 =	vld [tilespmem:s24+$0xFFFFFD80];
	s0 =	sadd.s32 $0xFFFFFDEC, s25;
	[tilespmem:v10+s2+$0x0] =	vst.idx.msk $0xffff, v8  }
0x162: {  	v8 =	vor.u32 s0, v0;
	v10 =	vld [tilespmem:s24+$0xFFFFFD90];
	s0 =	sadd.s32 $0xFFFFFFEC, s25;
	[tilespmem:v4+s2+$0x0] =	vst.idx.msk $0xffff, v3  }
0x163: {  	v3 =	vor.u32 s0, v0;
	v4 =	vld [tilespmem:s23+$0x300];
	[tilespmem:v6+s2+$0x0] =	vst.idx.msk $0xffff, v5;
	s0 =	sadd.s32 $0xFFFFFFF7, s26  }
0x164: {  	s1 =	sadd.s32 $0xFFFFFDF7, s26;
	v5 =	vld [tilespmem:s23+$0x310];
	v6 =	vor.u32 s0, v0  }
0x165: {  	s0 =	sadd.s32 $0xFFFFFDE2, s29;
	[tilespmem:v2+s2+$0x0] =	vst.idx.msk $0xffff, v1;
	v1 =	vor.u32 s1, v0  }
0x166: {  	v12 =	vor.u32 s0, v0;
	s0 =	sadd.s32 $0xFFFFFFE2, s29;
	v2 =	vld [tilespmem:s30+$0xFFFFF880];
	[tilespmem:v7+s2+$0x0] =	vst.idx.msk $0xffff, v11  }
0x167: {  	v11 =	vor.u32 s0, v0;
	s0 =	sadd.s32 $0xFFFFFDED, s25;
	v7 =	vld [tilespmem:s30+$0xFFFFF890];
	[tilespmem:v8+s2+$0x0] =	vst.idx.msk $0xffff, v9  }
0x168: {  	v9 =	vor.u32 s0, v0;
	s0 =	sadd.s32 $0xFFFFFFED, s25;
	v8 =	vld [tilespmem:s24+$0xFFFFFE00];
	[tilespmem:v3+s2+$0x0] =	vst.idx.msk $0xffff, v10  }
0x169: {  	v10 =	vor.u32 s0, v0;
	s0 =	sadd.s32 $0xFFFFFFF8, s26;
	v3 =	vld [tilespmem:s24+$0xFFFFFE10];
	[tilespmem:v6+s2+$0x0] =	vst.idx.msk $0xffff, v5  }
0x16a: {  	s1 =	sadd.s32 $0xFFFFFDF8, s26;
	[tilespmem:v1+s2+$0x0] =	vst.idx.msk $0xffff, v4;
	v1 =	vld [tilespmem:s23+$0x390];
	v4 =	vor.u32 s0, v0  }
0x16b: {  	v5 =	vor.u32 s1, v0;
	s0 =	sadd.s32 $0xFFFFFDE3, s29;
	[tilespmem:v12+s2+$0x0] =	vst.idx.msk $0xffff, v2;
	v2 =	vld [tilespmem:s23+$0x380]  }
0x16c: {  	v12 =	vor.u32 s0, v0;
	s0 =	sadd.s32 $0xFFFFFFE3, s29;
	v6 =	vld [tilespmem:s30+$0xFFFFF900];
	[tilespmem:v11+s2+$0x0] =	vst.idx.msk $0xffff, v7  }
0x16d: {  	v11 =	vor.u32 s0, v0;
	s0 =	sadd.s32 $0xFFFFFDEE, s25;
	v7 =	vld [tilespmem:s30+$0xFFFFF910];
	[tilespmem:v9+s2+$0x0] =	vst.idx.msk $0xffff, v8  }
0x16e: {  	v9 =	vor.u32 s0, v0;
	s0 =	sadd.s32 $0xFFFFFFEE, s25;
	v8 =	vld [tilespmem:s24+$0xFFFFFE80];
	[tilespmem:v10+s2+$0x0] =	vst.idx.msk $0xffff, v3  }
0x16f: {  	v10 =	vor.u32 s0, v0;
	s0 =	sadd.s32 $0xFFFFFFF9, s26;
	v3 =	vld [tilespmem:s24+$0xFFFFFE90];
	[tilespmem:v4+s2+$0x0] =	vst.idx.msk $0xffff, v1  }
0x170: {  	s1 =	sadd.s32 $0xFFFFFDF9, s26;
	[tilespmem:v5+s2+$0x0] =	vst.idx.msk $0xffff, v2;
	v1 =	vld [tilespmem:s23+$0x410];
	v2 =	vor.u32 s0, v0  }
0x171: {  	s0 =	sadd.s32 $0xFFFFFDE4, s29;
	v5 =	vor.u32 s1, v0;
	[tilespmem:v12+s2+$0x0] =	vst.idx.msk $0xffff, v6;
	v4 =	vld [tilespmem:s23+$0x400]  }
0x172: {  	v12 =	vor.u32 s0, v0;
	s0 =	sadd.s32 $0xFFFFFFE4, s29;
	v6 =	vld [tilespmem:s30+$0xFFFFF980];
	[tilespmem:v11+s2+$0x0] =	vst.idx.msk $0xffff, v7  }
0x173: {  	v11 =	vor.u32 s0, v0;
	s0 =	sadd.s32 $0xFFFFFDEF, s25;
	v7 =	vld [tilespmem:s30+$0xFFFFF990];
	[tilespmem:v9+s2+$0x0] =	vst.idx.msk $0xffff, v8  }
0x174: {  	v9 =	vor.u32 s0, v0;
	s0 =	sadd.s32 $0xFFFFFFEF, s25;
	v8 =	vld [tilespmem:s24+$0xFFFFFF00];
	[tilespmem:v10+s2+$0x0] =	vst.idx.msk $0xffff, v3  }
0x175: {  	v10 =	vor.u32 s0, v0;
	s0 =	sadd.s32 $0xFFFFFFFA, s26;
	v3 =	vld [tilespmem:s24+$0xFFFFFF10];
	[tilespmem:v2+s2+$0x0] =	vst.idx.msk $0xffff, v1  }
0x176: {  	s1 =	sadd.s32 $0xFFFFFDFA, s26;
	v2 =	vor.u32 s0, v0;
	[tilespmem:v5+s2+$0x0] =	vst.idx.msk $0xffff, v4;
	v1 =	vld [tilespmem:s23+$0x490]  }
0x177: {  	s0 =	sadd.s32 $0xFFFFFDE5, s29;
	v5 =	vor.u32 s1, v0;
	[tilespmem:v12+s2+$0x0] =	vst.idx.msk $0xffff, v6;
	v4 =	vld [tilespmem:s23+$0x480]  }
0x178: {  	v12 =	vor.u32 s0, v0;
	s0 =	sadd.s32 $0xFFFFFFE5, s29;
	v6 =	vld [tilespmem:s30+$0xFFFFFA00];
	[tilespmem:v11+s2+$0x0] =	vst.idx.msk $0xffff, v7  }
0x179: {  	v11 =	vor.u32 s0, v0;
	s0 =	sadd.s32 $0xFFFFFDF0, s25;
	v7 =	vld [tilespmem:s30+$0xFFFFFA10];
	[tilespmem:v9+s2+$0x0] =	vst.idx.msk $0xffff, v8  }
0x17a: {  	v9 =	vor.u32 s0, v0;
	s0 =	sadd.s32 $0xFFFFFFF0, s25;
	v8 =	vld [tilespmem:s24+$0xFFFFFF80];
	[tilespmem:v10+s2+$0x0] =	vst.idx.msk $0xffff, v3  }
0x17b: {  	v10 =	vor.u32 s0, v0;
	s0 =	sadd.s32 $0xFFFFFFFB, s26;
	v3 =	vld [tilespmem:s24+$0xFFFFFF90];
	[tilespmem:v2+s2+$0x0] =	vst.idx.msk $0xffff, v1  }
0x17c: {  	s1 =	sadd.s32 $0xFFFFFDFB, s26;
	v2 =	vor.u32 s0, v0;
	[tilespmem:v5+s2+$0x0] =	vst.idx.msk $0xffff, v4;
	v1 =	vld [tilespmem:s23+$0x510]  }
0x17d: {  	s0 =	sadd.s32 $0xFFFFFDE6, s29;
	v5 =	vor.u32 s1, v0;
	[tilespmem:v12+s2+$0x0] =	vst.idx.msk $0xffff, v6;
	v4 =	vld [tilespmem:s23+$0x500]  }
0x17e: {  	v12 =	vor.u32 s0, v0;
	s0 =	sadd.s32 $0xFFFFFFE6, s29;
	v6 =	vld [tilespmem:s30+$0xFFFFFA80];
	[tilespmem:v11+s2+$0x0] =	vst.idx.msk $0xffff, v7  }
0x17f: {  	v11 =	vor.u32 s0, v0;
	s0 =	sadd.s32 $0xFFFFFDF1, s25;
	v7 =	vld [tilespmem:s30+$0xFFFFFA90];
	[tilespmem:v9+s2+$0x0] =	vst.idx.msk $0xffff, v8  }
0x180: {  	v9 =	vor.u32 s0, v0;
	s0 =	sadd.s32 $0xFFFFFFF1, s25;
	v8 =	vld [tilespmem:s24+$0x0];
	[tilespmem:v10+s2+$0x0] =	vst.idx.msk $0xffff, v3  }
0x181: {  	v10 =	vor.u32 s0, v0;
	s0 =	sadd.s32 $0xFFFFFFFC, s26;
	v3 =	vld [tilespmem:s24+$0x10];
	[tilespmem:v2+s2+$0x0] =	vst.idx.msk $0xffff, v1  }
0x182: {  	s1 =	sadd.s32 $0xFFFFFDFC, s26;
	v2 =	vor.u32 s0, v0;
	[tilespmem:v5+s2+$0x0] =	vst.idx.msk $0xffff, v4;
	v1 =	vld [tilespmem:s23+$0x590]  }
0x183: {  	s0 =	sadd.s32 $0xFFFFFDE7, s29;
	v5 =	vor.u32 s1, v0;
	[tilespmem:v12+s2+$0x0] =	vst.idx.msk $0xffff, v6;
	v4 =	vld [tilespmem:s23+$0x580]  }
0x184: {  	v12 =	vor.u32 s0, v0;
	s0 =	sadd.s32 $0xFFFFFFE7, s29;
	v6 =	vld [tilespmem:s30+$0xFFFFFB00];
	[tilespmem:v11+s2+$0x0] =	vst.idx.msk $0xffff, v7  }
0x185: {  	v11 =	vor.u32 s0, v0;
	s0 =	sadd.s32 $0xFFFFFDF2, s25;
	v7 =	vld [tilespmem:s30+$0xFFFFFB10];
	[tilespmem:v9+s2+$0x0] =	vst.idx.msk $0xffff, v8  }
0x186: {  	v9 =	vor.u32 s0, v0;
	s0 =	sadd.s32 $0xFFFFFFF2, s25;
	v8 =	vld [tilespmem:s24+$0x80];
	[tilespmem:v10+s2+$0x0] =	vst.idx.msk $0xffff, v3  }
0x187: {  	v10 =	vor.u32 s0, v0;
	s0 =	sadd.s32 $0xFFFFFFFD, s26;
	v3 =	vld [tilespmem:s24+$0x90];
	[tilespmem:v2+s2+$0x0] =	vst.idx.msk $0xffff, v1  }
0x188: {  	s1 =	sadd.s32 $0xFFFFFDFD, s26;
	v2 =	vor.u32 s0, v0;
	[tilespmem:v5+s2+$0x0] =	vst.idx.msk $0xffff, v4;
	v1 =	vld [tilespmem:s23+$0x610]  }
0x189: {  	s0 =	sadd.s32 $0xFFFFFDE8, s29;
	v5 =	vor.u32 s1, v0;
	[tilespmem:v12+s2+$0x0] =	vst.idx.msk $0xffff, v6;
	v4 =	vld [tilespmem:s23+$0x600]  }
0x18a: {  	v12 =	vor.u32 s0, v0;
	s0 =	sadd.s32 $0xFFFFFFE8, s29;
	v6 =	vld [tilespmem:s30+$0xFFFFFB80];
	[tilespmem:v11+s2+$0x0] =	vst.idx.msk $0xffff, v7  }
0x18b: {  	v11 =	vor.u32 s0, v0;
	s0 =	sadd.s32 $0xFFFFFDF3, s25;
	v7 =	vld [tilespmem:s30+$0xFFFFFB90];
	[tilespmem:v9+s2+$0x0] =	vst.idx.msk $0xffff, v8  }
0x18c: {  	v9 =	vor.u32 s0, v0;
	s0 =	sadd.s32 $0xFFFFFFF3, s25;
	v8 =	vld [tilespmem:s24+$0x100];
	[tilespmem:v10+s2+$0x0] =	vst.idx.msk $0xffff, v3  }
0x18d: {  	v10 =	vor.u32 s0, v0;
	s0 =	sadd.s32 $0xFFFFFFFE, s26;
	v3 =	vld [tilespmem:s24+$0x110];
	[tilespmem:v2+s2+$0x0] =	vst.idx.msk $0xffff, v1  }
0x18e: {  	s1 =	sadd.s32 $0xFFFFFDFE, s26;
	v2 =	vor.u32 s0, v0;
	[tilespmem:v5+s2+$0x0] =	vst.idx.msk $0xffff, v4;
	v1 =	vld [tilespmem:s23+$0x690]  }
0x18f: {  	s0 =	sadd.s32 $0xFFFFFDE9, s29;
	v5 =	vor.u32 s1, v0;
	[tilespmem:v12+s2+$0x0] =	vst.idx.msk $0xffff, v6;
	v4 =	vld [tilespmem:s23+$0x680]  }
0x190: {  	v12 =	vor.u32 s0, v0;
	s0 =	sadd.s32 $0xFFFFFFE9, s29;
	v6 =	vld [tilespmem:s30+$0xFFFFFC00];
	[tilespmem:v11+s2+$0x0] =	vst.idx.msk $0xffff, v7  }
0x191: {  	v11 =	vor.u32 s0, v0;
	s0 =	sadd.s32 $0xFFFFFDF4, s25;
	v7 =	vld [tilespmem:s30+$0xFFFFFC10];
	[tilespmem:v9+s2+$0x0] =	vst.idx.msk $0xffff, v8  }
0x192: {  	v9 =	vor.u32 s0, v0;
	s0 =	sadd.s32 $0xFFFFFFF4, s25;
	v8 =	vld [tilespmem:s24+$0x180];
	[tilespmem:v10+s2+$0x0] =	vst.idx.msk $0xffff, v3  }
0x193: {  	v10 =	vor.u32 s0, v0;
	s0 =	sadd.s32 $0xFFFFFFFF, s26;
	v3 =	vld [tilespmem:s24+$0x190];
	[tilespmem:v2+s2+$0x0] =	vst.idx.msk $0xffff, v1  }
0x194: {  	s1 =	sadd.s32 $0xFFFFFDFF, s26;
	v2 =	vor.u32 s0, v0;
	[tilespmem:v5+s2+$0x0] =	vst.idx.msk $0xffff, v4;
	v1 =	vld [tilespmem:s23+$0x710]  }
0x195: {  	s0 =	sadd.s32 $0xFFFFFDEA, s29;
	v5 =	vor.u32 s1, v0;
	[tilespmem:v12+s2+$0x0] =	vst.idx.msk $0xffff, v6;
	v4 =	vld [tilespmem:s23+$0x700]  }
0x196: {  	v12 =	vor.u32 s0, v0;
	s0 =	sadd.s32 $0xFFFFFFEA, s29;
	v6 =	vld [tilespmem:s30+$0xFFFFFC80];
	[tilespmem:v11+s2+$0x0] =	vst.idx.msk $0xffff, v7  }
0x197: {  	v13 =	vor.u32 s0, v0;
	s0 =	sadd.s32 $0xFFFFFDF5, s25;
	v11 =	vld [tilespmem:s30+$0xFFFFFC90];
	[tilespmem:v9+s2+$0x0] =	vst.idx.msk $0xffff, v8  }
0x198: {  	v15 =	vor.u32 s0, v0;
	s0 =	sadd.s32 $0xFFFFFFF5, s25;
	v14 =	vld [tilespmem:s24+$0x200];
	[tilespmem:v10+s2+$0x0] =	vst.idx.msk $0xffff, v3  }
0x199: {  	v17 =	vor.u32 s0, v0;
	v16 =	vld [tilespmem:s24+$0x210];
	[tilespmem:v2+s2+$0x0] =	vst.idx.msk $0xffff, v1  }
0x19a: {  	v19 =	vor.u32 s26, v0;
	s0 =	sadd.s32 $0xFFFFFE00, s26;
	s26 =	smov.u32 s25;
	s25 =	smov.u32 s29;
	[tilespmem:v5+s2+$0x0] =	vst.idx.msk $0xffff, v4;
	v18 =	vld [tilespmem:s23+$0x790]  }
.Ltmp10:
0x19b: {  	s1 =	sadd.s32 $0xFFFFFDEB, s29;
	v2 =	vor.u32 s0, v0;
	[tilespmem:v12+s2+$0x0] =	vst.idx.msk $0xffff, v6;
	v1 =	vld [tilespmem:s23+$0x780];
	s23 =	smov.u32 s24;
	(pc) =	sbr.rel @p1 .LBB2_13-.Ltmp10, $4  }
0x19c: {  	v9 =	vor.u32 s1, v0;
	s0 =	sadd.s32 $0xFFFFFFEB, s29;
	s24 =	smov.u32 s30;
	v7 =	vld [tilespmem:s30+$0xFFFFFD00];
	[tilespmem:v13+s2+$0x0] =	vst.idx.msk $0xffff, v11  }
0x19d: {  	v10 =	vor.u32 s0, v0;
	s0 =	sadd.s32 $0xFFFFFDF6, s26;
	v8 =	vld [tilespmem:s30+$0xFFFFFD10];
	[tilespmem:v15+s2+$0x0] =	vst.idx.msk $0xffff, v14  }
0x19e: {  	v4 =	vor.u32 s0, v0;
	s0 =	sadd.s32 $0xFFFFFFF6, s26;
	v3 =	vld [tilespmem:s23+$0x280];
	[tilespmem:v17+s2+$0x0] =	vst.idx.msk $0xffff, v16  }
0x19f: {  	s29 =	sadd.s32 $0x400, s29;
	v6 =	vor.u32 s0, v0;
	s30 =	sadd.s32 $0x20, s30;
	v5 =	vld [tilespmem:s23+$0x290];
	[tilespmem:v19+s2+$0x0] =	vst.idx.msk $0xffff, v18  }
0x1a0: {  	_ =	sdelay $0x3  }
0x1a1: {  	s1 =	sadd.s32 $0xFFFFFDEC, s25;
	[tilespmem:v9+s2+$0x0] =	vst.idx.msk $0xffff, v7  }
0x1a2: {  	s0 =	sadd.s32 $0xFFFFFFEC, s25;
	v54 =	vor.u32 s1, v0;
	[tilespmem:v10+s2+$0x0] =	vst.idx.msk $0xffff, v8;
	v9 =	vld [tilespmem:s24+$0xFFFFFD80]  }
0x1a3: {  	v53 =	vor.u32 s0, v0;
	v52 =	vld [tilespmem:s24+$0xFFFFFD90];
	_ =	sdelay $0x3  }
0x1a4: {  	s14 =	sadd.s32 $0xFFFFFDED, s25;
	[tilespmem:v54+s2+$0x0] =	vst.idx.msk $0xffff, v9  }
0x1a5: {  	s13 =	sadd.s32 $0xFFFFFFED, s25;
	v56 =	vor.u32 s14, v0;
	[tilespmem:v53+s2+$0x0] =	vst.idx.msk $0xffff, v52;
	v9 =	vld [tilespmem:s24+$0xFFFFFE00]  }
0x1a6: {  	v55 =	vor.u32 s13, v0;
	v7 =	vld [tilespmem:s24+$0xFFFFFE10];
	_ =	sdelay $0x3  }
0x1a7: {  	s16 =	sadd.s32 $0xFFFFFDEE, s25;
	[tilespmem:v56+s2+$0x0] =	vst.idx.msk $0xffff, v9  }
0x1a8: {  	s15 =	sadd.s32 $0xFFFFFFEE, s25;
	v58 =	vor.u32 s16, v0;
	[tilespmem:v55+s2+$0x0] =	vst.idx.msk $0xffff, v7;
	v9 =	vld [tilespmem:s24+$0xFFFFFE80]  }
0x1a9: {  	v57 =	vor.u32 s15, v0;
	v7 =	vld [tilespmem:s24+$0xFFFFFE90];
	_ =	sdelay $0x3  }
0x1aa: {  	s18 =	sadd.s32 $0xFFFFFDEF, s25;
	[tilespmem:v58+s2+$0x0] =	vst.idx.msk $0xffff, v9  }
0x1ab: {  	s17 =	sadd.s32 $0xFFFFFFEF, s25;
	v60 =	vor.u32 s18, v0;
	[tilespmem:v57+s2+$0x0] =	vst.idx.msk $0xffff, v7;
	v9 =	vld [tilespmem:s24+$0xFFFFFF00]  }
0x1ac: {  	v59 =	vor.u32 s17, v0;
	v7 =	vld [tilespmem:s24+$0xFFFFFF10];
	_ =	sdelay $0x3  }
0x1ad: {  	s20 =	sadd.s32 $0xFFFFFDF0, s25;
	[tilespmem:v60+s2+$0x0] =	vst.idx.msk $0xffff, v9  }
0x1ae: {  	s19 =	sadd.s32 $0xFFFFFFF0, s25;
	v62 =	vor.u32 s20, v0;
	[tilespmem:v59+s2+$0x0] =	vst.idx.msk $0xffff, v7;
	v9 =	vld [tilespmem:s24+$0xFFFFFF80]  }
0x1af: {  	v61 =	vor.u32 s19, v0;
	v7 =	vld [tilespmem:s24+$0xFFFFFF90];
	_ =	sdelay $0x3  }
0x1b0: {  	s22 =	sadd.s32 $0xFFFFFDF1, s25;
	[tilespmem:v62+s2+$0x0] =	vst.idx.msk $0xffff, v9  }
0x1b1: {  	s21 =	sadd.s32 $0xFFFFFFF1, s25;
	v12 =	vor.u32 s22, v0;
	[tilespmem:v61+s2+$0x0] =	vst.idx.msk $0xffff, v7;
	v9 =	vld [tilespmem:s24+$0x0]  }
0x1b2: {  	v63 =	vor.u32 s21, v0;
	v7 =	vld [tilespmem:s24+$0x10];
	_ =	sdelay $0x3  }
0x1b3: {  	s29 =	sadd.s32 $0xFFFFFDF2, s25;
	[tilespmem:v12+s2+$0x0] =	vst.idx.msk $0xffff, v9  }
0x1b4: {  	s28 =	sadd.s32 $0xFFFFFFF2, s25;
	v14 =	vor.u32 s29, v0;
	[tilespmem:v63+s2+$0x0] =	vst.idx.msk $0xffff, v7;
	v9 =	vld [tilespmem:s24+$0x80]  }
0x1b5: {  	v13 =	vor.u32 s28, v0;
	v7 =	vld [tilespmem:s24+$0x90];
	_ =	sdelay $0x3  }
0x1b6: {  	s31 =	sadd.s32 $0xFFFFFDF3, s25;
	[tilespmem:v14+s2+$0x0] =	vst.idx.msk $0xffff, v9  }
0x1b7: {  	s30 =	sadd.s32 $0xFFFFFFF3, s25;
	v16 =	vor.u32 s31, v0;
	[tilespmem:v13+s2+$0x0] =	vst.idx.msk $0xffff, v7;
	v9 =	vld [tilespmem:s24+$0x100]  }
0x1b8: {  	v15 =	vor.u32 s30, v0;
	v7 =	vld [tilespmem:s24+$0x110];
	_ =	sdelay $0x3  }
0x1b9: {  	s3 =	sadd.s32 $0xFFFFFDF4, s25;
	[tilespmem:v16+s2+$0x0] =	vst.idx.msk $0xffff, v9  }
0x1ba: {  	s1 =	sadd.s32 $0xFFFFFFF4, s25;
	v18 =	vor.u32 s3, v0;
	[tilespmem:v15+s2+$0x0] =	vst.idx.msk $0xffff, v7;
	v9 =	vld [tilespmem:s24+$0x180]  }
0x1bb: {  	v17 =	vor.u32 s1, v0;
	v7 =	vld [tilespmem:s24+$0x190];
	_ =	sdelay $0x3  }
0x1bc: {  	s6 =	sadd.s32 $0xFFFFFDF5, s25;
	[tilespmem:v18+s2+$0x0] =	vst.idx.msk $0xffff, v9  }
0x1bd: {  	s5 =	sadd.s32 $0xFFFFFFF5, s25;
	v20 =	vor.u32 s6, v0;
	[tilespmem:v17+s2+$0x0] =	vst.idx.msk $0xffff, v7;
	v9 =	vld [tilespmem:s24+$0x200]  }
0x1be: {  	v19 =	vor.u32 s5, v0;
	v7 =	vld [tilespmem:s24+$0x210];
	_ =	sdelay $0x3  }
0x1bf: {  	s8 =	sadd.s32 $0xFFFFFDF6, s25;
	[tilespmem:v20+s2+$0x0] =	vst.idx.msk $0xffff, v9  }
0x1c0: {  	s7 =	sadd.s32 $0xFFFFFFF6, s25;
	v22 =	vor.u32 s8, v0;
	[tilespmem:v19+s2+$0x0] =	vst.idx.msk $0xffff, v7;
	v9 =	vld [tilespmem:s24+$0x280]  }
0x1c1: {  	v21 =	vor.u32 s7, v0;
	v7 =	vld [tilespmem:s24+$0x290];
	_ =	sdelay $0x1  }
0x1c2: {  	s10 =	sadd.s32 $0xFFFFFDF7, s26;
	[tilespmem:v4+s2+$0x0] =	vst.idx.msk $0xffff, v3  }
0x1c3: {  	s9 =	sadd.s32 $0xFFFFFFF7, s26;
	v25 =	vor.u32 s10, v0;
	[tilespmem:v6+s2+$0x0] =	vst.idx.msk $0xffff, v5;
	v24 =	vld [tilespmem:s23+$0x300]  }
0x1c4: {  	s12 =	sadd.s32 $0xFFFFFDF7, s25;
	v23 =	vor.u32 s9, v0;
	v3 =	vld [tilespmem:s23+$0x310];
	[tilespmem:v22+s2+$0x0] =	vst.idx.msk $0xffff, v9  }
0x1c5: {  	s11 =	sadd.s32 $0xFFFFFFF7, s25;
	v27 =	vor.u32 s12, v0;
	[tilespmem:v21+s2+$0x0] =	vst.idx.msk $0xffff, v7;
	v9 =	vld [tilespmem:s24+$0x300]  }
0x1c6: {  	v26 =	vor.u32 s11, v0;
	v7 =	vld [tilespmem:s24+$0x310];
	_ =	sdelay $0x1  }
0x1c7: {  	s14 =	sadd.s32 $0xFFFFFDF8, s26;
	[tilespmem:v25+s2+$0x0] =	vst.idx.msk $0xffff, v24  }
0x1c8: {  	s13 =	sadd.s32 $0xFFFFFFF8, s26;
	v29 =	vor.u32 s14, v0;
	[tilespmem:v23+s2+$0x0] =	vst.idx.msk $0xffff, v3;
	v5 =	vld [tilespmem:s23+$0x380]  }
0x1c9: {  	s16 =	sadd.s32 $0xFFFFFDF8, s25;
	v28 =	vor.u32 s13, v0;
	v3 =	vld [tilespmem:s23+$0x390];
	[tilespmem:v27+s2+$0x0] =	vst.idx.msk $0xffff, v9  }
0x1ca: {  	s15 =	sadd.s32 $0xFFFFFFF8, s25;
	v31 =	vor.u32 s16, v0;
	[tilespmem:v26+s2+$0x0] =	vst.idx.msk $0xffff, v7;
	v9 =	vld [tilespmem:s24+$0x380]  }
0x1cb: {  	v30 =	vor.u32 s15, v0;
	v7 =	vld [tilespmem:s24+$0x390];
	_ =	sdelay $0x1  }
0x1cc: {  	s18 =	sadd.s32 $0xFFFFFDF9, s26;
	[tilespmem:v29+s2+$0x0] =	vst.idx.msk $0xffff, v5  }
0x1cd: {  	s17 =	sadd.s32 $0xFFFFFFF9, s26;
	v33 =	vor.u32 s18, v0;
	[tilespmem:v28+s2+$0x0] =	vst.idx.msk $0xffff, v3;
	v5 =	vld [tilespmem:s23+$0x400]  }
0x1ce: {  	s20 =	sadd.s32 $0xFFFFFDF9, s25;
	v32 =	vor.u32 s17, v0;
	v3 =	vld [tilespmem:s23+$0x410];
	[tilespmem:v31+s2+$0x0] =	vst.idx.msk $0xffff, v9  }
0x1cf: {  	s19 =	sadd.s32 $0xFFFFFFF9, s25;
	v35 =	vor.u32 s20, v0;
	[tilespmem:v30+s2+$0x0] =	vst.idx.msk $0xffff, v7;
	v9 =	vld [tilespmem:s24+$0x400]  }
0x1d0: {  	v34 =	vor.u32 s19, v0;
	v7 =	vld [tilespmem:s24+$0x410];
	_ =	sdelay $0x1  }
0x1d1: {  	s22 =	sadd.s32 $0xFFFFFDFA, s26;
	[tilespmem:v33+s2+$0x0] =	vst.idx.msk $0xffff, v5  }
0x1d2: {  	s21 =	sadd.s32 $0xFFFFFFFA, s26;
	v37 =	vor.u32 s22, v0;
	[tilespmem:v32+s2+$0x0] =	vst.idx.msk $0xffff, v3;
	v5 =	vld [tilespmem:s23+$0x480]  }
0x1d3: {  	s29 =	sadd.s32 $0xFFFFFDFA, s25;
	v36 =	vor.u32 s21, v0;
	v3 =	vld [tilespmem:s23+$0x490];
	[tilespmem:v35+s2+$0x0] =	vst.idx.msk $0xffff, v9  }
0x1d4: {  	s28 =	sadd.s32 $0xFFFFFFFA, s25;
	v39 =	vor.u32 s29, v0;
	[tilespmem:v34+s2+$0x0] =	vst.idx.msk $0xffff, v7;
	v9 =	vld [tilespmem:s24+$0x480]  }
0x1d5: {  	v38 =	vor.u32 s28, v0;
	v7 =	vld [tilespmem:s24+$0x490];
	_ =	sdelay $0x1  }
0x1d6: {  	s31 =	sadd.s32 $0xFFFFFDFB, s26;
	[tilespmem:v37+s2+$0x0] =	vst.idx.msk $0xffff, v5  }
0x1d7: {  	s30 =	sadd.s32 $0xFFFFFFFB, s26;
	v41 =	vor.u32 s31, v0;
	[tilespmem:v36+s2+$0x0] =	vst.idx.msk $0xffff, v3;
	v5 =	vld [tilespmem:s23+$0x500]  }
0x1d8: {  	s5 =	sadd.s32 $0xFFFFFDFB, s25;
	v40 =	vor.u32 s30, v0;
	v3 =	vld [tilespmem:s23+$0x510];
	[tilespmem:v39+s2+$0x0] =	vst.idx.msk $0xffff, v9  }
0x1d9: {  	s3 =	sadd.s32 $0xFFFFFFFB, s25;
	v43 =	vor.u32 s5, v0;
	[tilespmem:v38+s2+$0x0] =	vst.idx.msk $0xffff, v7;
	v9 =	vld [tilespmem:s24+$0x500]  }
0x1da: {  	v42 =	vor.u32 s3, v0;
	v7 =	vld [tilespmem:s24+$0x510];
	_ =	sdelay $0x1  }
0x1db: {  	s7 =	sadd.s32 $0xFFFFFDFC, s26;
	[tilespmem:v41+s2+$0x0] =	vst.idx.msk $0xffff, v5  }
0x1dc: {  	s6 =	sadd.s32 $0xFFFFFFFC, s26;
	v45 =	vor.u32 s7, v0;
	[tilespmem:v40+s2+$0x0] =	vst.idx.msk $0xffff, v3;
	v5 =	vld [tilespmem:s23+$0x580]  }
0x1dd: {  	s9 =	sadd.s32 $0xFFFFFDFC, s25;
	v44 =	vor.u32 s6, v0;
	v3 =	vld [tilespmem:s23+$0x590];
	[tilespmem:v43+s2+$0x0] =	vst.idx.msk $0xffff, v9  }
0x1de: {  	s8 =	sadd.s32 $0xFFFFFFFC, s25;
	v47 =	vor.u32 s9, v0;
	[tilespmem:v42+s2+$0x0] =	vst.idx.msk $0xffff, v7;
	v9 =	vld [tilespmem:s24+$0x580]  }
0x1df: {  	v46 =	vor.u32 s8, v0;
	v7 =	vld [tilespmem:s24+$0x590];
	_ =	sdelay $0x1  }
0x1e0: {  	s11 =	sadd.s32 $0xFFFFFDFD, s26;
	[tilespmem:v45+s2+$0x0] =	vst.idx.msk $0xffff, v5  }
0x1e1: {  	s10 =	sadd.s32 $0xFFFFFFFD, s26;
	v49 =	vor.u32 s11, v0;
	[tilespmem:v44+s2+$0x0] =	vst.idx.msk $0xffff, v3;
	v5 =	vld [tilespmem:s23+$0x600]  }
0x1e2: {  	v48 =	vor.u32 s10, v0;
	s13 =	sadd.s32 $0xFFFFFDFD, s25;
	v3 =	vld [tilespmem:s23+$0x610];
	[tilespmem:v47+s2+$0x0] =	vst.idx.msk $0xffff, v9  }
0x1e3: {  	s12 =	sadd.s32 $0xFFFFFFFD, s25;
	v51 =	vor.u32 s13, v0;
	[tilespmem:v46+s2+$0x0] =	vst.idx.msk $0xffff, v7;
	v9 =	vld [tilespmem:s24+$0x600]  }
0x1e4: {  	v50 =	vor.u32 s12, v0;
	v7 =	vld [tilespmem:s24+$0x610];
	_ =	sdelay $0x1  }
0x1e5: {  	s15 =	sadd.s32 $0xFFFFFDFE, s26;
	[tilespmem:v49+s2+$0x0] =	vst.idx.msk $0xffff, v5  }
0x1e6: {  	s14 =	sadd.s32 $0xFFFFFFFE, s26;
	v53 =	vor.u32 s15, v0;
	[tilespmem:v48+s2+$0x0] =	vst.idx.msk $0xffff, v3;
	v5 =	vld [tilespmem:s23+$0x680]  }
0x1e7: {  	s17 =	sadd.s32 $0xFFFFFDFE, s25;
	v52 =	vor.u32 s14, v0;
	v3 =	vld [tilespmem:s23+$0x690];
	[tilespmem:v51+s2+$0x0] =	vst.idx.msk $0xffff, v9  }
0x1e8: {  	s16 =	sadd.s32 $0xFFFFFFFE, s25;
	v55 =	vor.u32 s17, v0;
	[tilespmem:v50+s2+$0x0] =	vst.idx.msk $0xffff, v7;
	v9 =	vld [tilespmem:s24+$0x680]  }
0x1e9: {  	v54 =	vor.u32 s16, v0;
	v7 =	vld [tilespmem:s24+$0x690];
	_ =	sdelay $0x1  }
0x1ea: {  	s19 =	sadd.s32 $0xFFFFFDFF, s26;
	[tilespmem:v53+s2+$0x0] =	vst.idx.msk $0xffff, v5  }
0x1eb: {  	s18 =	sadd.s32 $0xFFFFFFFF, s26;
	v57 =	vor.u32 s19, v0;
	[tilespmem:v52+s2+$0x0] =	vst.idx.msk $0xffff, v3;
	v5 =	vld [tilespmem:s23+$0x700]  }
0x1ec: {  	s21 =	sadd.s32 $0xFFFFFDFF, s25;
	v56 =	vor.u32 s18, v0;
	v3 =	vld [tilespmem:s23+$0x710];
	[tilespmem:v55+s2+$0x0] =	vst.idx.msk $0xffff, v9  }
0x1ed: {  	s20 =	sadd.s32 $0xFFFFFFFF, s25;
	v59 =	vor.u32 s21, v0;
	[tilespmem:v54+s2+$0x0] =	vst.idx.msk $0xffff, v7;
	v9 =	vld [tilespmem:s24+$0x700]  }
0x1ee: {  	v58 =	vor.u32 s20, v0;
	v7 =	vld [tilespmem:s24+$0x710];
	_ =	sdelay $0x1  }
0x1ef: {  	s22 =	sadd.s32 $0xFFFFFE00, s26;
	[tilespmem:v57+s2+$0x0] =	vst.idx.msk $0xffff, v5  }
0x1f0: {  	v61 =	vor.u32 s22, v0;
	[tilespmem:v56+s2+$0x0] =	vst.idx.msk $0xffff, v3;
	v5 =	vld [tilespmem:s23+$0x780]  }
0x1f1: {  	s28 =	sadd.s32 $0xFFFFFE00, s25;
	v60 =	vor.u32 s26, v0;
	v3 =	vld [tilespmem:s23+$0x790];
	[tilespmem:v59+s2+$0x0] =	vst.idx.msk $0xffff, v9  }
0x1f2: {  	v63 =	vor.u32 s28, v0;
	[tilespmem:v58+s2+$0x0] =	vst.idx.msk $0xffff, v7;
	v9 =	vld [tilespmem:s24+$0x780]  }
0x1f3: {  	v62 =	vor.u32 s25, v0;
	v7 =	vld [tilespmem:s24+$0x790]  }
0x1f4: {  	[tilespmem:v2+s2+$0x0] =	vst.idx.msk $0xffff, v1  }
0x1f5: {  	[tilespmem:v61+s2+$0x0] =	vst.idx.msk $0xffff, v5  }
0x1f6: {  	[tilespmem:v60+s2+$0x0] =	vst.idx.msk $0xffff, v3  }
0x1f7: {  	[tilespmem:v63+s2+$0x0] =	vst.idx.msk $0xffff, v9  }
0x1f8: {  	s29 =	simm.s32 $0x0;
	[tilespmem:v62+s2+$0x0] =	vst.idx.msk $0xffff, v7  }
.Ltmp11:
0x1f9: {  	s31 =	simm.s32 $0x5;
	s30 =	rddreg [dreg:$0x10];
	(pc) =	sbr.rel .LBB2_15-.Ltmp11, $4  }
0x1fa: {  	[hbm4b:s30+s29] =	stream.linear.scatter [tilespmem:s2], [sflag:$0x5], $0x1000, $0x38;
	[tilespmem:$0x4000] =	vst v63  }
0x1fb: {  	_ =	swait.ge [sflag:s31], $0x1000  }
0x1fc: {  	[sflag:s31] =	ssyncset.done $0x0  }
0x1fd: {  	s1 =	rddreg [dreg:$0x12];
	[sflag:s31] =	ssyncadd.s32 $0xFFFFF000  }
.LBB2_16:
0x1fe: {  	_ =	sfence.sel $0x180000  }
0x1ff: {  	[bflag:$0x0] =	sbarrier.arrive $0xFFFF  }
0x200: {  	_ =	strace $0x90000047  }
0x201: {  	s0 =	stileid.u32;
	[bflag:$0x2] =	sbarrier.arrive $0xFFFF  }
0x202: {  	p0 =	sne.s32 s0, $0x0;
	s0 =	rddreg [dreg:$0x3]  }
0x203: {  	s0 =	sadd.s32 @!p0 $0x100000, s0  }
0x204: {  	[sflag:s0] =	ssyncadd.tile.s32 @!p0 $0x1;
	_ =	shalt  }
.Lfunc_end2:
_tile_overlayer_lowered:
.L_overlay_start_2:
0x205: {  	(tag) =	ssettag $0x2  }
0x206: {  	s0 =	rddreg [dreg:$0x0];
	s2 =	stileid.u32  }
0x207: {  	s1 =	rddreg [dreg:$0x1];
	p0 =	sne.s32 s2, $0x0  }
0x208: {  	s3 =	rddreg [dreg:$0x2];
	[bflag:$0x3] =	sbarrier.arrive $0xFFFF;
	s2 =	simm.s32 @!p0 $0x1C05  }
0x209: {  	[timem:s3], [sflag:s2] =	dma.local @!p0 [hbm:s0], s1  }
0x20a: {  	s0 =	simm.s32 @!p0 $0x5  }
0x20b: {  	_ =	swait.ge @!p0 [sflag:s0], s1  }
0x20c: {  	s1 =	ssub.s32 @!p0 $0x0, s1;
	[sflag:s0] =	ssyncset.done @!p0 $0x0  }
0x20d: {  	[sflag:s0] =	ssyncadd.s32 @!p0 s1  }
0x20e: {  	[bflag:$0x3] =	sbarrier.arrive $0xFFFF  }
0x20f: {  	_ =	shalt  }

// kernel: kernel.7.cloned.1.call-start
scs
__scs_entry_jumppad:
0x0: {  	(pc) =	sbr.rel $0x88, $3  }
0x1: {  	(tag) =	ssettag $0x0;
	lr =	simm.s32 $0x1  }
0x2: {  	[smem:$0x3F9F] =	sst lr;
	_ =	strace $0xD0000000  }
0x3: {  	_ = 	snop  }
0x4: {  	_ = 	snop  }
0x5: {  	_ = 	snop  }
0x6: {  	_ = 	snop  }
0x7: {  	_ = 	snop  }
__scs_overlays_trampoline_lowered:
0x8: {  	[smem:$0x3FAE] =	sst s0  }
0x9: {  	[smem:$0x3FAF] =	sst s1  }
0xa: {  	[smem:$0x3FB0] =	sst s2  }
0xb: {  	[smem:$0x3FB1] =	sst s3  }
0xc: {  	[smem:$0x3FB2] =	sst s4  }
0xd: {  	[smem:$0x3FB3] =	sst s5  }
0xe: {  	[smem:$0x3FB4] =	sst s6  }
0xf: {  	[smem:$0x3FB5] =	sst s7  }
0x10: {  	[smem:$0x3FB6] =	sst s8  }
0x11: {  	[smem:$0x3FB7] =	sst s9;
	s0 =	simm.s32 @!p0 $0x0  }
0x12: {  	s1 =	sld [smem:$0x3F9D];
	s0 =	simm.s32 @p0 $0x1  }
0x13: {  	[smem:$0x3FB8] =	sst s0;
	s0 =	simm.s32 @!p1 $0x0  }
0x14: {  	s2 =	sld [smem:$0x3F9C];
	s0 =	simm.s32 @p1 $0x1  }
0x15: {  	[smem:$0x3FB9] =	sst s0;
	s0 =	simm.s32 @!p2 $0x0  }
0x16: {  	s3 =	sld [smem:$0x3FDB];
	s0 =	simm.s32 @p2 $0x1  }
0x17: {  	s4 =	simm.s32 $0x1BF5;
	[smem:$0x3FBB] =	sst s0  }
0x18: {  	s0 =	sld [smem:$0x3F9E];
	_ =	swait.ge [sflag:s4], $0x0  }
0x19: {  	s7 =	sld [smem:$0x3F9F]  }
0x1a: {  	s8 =	sadd.s32 $0xFFFFE003, lr  }
0x1b: {  	s9 =	sadd.s32 $0xFFFFFEF7, lr;
	s5 =	simm.s32 $0xFFFFFFFF;
	p2 =	slt.u32 s8, $0xFFFFF086  }
0x1c: {  	p1 =	slt.u32 s9, $0xF7A;
	s5 =	simm.s32 @!p2 $0x0  }
0x1d: {  	s5 =	simm.s32 @p1 $0x1;
	p0 =	seq.s32 s7, s2  }
0x1e: {  	s7 =	smul.u32 @!p0 $0xF7A, s2;
	p2 =	seq.s32 @!p0 s5, $0x0  }
0x1f: {  	s9 =	smul.u32 $0xF7A, s1;
	s8 =	simm.s32 @!p0 $0x1BF5;
	p2 =	por !p2, p0  }
0x20: {  	[sflag:s8] =	ssyncset.s32 @!p0 $0xFFFFF086;
	s6 =	sadd.s32 @!p0 s3, s7;
	s7 =	simm.s32 @!p0 $0x108  }
0x21: {  	s3 =	sadd.s32 s3, s9;
	s6 =	sadd.s32 @!p0 $0x88, s6;
	s7 =	simm.s32 @p2 $0x1082  }
0x22: {  	[simem:s7], [sflag:s8] =	dma.local @!p0 [hbm:s6], $0xF7A  }
0x23: {  	s9 =	sor.u32 $0xD0000000, s2;
	s6 =	simm.s32 $0x108;
	_ =	swait.ge @!p0 [sflag:s8], $0x0  }
0x24: {  	s3 =	sadd.s32 $0x88, s3;
	s6 =	simm.s32 @!p1 $0x1082;
	[sflag:s4] =	ssyncset.s32 $0xFFFFF086  }
0x25: {  	[simem:s6], [sflag:s4] =	dma.local [hbm:s3], $0xF7A  }
0x26: {  	[smem:$0x3F9F] =	sst s1;
	(tag) =	ssettag s2;
	_ =	strace s9  }
0x27: {  	s1 =	sld [smem:$0x3FAF]  }
0x28: {  	s2 =	sld [smem:$0x3FB0]  }
0x29: {  	s4 =	sld [smem:$0x3FB2]  }
0x2a: {  	p0 =	seq.s32 s5, $0x0;
	s5 =	sld [smem:$0x3FB3]  }
0x2b: {  	s6 =	sld [smem:$0x3FB4]  }
0x2c: {  	s7 =	sld [smem:$0x3FB5]  }
0x2d: {  	s3 =	simm.s32 $0x108;
	s8 =	sld [smem:$0x3FB6]  }
0x2e: {  	s3 =	simm.s32 @!p0 $0x1082;
	s9 =	sld [smem:$0x3FB7]  }
0x2f: {  	lr =	sadd.s32 s0, s3;
	s0 =	sld [smem:$0x3FAE]  }
0x30: {  	s3 =	sld [smem:$0x3FB1]  }
0x31: {  	[smem:$0x3FBA] =	sst s10  }
0x32: {  	s10 =	sld [smem:$0x3FB8];
	_ =	sdelay $0x3  }
0x33: {  	p0 =	seq.s32 s10, $0x1;
	s10 =	sld [smem:$0x3FBA];
	_ =	sdelay $0x3  }
0x34: {  	[smem:$0x3FBA] =	sst s10  }
0x35: {  	s10 =	sld [smem:$0x3FB9];
	_ =	sdelay $0x3  }
0x36: {  	p1 =	seq.s32 s10, $0x1;
	s10 =	sld [smem:$0x3FBA];
	_ =	sdelay $0x3  }
0x37: {  	[smem:$0x3FBA] =	sst s10  }
0x38: {  	s10 =	sld [smem:$0x3FBB]  }
0x39: {  	_ = 	snop;
	(pc) =	sbr.ind lr, $3  }
0x3a: {  	_ = 	snop  }
0x3b: {  	_ = 	snop  }
0x3c: {  	p2 =	seq.s32 s10, $0x1;
	s10 =	sld [smem:$0x3FBA]  }
0x3d: {  	_ =	shalt  }
0x3e: {  	_ =	shalt  }
0x3f: {  	_ =	shalt  }
0x40: {  	_ =	shalt  }
0x41: {  	_ =	shalt  }
0x42: {  	_ =	shalt  }
0x43: {  	_ =	shalt  }
0x44: {  	_ =	shalt  }
0x45: {  	_ =	shalt  }
0x46: {  	_ =	shalt  }
0x47: {  	_ =	shalt  }
0x48: {  	_ =	shalt  }
0x49: {  	_ =	shalt  }
0x4a: {  	_ =	shalt  }
0x4b: {  	_ =	shalt  }
0x4c: {  	_ =	shalt  }
0x4d: {  	_ =	shalt  }
0x4e: {  	_ =	shalt  }
0x4f: {  	_ =	shalt  }
0x50: {  	_ =	shalt  }
0x51: {  	_ =	shalt  }
0x52: {  	_ =	shalt  }
0x53: {  	_ =	shalt  }
0x54: {  	_ =	shalt  }
0x55: {  	_ =	shalt  }
0x56: {  	_ =	shalt  }
0x57: {  	_ =	shalt  }
0x58: {  	_ =	shalt  }
0x59: {  	_ =	shalt  }
0x5a: {  	_ =	shalt  }
0x5b: {  	_ =	shalt  }
0x5c: {  	_ =	shalt  }
0x5d: {  	_ =	shalt  }
0x5e: {  	_ =	shalt  }
0x5f: {  	_ =	shalt  }
0x60: {  	_ =	shalt  }
0x61: {  	_ =	shalt  }
0x62: {  	_ =	shalt  }
0x63: {  	_ =	shalt  }
0x64: {  	_ =	shalt  }
0x65: {  	_ =	shalt  }
0x66: {  	_ =	shalt  }
0x67: {  	_ =	shalt  }
0x68: {  	_ =	shalt  }
0x69: {  	_ =	shalt  }
0x6a: {  	_ =	shalt  }
0x6b: {  	_ =	shalt  }
0x6c: {  	_ =	shalt  }
0x6d: {  	_ =	shalt  }
0x6e: {  	_ =	shalt  }
0x6f: {  	_ =	shalt  }
0x70: {  	_ =	shalt  }
0x71: {  	_ =	shalt  }
0x72: {  	_ =	shalt  }
0x73: {  	_ =	shalt  }
0x74: {  	_ =	shalt  }
0x75: {  	_ =	shalt  }
0x76: {  	_ =	shalt  }
0x77: {  	_ =	shalt  }
0x78: {  	_ =	shalt  }
0x79: {  	_ =	shalt  }
0x7a: {  	_ =	shalt  }
0x7b: {  	_ =	shalt  }
0x7c: {  	_ =	shalt  }
0x7d: {  	_ =	shalt  }
0x7e: {  	_ =	shalt  }
0x7f: {  	_ =	shalt  }
0x80: {  	_ =	shalt  }
0x81: {  	_ =	shalt  }
0x82: {  	_ =	shalt  }
0x83: {  	_ =	shalt  }
0x84: {  	_ =	shalt  }
0x85: {  	_ =	shalt  }
0x86: {  	_ =	shalt  }
0x87: {  	_ =	shalt  }
.Lfunc_end0:
.L_simem_size_0:
called_computation.1_lowered:
.L_overlay_start_0:
0x88: {  	s2 =	sld [smem:$0x3FD9]  }
0x89: {  	s3 =	sld [smem:$0x3FFE];
	_ =	sdelay $0x1  }
0x8a: {  	s1 =	srdreg.scid  }
0x8b: {  	s0 =	sand.u32 $0x1, s1  }
0x8c: {  	s17 =	sshll.u32 s0, $0xA;
	s2 =	sadd.s32 s3, s2  }
0x8d: {  	s2 =	sadd.s32 s2, s17  }
0x8e: {  	[smem:$0x3FC6] =	sst s2  }
0x8f: {  	_ = 	snop  }
0x90: {  	s2 =	sld [smem:$0x3FD0];
	(tm) =	ssettm $0x1  }
0x91: {  	s18 =	sld [smem:$0x3FFB];
	_ =	sdelay $0x3  }
0x92: {  	_ =	strace s18  }
0x93: {  	s3 =	sld [smem:$0x3FFC];
	_ =	sdelay $0x3  }
0x94: {  	_ =	strace s3  }
0x95: {  	s3 =	sld [smem:$0x3FFD];
	_ =	sdelay $0x3  }
0x96: {  	_ =	strace s3  }
0x97: {  	_ =	strace $0x8FFFFFFF  }
0x98: {  	s19 =	sld [smem:$0x3FDB];
	_ =	sdelay $0x1  }
0x99: {  	s4 =	simm.s32 $_scs_section_size  }
0x9a: {  	s5 =	simm.s32 $_size__tile_overlayer_lowered;
	s6 =	simm.s32 $_tile_overlayer_lowered  }
0x9b: {  	s22 =	simm.s32 $0x1BFF;
	s21 =	sshll.u32 s6, $0x1;
	s3 =	sadd.s32 s4, s19  }
0x9c: {  	s7 =	simm.s32 $0x0;
	s20 =	sshll.u32 s5, $0x1;
	s5 =	sadd.s32 s21, s3  }
0x9d: {  	[timem:s7], [sflag:s22] =	dma.local [hbm:s5], s20  }
0x9e: {  	_ =	swait.ge [sflag:s22], s20  }
0x9f: {  	s4 =	ssub.s32 $0x0, s20;
	[sflag:s22] =	ssyncset.done $0x0  }
0xa0: {  	[sflag:s22] =	ssyncadd.s32 s4;
	_ =	sdelay $0x1  }
0xa1: {  	s23 =	simm.s32 $0x1B8B  }
0xa2: {  	_ =	swait.ge [sflag:s23], $0x1  }
0xa3: {  	[sflag:s23] =	ssyncset.done $0x0  }
0xa4: {  	s25 =	simm.s32 $0x1B8E;
	s24 =	sld [smem:$0x3FFE];
	[sflag:s23] =	ssyncadd.s32 $0xFFFFFFFF  }
0xa5: {  	s26 =	simm.s32 $execute0_lowered;
	[smem:$0x3FD2] =	sst s25  }
0xa6: {  	s5 =	sshll.u32 s26, $0x1;
	_ =	strace $0x80000049;
	[dreg:$0x1] =	wrdreg $0xFFFFFFFF  }
0xa7: {  	s28 =	simm.s32 $_size_execute0_lowered;
	s3 =	sadd.s32 s3, s5;
	[dreg:$0x0] =	wrdreg $0x0  }
0xa8: {  	s5 =	sshll.u32 s28, $0x1;
	[dreg:$0x2] =	wrdreg s3  }
0xa9: {  	[dreg:$0x3] =	wrdreg s5  }
0xaa: {  	[dreg:$0x4] =	wrdreg $0xC0  }
0xab: {  	_ =	task [dreg:s7], $0x5FFFF  }
0xac: {  	[dreg:$0x1] =	wrdreg $0xFFFFFFFF  }
0xad: {  	[dreg:$0x0] =	wrdreg $0x60  }
0xae: {  	[dreg:$0x2] =	wrdreg s24  }
0xaf: {  	[dreg:$0x3] =	wrdreg s2  }
0xb0: {  	[dreg:$0x4] =	wrdreg $0x9  }
0xb1: {  	_ =	task.clear_ibuf [dreg:s7], $0x5FFFF;
	_ =	strace $0x90000049  }
0xb2: {  	s29 =	simm.s32 $0x9;
	_ =	strace $0x8000004B  }
0xb3: {  	_ =	swait.ge [sflag:s29], $0x1  }
0xb4: {  	[sflag:s29] =	ssyncadd.s32 $0xFFFFFFFF  }
0xb5: {  	_ =	strace $0x9000004B  }
0xb6: {  	_ =	sfence  }
0xb7: {  	s30 =	sld [smem:$0x0];
	_ =	sdelay $0x2  }
0xb8: {  	s31 =	sshll.u32 s1, $0xD;
	s1 =	sshrl.u32 s1, $0x2  }
0xb9: {  	s3 =	sand.u32 $0x4000, s31;
	s1 =	sadd.s32 s1, s30  }
0xba: {  	s0 =	sor.u32 s3, s0;
	s1 =	sshll.u32 s1, $0x11  }
0xbb: {  	s0 =	sor.u32 s1, s0  }
0xbc: {  	s0 =	sadd.s32 $0x8F2B, s0  }
0xbd: {  	[sflag:s0] =	ssyncadd.remote.s32 $0x1  }
0xbe: {  	_ =	sfence.sel $0xFFFF  }
0xbf: {  	[dreg:$0x0] =	wrdreg $0xFFFFFFFF;
	(pc) =	sbr.abs _section_cstart, $3  }
0xc0: {  	[dreg:$0x1] =	wrdreg $0xFFFFFFFF  }
0xc1: {  	_ =	task.clear_ibuf [dreg:s7], $0x2FFFF;
	_ =	strace $0x9FFFFFFF  }
0xc2: {  	(tm) =	ssettm $0x7FFFFFFF  }
0xc3: {  	_ =	shalt  }
tec
execute0_lowered:
.L_overlay_start_1:
0x0: {  	(tag) =	ssettag $0x1  }
0x1: {  	s0 =	rddreg [dreg:$0x0];
	s1 =	srdreg.scid  }
0x2: {  	s3 =	stileid.u32;
	s2 =	rddreg [dreg:$0x1];
	s14 =	simm.s32 $0x80  }
0x3: {  	s20 =	simm.s32 $0x7400;
	s25 =	simm.s32 $0x8400;
	s31 =	simm.s32 $0x9400  }
0x4: {  	s12 =	simm.s32 $0x4;
	s16 =	simm.s32 $0x5;
	s17 =	simm.s32 $0x6  }
0x5: {  	s18 =	simm.s32 $0x7;
	s1 =	sand.u32 $0x1, s1;
	s4 =	sshll.u32 s3, $0x1  }
0x6: {  	s21 =	simm.s32 $0x8;
	s3 =	simm.s32 $0x0;
	s5 =	sor.u32 s1, s4  }
0x7: {  	[smem:$0x7FF] =	sst s3;
	s1 =	ssub.s32 $0x2, s1;
	s4 =	sshll.u32 s5, $0x6  }
0x8: {  	_ =	strace $0x8000004A;
	s29 =	sshrl.u32 s1, $0x1;
	s5 =	sshll.u32 s5, $0xC  }
0x9: {  	v0 =	vlaneseq.u32;
	s6 =	sadd.s32 s4, s0;
	s4 =	sadd.s32 $0xA00, s0;
	s0 =	ssub.s32 s1, s29  }
0xa: {  	v0 =	vmul.u32 $0x80, v0;
	s7 =	sor.u32 $0x400, s5;
	s8 =	sor.u32 $0x800, s5;
	s30 =	sadd.s32 $0x3D1400, s6  }
0xb: {  	s9 =	sor.u32 $0xC00, s5;
	s0 =	smax.u32 s0, $0x1;
	[dreg:$0x3] =	wrdreg s30  }
0xc: {  	v1 =	vor.u32 $0x800, v0;
	s1 =	simm.s32 $0x0;
	s6 =	simm.s32 $0xA400;
	[dreg:$0x4] =	wrdreg s0  }
.LBB2_1:
0xd: {  	[dreg:$0x5] =	wrdreg s1  }
0xe: {  	s0 =	rddreg [dreg:$0x3]  }
0xf: {  	s29 =	simm.s32 $0x200;
	s10 =	simm.s32 $0x4000;
	s30 =	simm.s32 $0x9  }
0x10: {  	[tilespmem:s3], [sflag:$0x9] =	stream.strided.gather [hbm4b:s0+s29], $0x3400, s10, s29, $0x38;
	[tilespmem:$0xB400] =	vst v63  }
0x11: {  	_ =	swait.ge [sflag:s30], $0x3400  }
0x12: {  	[sflag:s30] =	ssyncset.done $0x0  }
0x13: {  	s22 =	simm.s32 $0x0;
	[sflag:s30] =	ssyncadd.s32 $0xFFFFCC00  }
.LBB2_2:
0x14: {  	s0 =	sshll.u32 s22, $0x9  }
0x15: {  	s1 =	simm.s32 $0x3400;
	s0 =	sand.u32 $0x3FFFFE00, s0  }
0x16: {  	[tilespmem:s1], [sflag:$0x1] =	stream.indirect.gather [hbm4b:s4+s14], $0x20, s0, s14, $0xb8;
	[tilespmem:$0xB400] =	vst v63  }
0x17: {  	s10 =	simm.s32 $0x4400;
	s13 =	sor.u32 $0x80, s0  }
0x18: {  	[tilespmem:s10], [sflag:$0x2] =	stream.indirect.gather [hbm4b:s4+s14], $0x20, s13, s14, $0xb8;
	[tilespmem:$0xB400] =	vst v63  }
0x19: {  	s19 =	simm.s32 $0x5400;
	s15 =	sor.u32 $0x100, s0  }
0x1a: {  	[tilespmem:s19], [sflag:$0x3] =	stream.indirect.gather [hbm4b:s4+s14], $0x20, s15, s14, $0xb8;
	[tilespmem:$0xB400] =	vst v63  }
0x1b: {  	s23 =	simm.s32 $0x6400;
	s24 =	simm.s32 $0x1;
	s0 =	sor.u32 $0x180, s0  }
0x1c: {  	[tilespmem:s23], [sflag:$0x4] =	stream.indirect.gather [hbm4b:s4+s14], $0x20, s0, s14, $0xb8;
	[tilespmem:$0xB400] =	vst v63  }
0x1d: {  	_ =	swait.ge [sflag:s24], $0x1000  }
0x1e: {  	[sflag:s24] =	ssyncset.done $0x0  }
0x1f: {  	s26 =	simm.s32 $0x3440;
	s28 =	simm.s32 $0x3;
	[sflag:s24] =	ssyncadd.s32 $0xFFFFF000  }
0x20: {  	s29 =	simm.s32 $0x1;
	v3 =	vor.u32 s28, v0;
	v2 =	vld [tilespmem:s26+$0x20]  }
0x21: {  	v5 =	vor.u32 s29, v0;
	v4 =	vld [tilespmem:s26+$0xFFFFFFE0]  }
0x22: {  	s13 =	simm.s32 $0x2  }
0x23: {  	v7 =	vor.u32 s13, v0;
	s15 =	simm.s32 $0x0;
	v6 =	vld [tilespmem:s26+$0x0]  }
0x24: {  	s19 =	simm.s32 $0x7;
	v9 =	vor.u32 s15, v0;
	s23 =	simm.s32 $0x34C0;
	v8 =	vld [tilespmem:s26+$0xFFFFFFC0]  }
0x25: {  	v12 =	vor.u32 s19, v0;
	v11 =	vld [tilespmem:s23+$0x20];
	[tilespmem:v3+s20+$0x0] =	vst.idx.msk $0xffff, v2  }
0x26: {  	[tilespmem:v5+s20+$0x0] =	vst.idx.msk $0xffff, v4;
	v4 =	vor.u32 s28, v1;
	v3 =	vld [tilespmem:s26+$0x30]  }
0x27: {  	s30 =	simm.s32 $0x5;
	v10 =	vor.u32 s29, v1;
	v5 =	vld [tilespmem:s26+$0xFFFFFFF0]  }
0x28: {  	v14 =	vor.u32 s30, v0;
	s0 =	simm.s32 $0x6;
	v13 =	vld [tilespmem:s23+$0xFFFFFFE0];
	[tilespmem:v7+s20+$0x0] =	vst.idx.msk $0xffff, v6  }
0x29: {  	s11 =	simm.s32 $0x4;
	v16 =	vor.u32 s0, v0;
	v15 =	vld [tilespmem:s23+$0x0];
	[tilespmem:v9+s20+$0x0] =	vst.idx.msk $0xffff, v8  }
0x2a: {  	v2 =	vld [tilespmem:s23+$0xFFFFFFC0];
	v6 =	vor.u32 s11, v0;
	[tilespmem:v12+s20+$0x0] =	vst.idx.msk $0xffff, v11  }
0x2b: {  	v7 =	vor.u32 s13, v1;
	[tilespmem:v4+s20+$0x0] =	vst.idx.msk $0xffff, v3;
	v3 =	vld [tilespmem:s26+$0x10]  }
0x2c: {  	[tilespmem:v10+s20+$0x0] =	vst.idx.msk $0xffff, v5;
	v4 =	vld [tilespmem:s26+$0xFFFFFFD0];
	v5 =	vor.u32 s15, v1  }
0x2d: {  	s1 =	simm.s32 $0x8;
	[tilespmem:v14+s20+$0x0] =	vst.idx.msk $0xffff, v13;
	v9 =	vor.u32 s19, v1;
	v8 =	vld [tilespmem:s23+$0x30]  }
0x2e: {  	s10 =	simm.s32 $0x3540;
	s13 =	simm.s32 $0xB;
	v11 =	vor.u32 s30, v1;
	[tilespmem:v16+s20+$0x0] =	vst.idx.msk $0xffff, v15;
	s15 =	simm.s32 $0xC;
	v10 =	vld [tilespmem:s23+$0xFFFFFFF0]  }
.LBB2_3:
0x2f: {  	p0 =	slt.u32 s15, $0x7C;
	s19 =	sadd.s32 $0x1, s1;
	v12 =	vld [tilespmem:s10+$0x20];
	v13 =	vor.u32 s13, v0;
	[tilespmem:v6+s20+$0x0] =	vst.idx.msk $0xffff, v2  }
0x30: {  	s26 =	sadd.s32 $0x2, s1;
	v14 =	vld [tilespmem:s10+$0xFFFFFFE0];
	v15 =	vor.u32 s19, v0;
	[tilespmem:v7+s20+$0x0] =	vst.idx.msk $0xffff, v3  }
0x31: {  	v17 =	vor.u32 s26, v0;
	v16 =	vld [tilespmem:s10+$0x0];
	[tilespmem:v5+s20+$0x0] =	vst.idx.msk $0xffff, v4  }
.Ltmp0:
0x32: {  	v6 =	vor.u32 s1, v0;
	v2 =	vld [tilespmem:s10+$0xFFFFFFC0];
	[tilespmem:v9+s20+$0x0] =	vst.idx.msk $0xffff, v8;
	(pc) =	sbr.rel @p0 .LBB2_3-.Ltmp0, $4  }
0x33: {  	v7 =	vor.u32 s0, v1;
	s0 =	smov.u32 s26;
	[tilespmem:v11+s20+$0x0] =	vst.idx.msk $0xffff, v10;
	v3 =	vld [tilespmem:s23+$0x10]  }
0x34: {  	v5 =	vor.u32 s11, v1;
	s11 =	smov.u32 s1;
	s1 =	smov.u32 s15;
	[tilespmem:v13+s20+$0x0] =	vst.idx.msk $0xffff, v12;
	v4 =	vld [tilespmem:s23+$0xFFFFFFD0];
	s23 =	smov.u32 s10  }
0x35: {  	v9 =	vor.u32 s13, v1;
	[tilespmem:v15+s20+$0x0] =	vst.idx.msk $0xffff, v14;
	v8 =	vld [tilespmem:s10+$0x30]  }
0x36: {  	s15 =	sadd.s32 $0x4, s15;
	s13 =	sadd.s32 $0x3, s1;
	v11 =	vor.u32 s19, v1;
	s10 =	sadd.s32 $0x80, s10;
	v10 =	vld [tilespmem:s23+$0xFFFFFFF0];
	[tilespmem:v17+s20+$0x0] =	vst.idx.msk $0xffff, v16  }
0x37: {  	_ =	sdelay $0x3  }
0x38: {  	s15 =	sadd.s32 $0x1, s1;
	v12 =	vld [tilespmem:s10+$0x20];
	v13 =	vor.u32 s13, v0;
	[tilespmem:v6+s20+$0x0] =	vst.idx.msk $0xffff, v2  }
0x39: {  	v2 =	vld [tilespmem:s10+$0xFFFFFFE0];
	s19 =	sadd.s32 $0x2, s1;
	v6 =	vor.u32 s15, v0;
	[tilespmem:v7+s20+$0x0] =	vst.idx.msk $0xffff, v3  }
0x3a: {  	v3 =	vld [tilespmem:s10+$0x0];
	v7 =	vor.u32 s19, v0;
	[tilespmem:v5+s20+$0x0] =	vst.idx.msk $0xffff, v4  }
0x3b: {  	v4 =	vld [tilespmem:s10+$0xFFFFFFC0];
	v5 =	vor.u32 s1, v0;
	[tilespmem:v9+s20+$0x0] =	vst.idx.msk $0xffff, v8  }
0x3c: {  	v8 =	vld [tilespmem:s23+$0x10];
	v9 =	vor.u32 s0, v1;
	[tilespmem:v11+s20+$0x0] =	vst.idx.msk $0xffff, v10  }
0x3d: {  	v10 =	vld [tilespmem:s23+$0xFFFFFFD0];
	v11 =	vor.u32 s11, v1;
	[tilespmem:v13+s20+$0x0] =	vst.idx.msk $0xffff, v12  }
0x3e: {  	[tilespmem:v6+s20+$0x0] =	vst.idx.msk $0xffff, v2;
	v2 =	vld [tilespmem:s10+$0x30];
	v6 =	vor.u32 s13, v1  }
0x3f: {  	v61 =	vor.u32 s15, v1;
	[tilespmem:v7+s20+$0x0] =	vst.idx.msk $0xffff, v3;
	v60 =	vld [tilespmem:s10+$0xFFFFFFF0]  }
0x40: {  	[tilespmem:v5+s20+$0x0] =	vst.idx.msk $0xffff, v4;
	v3 =	vld [tilespmem:s10+$0x10];
	v4 =	vor.u32 s19, v1  }
0x41: {  	v7 =	vor.u32 s1, v1;
	[tilespmem:v9+s20+$0x0] =	vst.idx.msk $0xffff, v8;
	v5 =	vld [tilespmem:s10+$0xFFFFFFD0]  }
0x42: {  	[tilespmem:v11+s20+$0x0] =	vst.idx.msk $0xffff, v10  }
0x43: {  	s23 =	sshll.u32 s22, $0x13;
	[tilespmem:v6+s20+$0x0] =	vst.idx.msk $0xffff, v2  }
0x44: {  	s1 =	sor.u32 s5, s23;
	[tilespmem:v61+s20+$0x0] =	vst.idx.msk $0xffff, v60  }
0x45: {  	s26 =	sor.u32 $0x20000, s23;
	s0 =	sshrl.u32 s1, $0x3;
	[tilespmem:v4+s20+$0x0] =	vst.idx.msk $0xffff, v3  }
0x46: {  	s13 =	simm.s32 $0x0;
	s0 =	sadd.s32 s2, s0;
	s10 =	sor.u32 s5, s26;
	[tilespmem:v7+s20+$0x0] =	vst.idx.msk $0xffff, v5  }
0x47: {  	[hbm4b:s0+s13] =	stream.linear.scatter [tilespmem:s20], [sflag:$0x5], $0x400, $0x38;
	[tilespmem:$0xB400] =	vst v63  }
0x48: {  	s28 =	sor.u32 $0x40000, s23;
	s0 =	sshrl.u32 s10, $0x3  }
0x49: {  	s11 =	simm.s32 $0x7800;
	s15 =	sor.u32 s5, s28;
	s0 =	sadd.s32 s2, s0  }
0x4a: {  	[hbm4b:s0+s13] =	stream.linear.scatter [tilespmem:s11], [sflag:$0x5], $0x400, $0x38;
	[tilespmem:$0xB400] =	vst v63  }
0x4b: {  	s29 =	sor.u32 $0x60000, s23;
	s0 =	sshrl.u32 s15, $0x3  }
0x4c: {  	s24 =	sor.u32 s5, s29;
	s19 =	simm.s32 $0x7C00;
	s0 =	sadd.s32 s2, s0  }
0x4d: {  	[hbm4b:s0+s13] =	stream.linear.scatter [tilespmem:s19], [sflag:$0x5], $0x400, $0x38;
	[tilespmem:$0xB400] =	vst v63  }
0x4e: {  	s0 =	sshrl.u32 s24, $0x3  }
0x4f: {  	s30 =	simm.s32 $0x8000;
	s10 =	simm.s32 $0x2;
	s0 =	sadd.s32 s2, s0  }
0x50: {  	[hbm4b:s0+s13] =	stream.linear.scatter [tilespmem:s30], [sflag:$0x5], $0x400, $0x38;
	[tilespmem:$0xB400] =	vst v63  }
0x51: {  	_ =	swait.ge [sflag:s10], $0x1000  }
0x52: {  	[sflag:s10] =	ssyncset.done $0x0  }
0x53: {  	s11 =	simm.s32 $0x3;
	s0 =	simm.s32 $0x4470;
	[sflag:s10] =	ssyncadd.s32 $0xFFFFF000  }
0x54: {  	s15 =	simm.s32 $0x1;
	v3 =	vor.u32 s11, v0;
	v2 =	vld [tilespmem:s0+$0xFFFFFFF0]  }
0x55: {  	v5 =	vor.u32 s15, v0;
	v4 =	vld [tilespmem:s0+$0xFFFFFFB0]  }
0x56: {  	s19 =	simm.s32 $0x2  }
0x57: {  	v7 =	vor.u32 s19, v0;
	v6 =	vld [tilespmem:s0+$0xFFFFFFD0]  }
0x58: {  	s1 =	simm.s32 $0x44F0;
	v9 =	vor.u32 s13, v0;
	s30 =	simm.s32 $0x7;
	v8 =	vld [tilespmem:s0+$0xFFFFFF90]  }
0x59: {  	v62 =	vor.u32 s30, v0;
	v11 =	vld [tilespmem:s1+$0xFFFFFFF0];
	[tilespmem:v3+s25+$0x0] =	vst.idx.msk $0xffff, v2  }
0x5a: {  	[tilespmem:v5+s25+$0x0] =	vst.idx.msk $0xffff, v4;
	v4 =	vor.u32 s11, v1;
	v3 =	vld [tilespmem:s0+$0x0]  }
0x5b: {  	v10 =	vor.u32 s15, v1;
	s24 =	simm.s32 $0x5;
	v5 =	vld [tilespmem:s0+$0xFFFFFFC0]  }
0x5c: {  	v14 =	vor.u32 s24, v0;
	v63 =	vld [tilespmem:s1+$0xFFFFFFB0];
	[tilespmem:v7+s25+$0x0] =	vst.idx.msk $0xffff, v6;
	s11 =	simm.s32 $0x6  }
0x5d: {  	s10 =	simm.s32 $0x4;
	v15 =	vld [tilespmem:s1+$0xFFFFFFD0];
	[tilespmem:v9+s25+$0x0] =	vst.idx.msk $0xffff, v8;
	v16 =	vor.u32 s11, v0  }
0x5e: {  	v2 =	vld [tilespmem:s1+$0xFFFFFF90];
	v6 =	vor.u32 s10, v0;
	[tilespmem:v62+s25+$0x0] =	vst.idx.msk $0xffff, v11  }
0x5f: {  	v7 =	vor.u32 s19, v1;
	[tilespmem:v4+s25+$0x0] =	vst.idx.msk $0xffff, v3;
	v3 =	vld [tilespmem:s0+$0xFFFFFFE0]  }
0x60: {  	[tilespmem:v10+s25+$0x0] =	vst.idx.msk $0xffff, v5;
	v4 =	vld [tilespmem:s0+$0xFFFFFFA0];
	v5 =	vor.u32 s13, v1  }
0x61: {  	s15 =	simm.s32 $0xB;
	[tilespmem:v14+s25+$0x0] =	vst.idx.msk $0xffff, v63;
	v9 =	vor.u32 s30, v1;
	v8 =	vld [tilespmem:s1+$0x0]  }
0x62: {  	s19 =	simm.s32 $0xC;
	v11 =	vor.u32 s24, v1;
	s0 =	simm.s32 $0x8;
	v10 =	vld [tilespmem:s1+$0xFFFFFFC0];
	[tilespmem:v16+s25+$0x0] =	vst.idx.msk $0xffff, v15;
	s13 =	simm.s32 $0x4570  }
.LBB2_5:
0x63: {  	p0 =	slt.u32 s19, $0x7C;
	s24 =	sadd.s32 $0x1, s0;
	v12 =	vld [tilespmem:s13+$0xFFFFFFF0];
	v13 =	vor.u32 s15, v0;
	[tilespmem:v6+s25+$0x0] =	vst.idx.msk $0xffff, v2  }
0x64: {  	s30 =	sadd.s32 $0x2, s0;
	v14 =	vld [tilespmem:s13+$0xFFFFFFB0];
	v15 =	vor.u32 s24, v0;
	[tilespmem:v7+s25+$0x0] =	vst.idx.msk $0xffff, v3  }
0x65: {  	v17 =	vor.u32 s30, v0;
	v16 =	vld [tilespmem:s13+$0xFFFFFFD0];
	[tilespmem:v5+s25+$0x0] =	vst.idx.msk $0xffff, v4  }
.Ltmp1:
0x66: {  	v6 =	vor.u32 s0, v0;
	v2 =	vld [tilespmem:s13+$0xFFFFFF90];
	[tilespmem:v9+s25+$0x0] =	vst.idx.msk $0xffff, v8;
	(pc) =	sbr.rel @p0 .LBB2_5-.Ltmp1, $4  }
0x67: {  	v7 =	vor.u32 s11, v1;
	s11 =	smov.u32 s30;
	[tilespmem:v11+s25+$0x0] =	vst.idx.msk $0xffff, v10;
	v3 =	vld [tilespmem:s1+$0xFFFFFFE0]  }
0x68: {  	v5 =	vor.u32 s10, v1;
	s10 =	smov.u32 s0;
	s0 =	smov.u32 s19;
	[tilespmem:v13+s25+$0x0] =	vst.idx.msk $0xffff, v12;
	v4 =	vld [tilespmem:s1+$0xFFFFFFA0];
	s1 =	smov.u32 s13  }
0x69: {  	v9 =	vor.u32 s15, v1;
	[tilespmem:v15+s25+$0x0] =	vst.idx.msk $0xffff, v14;
	v8 =	vld [tilespmem:s13+$0x0]  }
0x6a: {  	s19 =	sadd.s32 $0x4, s19;
	s15 =	sadd.s32 $0x3, s0;
	v11 =	vor.u32 s24, v1;
	s13 =	sadd.s32 $0x80, s13;
	v10 =	vld [tilespmem:s1+$0xFFFFFFC0];
	[tilespmem:v17+s25+$0x0] =	vst.idx.msk $0xffff, v16  }
0x6b: {  	_ =	sdelay $0x3  }
0x6c: {  	s19 =	sadd.s32 $0x1, s0;
	v12 =	vld [tilespmem:s13+$0xFFFFFFF0];
	v13 =	vor.u32 s15, v0;
	[tilespmem:v6+s25+$0x0] =	vst.idx.msk $0xffff, v2  }
0x6d: {  	v2 =	vld [tilespmem:s13+$0xFFFFFFB0];
	s24 =	sadd.s32 $0x2, s0;
	v6 =	vor.u32 s19, v0;
	[tilespmem:v7+s25+$0x0] =	vst.idx.msk $0xffff, v3  }
0x6e: {  	v3 =	vld [tilespmem:s13+$0xFFFFFFD0];
	v7 =	vor.u32 s24, v0;
	[tilespmem:v5+s25+$0x0] =	vst.idx.msk $0xffff, v4  }
0x6f: {  	v4 =	vld [tilespmem:s13+$0xFFFFFF90];
	v5 =	vor.u32 s0, v0;
	[tilespmem:v9+s25+$0x0] =	vst.idx.msk $0xffff, v8  }
0x70: {  	v8 =	vld [tilespmem:s1+$0xFFFFFFE0];
	v9 =	vor.u32 s11, v1;
	[tilespmem:v11+s25+$0x0] =	vst.idx.msk $0xffff, v10  }
0x71: {  	v10 =	vld [tilespmem:s1+$0xFFFFFFA0];
	v11 =	vor.u32 s10, v1;
	[tilespmem:v13+s25+$0x0] =	vst.idx.msk $0xffff, v12  }
0x72: {  	[tilespmem:v6+s25+$0x0] =	vst.idx.msk $0xffff, v2;
	v2 =	vld [tilespmem:s13+$0x0];
	v6 =	vor.u32 s15, v1  }
0x73: {  	v61 =	vor.u32 s19, v1;
	[tilespmem:v7+s25+$0x0] =	vst.idx.msk $0xffff, v3;
	v60 =	vld [tilespmem:s13+$0xFFFFFFC0]  }
0x74: {  	[tilespmem:v5+s25+$0x0] =	vst.idx.msk $0xffff, v4;
	v3 =	vld [tilespmem:s13+$0xFFFFFFE0];
	v4 =	vor.u32 s24, v1  }
0x75: {  	v7 =	vor.u32 s0, v1;
	[tilespmem:v9+s25+$0x0] =	vst.idx.msk $0xffff, v8;
	v5 =	vld [tilespmem:s13+$0xFFFFFFA0]  }
0x76: {  	[tilespmem:v11+s25+$0x0] =	vst.idx.msk $0xffff, v10  }
0x77: {  	[tilespmem:v6+s25+$0x0] =	vst.idx.msk $0xffff, v2  }
0x78: {  	s1 =	sor.u32 s7, s23;
	[tilespmem:v61+s25+$0x0] =	vst.idx.msk $0xffff, v60  }
0x79: {  	s0 =	sshrl.u32 s1, $0x3;
	[tilespmem:v4+s25+$0x0] =	vst.idx.msk $0xffff, v3  }
0x7a: {  	s10 =	sor.u32 s7, s26;
	s0 =	sadd.s32 s2, s0;
	s13 =	simm.s32 $0x0;
	[tilespmem:v7+s25+$0x0] =	vst.idx.msk $0xffff, v5  }
0x7b: {  	[hbm4b:s0+s13] =	stream.linear.scatter [tilespmem:s25], [sflag:$0x6], $0x400, $0x38;
	[tilespmem:$0xB400] =	vst v63  }
0x7c: {  	s0 =	sshrl.u32 s10, $0x3  }
0x7d: {  	s11 =	simm.s32 $0x8800;
	s15 =	sor.u32 s7, s28;
	s0 =	sadd.s32 s2, s0  }
0x7e: {  	[hbm4b:s0+s13] =	stream.linear.scatter [tilespmem:s11], [sflag:$0x6], $0x400, $0x38;
	[tilespmem:$0xB400] =	vst v63  }
0x7f: {  	s0 =	sshrl.u32 s15, $0x3  }
0x80: {  	s19 =	simm.s32 $0x8C00;
	s24 =	sor.u32 s7, s29;
	s0 =	sadd.s32 s2, s0  }
0x81: {  	[hbm4b:s0+s13] =	stream.linear.scatter [tilespmem:s19], [sflag:$0x6], $0x400, $0x38;
	[tilespmem:$0xB400] =	vst v63  }
0x82: {  	s0 =	sshrl.u32 s24, $0x3  }
0x83: {  	s30 =	simm.s32 $0x9000;
	s10 =	simm.s32 $0x3;
	s0 =	sadd.s32 s2, s0  }
0x84: {  	[hbm4b:s0+s13] =	stream.linear.scatter [tilespmem:s30], [sflag:$0x6], $0x400, $0x38;
	[tilespmem:$0xB400] =	vst v63  }
0x85: {  	_ =	swait.ge [sflag:s10], $0x1000  }
0x86: {  	[sflag:s10] =	ssyncset.done $0x0  }
0x87: {  	s11 =	simm.s32 $0x3;
	s0 =	simm.s32 $0x5470;
	[sflag:s10] =	ssyncadd.s32 $0xFFFFF000  }
0x88: {  	s15 =	simm.s32 $0x1;
	v3 =	vor.u32 s11, v0;
	v2 =	vld [tilespmem:s0+$0xFFFFFFF0]  }
0x89: {  	v5 =	vor.u32 s15, v0;
	v4 =	vld [tilespmem:s0+$0xFFFFFFB0]  }
0x8a: {  	s19 =	simm.s32 $0x2  }
0x8b: {  	v7 =	vor.u32 s19, v0;
	v6 =	vld [tilespmem:s0+$0xFFFFFFD0]  }
0x8c: {  	s1 =	simm.s32 $0x54F0;
	v9 =	vor.u32 s13, v0;
	s24 =	simm.s32 $0x7;
	v8 =	vld [tilespmem:s0+$0xFFFFFF90]  }
0x8d: {  	v62 =	vor.u32 s24, v0;
	v11 =	vld [tilespmem:s1+$0xFFFFFFF0];
	[tilespmem:v3+s31+$0x0] =	vst.idx.msk $0xffff, v2  }
0x8e: {  	[tilespmem:v5+s31+$0x0] =	vst.idx.msk $0xffff, v4;
	v4 =	vor.u32 s11, v1;
	v3 =	vld [tilespmem:s0+$0x0]  }
0x8f: {  	v10 =	vor.u32 s15, v1;
	s30 =	simm.s32 $0x5;
	v5 =	vld [tilespmem:s0+$0xFFFFFFC0]  }
0x90: {  	v14 =	vor.u32 s30, v0;
	v63 =	vld [tilespmem:s1+$0xFFFFFFB0];
	[tilespmem:v7+s31+$0x0] =	vst.idx.msk $0xffff, v6;
	s11 =	simm.s32 $0x6  }
0x91: {  	s10 =	simm.s32 $0x4;
	v15 =	vld [tilespmem:s1+$0xFFFFFFD0];
	[tilespmem:v9+s31+$0x0] =	vst.idx.msk $0xffff, v8;
	v16 =	vor.u32 s11, v0  }
0x92: {  	v2 =	vld [tilespmem:s1+$0xFFFFFF90];
	v6 =	vor.u32 s10, v0;
	[tilespmem:v62+s31+$0x0] =	vst.idx.msk $0xffff, v11  }
0x93: {  	v7 =	vor.u32 s19, v1;
	[tilespmem:v4+s31+$0x0] =	vst.idx.msk $0xffff, v3;
	v3 =	vld [tilespmem:s0+$0xFFFFFFE0]  }
0x94: {  	[tilespmem:v10+s31+$0x0] =	vst.idx.msk $0xffff, v5;
	v4 =	vld [tilespmem:s0+$0xFFFFFFA0];
	v5 =	vor.u32 s13, v1  }
0x95: {  	s15 =	simm.s32 $0xB;
	[tilespmem:v14+s31+$0x0] =	vst.idx.msk $0xffff, v63;
	v9 =	vor.u32 s24, v1;
	v8 =	vld [tilespmem:s1+$0x0]  }
0x96: {  	s19 =	simm.s32 $0xC;
	v11 =	vor.u32 s30, v1;
	s0 =	simm.s32 $0x8;
	v10 =	vld [tilespmem:s1+$0xFFFFFFC0];
	[tilespmem:v16+s31+$0x0] =	vst.idx.msk $0xffff, v15;
	s13 =	simm.s32 $0x5570  }
.LBB2_7:
0x97: {  	p0 =	slt.u32 s19, $0x7C;
	s24 =	sadd.s32 $0x1, s0;
	v12 =	vld [tilespmem:s13+$0xFFFFFFF0];
	v13 =	vor.u32 s15, v0;
	[tilespmem:v6+s31+$0x0] =	vst.idx.msk $0xffff, v2  }
0x98: {  	s30 =	sadd.s32 $0x2, s0;
	v14 =	vld [tilespmem:s13+$0xFFFFFFB0];
	v15 =	vor.u32 s24, v0;
	[tilespmem:v7+s31+$0x0] =	vst.idx.msk $0xffff, v3  }
0x99: {  	v17 =	vor.u32 s30, v0;
	v16 =	vld [tilespmem:s13+$0xFFFFFFD0];
	[tilespmem:v5+s31+$0x0] =	vst.idx.msk $0xffff, v4  }
.Ltmp2:
0x9a: {  	v6 =	vor.u32 s0, v0;
	v2 =	vld [tilespmem:s13+$0xFFFFFF90];
	[tilespmem:v9+s31+$0x0] =	vst.idx.msk $0xffff, v8;
	(pc) =	sbr.rel @p0 .LBB2_7-.Ltmp2, $4  }
0x9b: {  	v7 =	vor.u32 s11, v1;
	s11 =	smov.u32 s30;
	[tilespmem:v11+s31+$0x0] =	vst.idx.msk $0xffff, v10;
	v3 =	vld [tilespmem:s1+$0xFFFFFFE0]  }
0x9c: {  	v5 =	vor.u32 s10, v1;
	s10 =	smov.u32 s0;
	s0 =	smov.u32 s19;
	[tilespmem:v13+s31+$0x0] =	vst.idx.msk $0xffff, v12;
	v4 =	vld [tilespmem:s1+$0xFFFFFFA0];
	s1 =	smov.u32 s13  }
0x9d: {  	v9 =	vor.u32 s15, v1;
	[tilespmem:v15+s31+$0x0] =	vst.idx.msk $0xffff, v14;
	v8 =	vld [tilespmem:s13+$0x0]  }
0x9e: {  	s19 =	sadd.s32 $0x4, s19;
	s15 =	sadd.s32 $0x3, s0;
	v11 =	vor.u32 s24, v1;
	s13 =	sadd.s32 $0x80, s13;
	v10 =	vld [tilespmem:s1+$0xFFFFFFC0];
	[tilespmem:v17+s31+$0x0] =	vst.idx.msk $0xffff, v16  }
0x9f: {  	_ =	sdelay $0x3  }
0xa0: {  	s19 =	sadd.s32 $0x1, s0;
	v12 =	vld [tilespmem:s13+$0xFFFFFFF0];
	v13 =	vor.u32 s15, v0;
	[tilespmem:v6+s31+$0x0] =	vst.idx.msk $0xffff, v2  }
0xa1: {  	v2 =	vld [tilespmem:s13+$0xFFFFFFB0];
	s24 =	sadd.s32 $0x2, s0;
	v6 =	vor.u32 s19, v0;
	[tilespmem:v7+s31+$0x0] =	vst.idx.msk $0xffff, v3  }
0xa2: {  	v3 =	vld [tilespmem:s13+$0xFFFFFFD0];
	v7 =	vor.u32 s24, v0;
	[tilespmem:v5+s31+$0x0] =	vst.idx.msk $0xffff, v4  }
0xa3: {  	v4 =	vld [tilespmem:s13+$0xFFFFFF90];
	v5 =	vor.u32 s0, v0;
	[tilespmem:v9+s31+$0x0] =	vst.idx.msk $0xffff, v8  }
0xa4: {  	v8 =	vld [tilespmem:s1+$0xFFFFFFE0];
	v9 =	vor.u32 s11, v1;
	[tilespmem:v11+s31+$0x0] =	vst.idx.msk $0xffff, v10  }
0xa5: {  	v10 =	vld [tilespmem:s1+$0xFFFFFFA0];
	v11 =	vor.u32 s10, v1;
	[tilespmem:v13+s31+$0x0] =	vst.idx.msk $0xffff, v12  }
0xa6: {  	[tilespmem:v6+s31+$0x0] =	vst.idx.msk $0xffff, v2;
	v2 =	vld [tilespmem:s13+$0x0];
	v6 =	vor.u32 s15, v1  }
0xa7: {  	v61 =	vor.u32 s19, v1;
	[tilespmem:v7+s31+$0x0] =	vst.idx.msk $0xffff, v3;
	v60 =	vld [tilespmem:s13+$0xFFFFFFC0]  }
0xa8: {  	[tilespmem:v5+s31+$0x0] =	vst.idx.msk $0xffff, v4;
	v3 =	vld [tilespmem:s13+$0xFFFFFFE0];
	v4 =	vor.u32 s24, v1  }
0xa9: {  	v7 =	vor.u32 s0, v1;
	[tilespmem:v9+s31+$0x0] =	vst.idx.msk $0xffff, v8;
	v5 =	vld [tilespmem:s13+$0xFFFFFFA0]  }
0xaa: {  	[tilespmem:v11+s31+$0x0] =	vst.idx.msk $0xffff, v10  }
0xab: {  	[tilespmem:v6+s31+$0x0] =	vst.idx.msk $0xffff, v2  }
0xac: {  	s13 =	sor.u32 s8, s23;
	[tilespmem:v61+s31+$0x0] =	vst.idx.msk $0xffff, v60  }
0xad: {  	s0 =	sshrl.u32 s13, $0x3;
	[tilespmem:v4+s31+$0x0] =	vst.idx.msk $0xffff, v3  }
0xae: {  	s15 =	sor.u32 s8, s26;
	s13 =	simm.s32 $0x0;
	s0 =	sadd.s32 s2, s0;
	[tilespmem:v7+s31+$0x0] =	vst.idx.msk $0xffff, v5  }
0xaf: {  	[hbm4b:s0+s13] =	stream.linear.scatter [tilespmem:s31], [sflag:$0x7], $0x400, $0x38;
	[tilespmem:$0xB400] =	vst v63  }
0xb0: {  	s0 =	sshrl.u32 s15, $0x3  }
0xb1: {  	s19 =	simm.s32 $0x9800;
	s24 =	sor.u32 s8, s28;
	s0 =	sadd.s32 s2, s0  }
0xb2: {  	[hbm4b:s0+s13] =	stream.linear.scatter [tilespmem:s19], [sflag:$0x7], $0x400, $0x38;
	[tilespmem:$0xB400] =	vst v63  }
0xb3: {  	s0 =	sshrl.u32 s24, $0x3  }
0xb4: {  	s30 =	simm.s32 $0x9C00;
	s1 =	sor.u32 s8, s29;
	s0 =	sadd.s32 s2, s0  }
0xb5: {  	[hbm4b:s0+s13] =	stream.linear.scatter [tilespmem:s30], [sflag:$0x7], $0x400, $0x38;
	[tilespmem:$0xB400] =	vst v63  }
0xb6: {  	s0 =	sshrl.u32 s1, $0x3  }
0xb7: {  	s10 =	simm.s32 $0xA000;
	s0 =	sadd.s32 s2, s0  }
0xb8: {  	[hbm4b:s0+s13] =	stream.linear.scatter [tilespmem:s10], [sflag:$0x7], $0x400, $0x38;
	[tilespmem:$0xB400] =	vst v63  }
0xb9: {  	_ =	swait.ge [sflag:s12], $0x1000  }
0xba: {  	[sflag:s12] =	ssyncset.done $0x0  }
0xbb: {  	s11 =	simm.s32 $0x3;
	s0 =	simm.s32 $0x6470;
	[sflag:s12] =	ssyncadd.s32 $0xFFFFF000  }
0xbc: {  	v3 =	vor.u32 s11, v0;
	s15 =	simm.s32 $0x1;
	v2 =	vld [tilespmem:s0+$0xFFFFFFF0]  }
0xbd: {  	v5 =	vor.u32 s15, v0;
	v4 =	vld [tilespmem:s0+$0xFFFFFFB0]  }
0xbe: {  	s19 =	simm.s32 $0x2  }
0xbf: {  	v7 =	vor.u32 s19, v0;
	v6 =	vld [tilespmem:s0+$0xFFFFFFD0]  }
0xc0: {  	v9 =	vor.u32 s13, v0;
	s24 =	simm.s32 $0x7;
	s1 =	simm.s32 $0x64F0;
	v8 =	vld [tilespmem:s0+$0xFFFFFF90]  }
0xc1: {  	v62 =	vor.u32 s24, v0;
	v11 =	vld [tilespmem:s1+$0xFFFFFFF0];
	[tilespmem:v3+s6+$0x0] =	vst.idx.msk $0xffff, v2  }
0xc2: {  	[tilespmem:v5+s6+$0x0] =	vst.idx.msk $0xffff, v4;
	v4 =	vor.u32 s11, v1;
	v3 =	vld [tilespmem:s0+$0x0]  }
0xc3: {  	v10 =	vor.u32 s15, v1;
	s30 =	simm.s32 $0x5;
	v5 =	vld [tilespmem:s0+$0xFFFFFFC0]  }
0xc4: {  	v14 =	vor.u32 s30, v0;
	v63 =	vld [tilespmem:s1+$0xFFFFFFB0];
	[tilespmem:v7+s6+$0x0] =	vst.idx.msk $0xffff, v6;
	s11 =	simm.s32 $0x6  }
0xc5: {  	s10 =	simm.s32 $0x4;
	v15 =	vld [tilespmem:s1+$0xFFFFFFD0];
	[tilespmem:v9+s6+$0x0] =	vst.idx.msk $0xffff, v8;
	v16 =	vor.u32 s11, v0  }
0xc6: {  	v2 =	vld [tilespmem:s1+$0xFFFFFF90];
	v6 =	vor.u32 s10, v0;
	[tilespmem:v62+s6+$0x0] =	vst.idx.msk $0xffff, v11  }
0xc7: {  	v7 =	vor.u32 s19, v1;
	[tilespmem:v4+s6+$0x0] =	vst.idx.msk $0xffff, v3;
	v3 =	vld [tilespmem:s0+$0xFFFFFFE0]  }
0xc8: {  	[tilespmem:v10+s6+$0x0] =	vst.idx.msk $0xffff, v5;
	v4 =	vld [tilespmem:s0+$0xFFFFFFA0];
	v5 =	vor.u32 s13, v1  }
0xc9: {  	s15 =	simm.s32 $0xB;
	[tilespmem:v14+s6+$0x0] =	vst.idx.msk $0xffff, v63;
	v9 =	vor.u32 s24, v1;
	v8 =	vld [tilespmem:s1+$0x0]  }
0xca: {  	s19 =	simm.s32 $0xC;
	v11 =	vor.u32 s30, v1;
	s0 =	simm.s32 $0x8;
	v10 =	vld [tilespmem:s1+$0xFFFFFFC0];
	[tilespmem:v16+s6+$0x0] =	vst.idx.msk $0xffff, v15;
	s13 =	simm.s32 $0x6570  }
.LBB2_9:
0xcb: {  	p0 =	slt.u32 s19, $0x7C;
	s24 =	sadd.s32 $0x1, s0;
	v12 =	vld [tilespmem:s13+$0xFFFFFFF0];
	v13 =	vor.u32 s15, v0;
	[tilespmem:v6+s6+$0x0] =	vst.idx.msk $0xffff, v2  }
0xcc: {  	s30 =	sadd.s32 $0x2, s0;
	v14 =	vld [tilespmem:s13+$0xFFFFFFB0];
	v15 =	vor.u32 s24, v0;
	[tilespmem:v7+s6+$0x0] =	vst.idx.msk $0xffff, v3  }
0xcd: {  	v17 =	vor.u32 s30, v0;
	v16 =	vld [tilespmem:s13+$0xFFFFFFD0];
	[tilespmem:v5+s6+$0x0] =	vst.idx.msk $0xffff, v4  }
.Ltmp3:
0xce: {  	v6 =	vor.u32 s0, v0;
	v2 =	vld [tilespmem:s13+$0xFFFFFF90];
	[tilespmem:v9+s6+$0x0] =	vst.idx.msk $0xffff, v8;
	(pc) =	sbr.rel @p0 .LBB2_9-.Ltmp3, $4  }
0xcf: {  	v7 =	vor.u32 s11, v1;
	s11 =	smov.u32 s30;
	[tilespmem:v11+s6+$0x0] =	vst.idx.msk $0xffff, v10;
	v3 =	vld [tilespmem:s1+$0xFFFFFFE0]  }
0xd0: {  	v5 =	vor.u32 s10, v1;
	s10 =	smov.u32 s0;
	s0 =	smov.u32 s19;
	[tilespmem:v13+s6+$0x0] =	vst.idx.msk $0xffff, v12;
	v4 =	vld [tilespmem:s1+$0xFFFFFFA0];
	s1 =	smov.u32 s13  }
0xd1: {  	v9 =	vor.u32 s15, v1;
	[tilespmem:v15+s6+$0x0] =	vst.idx.msk $0xffff, v14;
	v8 =	vld [tilespmem:s13+$0x0]  }
0xd2: {  	s19 =	sadd.s32 $0x4, s19;
	s15 =	sadd.s32 $0x3, s0;
	v11 =	vor.u32 s24, v1;
	s13 =	sadd.s32 $0x80, s13;
	v10 =	vld [tilespmem:s1+$0xFFFFFFC0];
	[tilespmem:v17+s6+$0x0] =	vst.idx.msk $0xffff, v16  }
0xd3: {  	_ =	sdelay $0x2  }
0xd4: {  	v12 =	vld [tilespmem:s13+$0xFFFFFFF0];
	v13 =	vor.u32 s15, v0  }
0xd5: {  	s19 =	sadd.s32 $0x1, s0;
	[tilespmem:v6+s6+$0x0] =	vst.idx.msk $0xffff, v2;
	v53 =	vld [tilespmem:s13+$0xFFFFFF90];
	v54 =	vor.u32 s0, v0  }
0xd6: {  	v2 =	vld [tilespmem:s13+$0xFFFFFFB0];
	v51 =	vor.u32 s19, v0;
	[tilespmem:v7+s6+$0x0] =	vst.idx.msk $0xffff, v3  }
0xd7: {  	s24 =	sadd.s32 $0x2, s0;
	[tilespmem:v5+s6+$0x0] =	vst.idx.msk $0xffff, v4  }
0xd8: {  	v3 =	vld [tilespmem:s13+$0xFFFFFFD0];
	v52 =	vor.u32 s24, v0;
	[tilespmem:v9+s6+$0x0] =	vst.idx.msk $0xffff, v8  }
0xd9: {  	v55 =	vld [tilespmem:s1+$0xFFFFFFE0];
	v56 =	vor.u32 s11, v1;
	[tilespmem:v13+s6+$0x0] =	vst.idx.msk $0xffff, v12  }
0xda: {  	v58 =	vor.u32 s10, v1;
	v57 =	vld [tilespmem:s1+$0xFFFFFFA0];
	[tilespmem:v54+s6+$0x0] =	vst.idx.msk $0xffff, v53  }
0xdb: {  	v59 =	vor.u32 s15, v1;
	[tilespmem:v51+s6+$0x0] =	vst.idx.msk $0xffff, v2;
	v2 =	vld [tilespmem:s13+$0x0]  }
0xdc: {  	v63 =	vor.u32 s0, v1;
	[tilespmem:v11+s6+$0x0] =	vst.idx.msk $0xffff, v10;
	v5 =	vld [tilespmem:s13+$0xFFFFFFA0]  }
0xdd: {  	v61 =	vor.u32 s19, v1;
	[tilespmem:v52+s6+$0x0] =	vst.idx.msk $0xffff, v3;
	v60 =	vld [tilespmem:s13+$0xFFFFFFC0]  }
0xde: {  	v62 =	vor.u32 s24, v1;
	[tilespmem:v56+s6+$0x0] =	vst.idx.msk $0xffff, v55;
	v3 =	vld [tilespmem:s13+$0xFFFFFFE0]  }
0xdf: {  	[tilespmem:v58+s6+$0x0] =	vst.idx.msk $0xffff, v57  }
0xe0: {  	[tilespmem:v59+s6+$0x0] =	vst.idx.msk $0xffff, v2  }
0xe1: {  	s19 =	sor.u32 s9, s23;
	[tilespmem:v63+s6+$0x0] =	vst.idx.msk $0xffff, v5  }
0xe2: {  	s0 =	sshrl.u32 s19, $0x3;
	[tilespmem:v61+s6+$0x0] =	vst.idx.msk $0xffff, v60  }
0xe3: {  	s23 =	sor.u32 s9, s26;
	s0 =	sadd.s32 s2, s0;
	[tilespmem:v62+s6+$0x0] =	vst.idx.msk $0xffff, v3  }
0xe4: {  	[hbm4b:s0+s3] =	stream.linear.scatter [tilespmem:s6], [sflag:$0x8], $0x400, $0x38;
	[tilespmem:$0xB400] =	vst v63  }
0xe5: {  	s0 =	sshrl.u32 s23, $0x3  }
0xe6: {  	s24 =	simm.s32 $0xA800;
	s26 =	sor.u32 s9, s28;
	s0 =	sadd.s32 s2, s0  }
0xe7: {  	[hbm4b:s0+s3] =	stream.linear.scatter [tilespmem:s24], [sflag:$0x8], $0x400, $0x38;
	[tilespmem:$0xB400] =	vst v63  }
0xe8: {  	s0 =	sshrl.u32 s26, $0x3  }
0xe9: {  	s29 =	sor.u32 s9, s29;
	s28 =	simm.s32 $0xAC00;
	s0 =	sadd.s32 s2, s0  }
0xea: {  	[hbm4b:s0+s3] =	stream.linear.scatter [tilespmem:s28], [sflag:$0x8], $0x400, $0x38;
	[tilespmem:$0xB400] =	vst v63  }
0xeb: {  	s0 =	sshrl.u32 s29, $0x3  }
0xec: {  	s30 =	simm.s32 $0xB000;
	s0 =	sadd.s32 s2, s0  }
0xed: {  	[hbm4b:s0+s3] =	stream.linear.scatter [tilespmem:s30], [sflag:$0x8], $0x400, $0x38;
	[tilespmem:$0xB400] =	vst v63  }
0xee: {  	_ =	swait.ge [sflag:s16], $0x400  }
0xef: {  	[sflag:s16] =	ssyncset.done $0x0  }
0xf0: {  	[sflag:s16] =	ssyncadd.s32 $0xFFFFFC00  }
0xf1: {  	_ =	swait.ge [sflag:s16], $0x400  }
0xf2: {  	[sflag:s16] =	ssyncset.done $0x0  }
0xf3: {  	[sflag:s16] =	ssyncadd.s32 $0xFFFFFC00  }
0xf4: {  	_ =	swait.ge [sflag:s16], $0x400  }
0xf5: {  	[sflag:s16] =	ssyncset.done $0x0  }
0xf6: {  	[sflag:s16] =	ssyncadd.s32 $0xFFFFFC00  }
0xf7: {  	_ =	swait.ge [sflag:s16], $0x400  }
0xf8: {  	[sflag:s16] =	ssyncset.done $0x0  }
0xf9: {  	[sflag:s16] =	ssyncadd.s32 $0xFFFFFC00  }
0xfa: {  	_ =	swait.ge [sflag:s17], $0x400  }
0xfb: {  	[sflag:s17] =	ssyncset.done $0x0  }
0xfc: {  	[sflag:s17] =	ssyncadd.s32 $0xFFFFFC00  }
0xfd: {  	_ =	swait.ge [sflag:s17], $0x400  }
0xfe: {  	[sflag:s17] =	ssyncset.done $0x0  }
0xff: {  	[sflag:s17] =	ssyncadd.s32 $0xFFFFFC00  }
0x100: {  	_ =	swait.ge [sflag:s17], $0x400  }
0x101: {  	[sflag:s17] =	ssyncset.done $0x0  }
0x102: {  	[sflag:s17] =	ssyncadd.s32 $0xFFFFFC00  }
0x103: {  	_ =	swait.ge [sflag:s17], $0x400  }
0x104: {  	[sflag:s17] =	ssyncset.done $0x0  }
0x105: {  	[sflag:s17] =	ssyncadd.s32 $0xFFFFFC00  }
0x106: {  	_ =	swait.ge [sflag:s18], $0x400  }
0x107: {  	[sflag:s18] =	ssyncset.done $0x0  }
0x108: {  	[sflag:s18] =	ssyncadd.s32 $0xFFFFFC00  }
0x109: {  	_ =	swait.ge [sflag:s18], $0x400  }
0x10a: {  	[sflag:s18] =	ssyncset.done $0x0  }
0x10b: {  	[sflag:s18] =	ssyncadd.s32 $0xFFFFFC00  }
0x10c: {  	_ =	swait.ge [sflag:s18], $0x400  }
0x10d: {  	[sflag:s18] =	ssyncset.done $0x0  }
0x10e: {  	[sflag:s18] =	ssyncadd.s32 $0xFFFFFC00  }
0x10f: {  	_ =	swait.ge [sflag:s18], $0x400  }
0x110: {  	[sflag:s18] =	ssyncset.done $0x0  }
0x111: {  	[sflag:s18] =	ssyncadd.s32 $0xFFFFFC00  }
0x112: {  	_ =	swait.ge [sflag:s21], $0x400  }
0x113: {  	[sflag:s21] =	ssyncset.done $0x0  }
0x114: {  	[sflag:s21] =	ssyncadd.s32 $0xFFFFFC00  }
0x115: {  	_ =	swait.ge [sflag:s21], $0x400  }
0x116: {  	[sflag:s21] =	ssyncset.done $0x0  }
0x117: {  	s22 =	sadd.s32 $0x1, s22;
	[sflag:s21] =	ssyncadd.s32 $0xFFFFFC00  }
0x118: {  	p0 =	sne.s32 s22, $0x1A;
	_ =	swait.ge [sflag:s21], $0x400  }
.Ltmp4:
0x119: {  	[sflag:s21] =	ssyncset.done $0x0;
	(pc) =	sbr.rel @p0 .LBB2_2-.Ltmp4, $4  }
0x11a: {  	[sflag:s21] =	ssyncadd.s32 $0xFFFFFC00  }
0x11b: {  	_ =	swait.ge [sflag:s21], $0x400  }
0x11c: {  	[sflag:s21] =	ssyncset.done $0x0  }
0x11d: {  	[sflag:s21] =	ssyncadd.s32 $0xFFFFFC00  }
0x11e: {  	s1 =	rddreg [dreg:$0x5]  }
0x11f: {  	s0 =	rddreg [dreg:$0x4];
	s1 =	sadd.s32 $0x1, s1  }
0x120: {  	p0 =	sne.s32 s1, s0  }
.Ltmp5:
0x121: {  	_ = 	snop;
	(pc) =	sbr.rel @p0 .LBB2_1-.Ltmp5, $1  }
0x122: {  	_ =	sdelay $0x3  }
0x123: {  	_ =	sfence.sel $0x180000  }
0x124: {  	[bflag:$0x0] =	sbarrier.arrive $0xFFFF  }
0x125: {  	_ =	strace $0x9000004A  }
0x126: {  	s0 =	stileid.u32;
	[bflag:$0x2] =	sbarrier.arrive $0xFFFF  }
0x127: {  	p0 =	sne.s32 s0, $0x0;
	s0 =	rddreg [dreg:$0x2]  }
0x128: {  	s0 =	sadd.s32 @!p0 $0x100000, s0  }
0x129: {  	[sflag:s0] =	ssyncadd.tile.s32 @!p0 $0x1;
	_ =	shalt  }
.Lfunc_end2:
_tile_overlayer_lowered:
.L_overlay_start_2:
0x12a: {  	(tag) =	ssettag $0x2  }
0x12b: {  	s0 =	rddreg [dreg:$0x0];
	s2 =	stileid.u32  }
0x12c: {  	s1 =	rddreg [dreg:$0x1];
	p0 =	sne.s32 s2, $0x0  }
0x12d: {  	s3 =	rddreg [dreg:$0x2];
	[bflag:$0x3] =	sbarrier.arrive $0xFFFF;
	s2 =	simm.s32 @!p0 $0x1C09  }
0x12e: {  	[timem:s3], [sflag:s2] =	dma.local @!p0 [hbm:s0], s1  }
0x12f: {  	s0 =	simm.s32 @!p0 $0x9  }
0x130: {  	_ =	swait.ge @!p0 [sflag:s0], s1  }
0x131: {  	s1 =	ssub.s32 @!p0 $0x0, s1;
	[sflag:s0] =	ssyncset.done @!p0 $0x0  }
0x132: {  	[sflag:s0] =	ssyncadd.s32 @!p0 s1  }
0x133: {  	[bflag:$0x3] =	sbarrier.arrive $0xFFFF  }
0x134: {  	_ =	shalt  }

</sc_bundles>
